<compile_context>
chip_gen: v7x
topology: tpu7x:2x2x1
jax: 0.10.2.dev20260603
libtpu: 0.0.44.dev20260713+nightly
codegen_flags: <defaults>
</compile_context>

<pallas_src>
import functools

import jax
import jax.numpy as jnp
import numpy as np
from jax import lax
from jax.experimental import pallas as pl
from jax.experimental.pallas import tpu as pltpu
from jax.experimental.pallas import tpu_sc as plsc

N = 10000
E = 320000
DI = 128
DH = 128
DO = 64

NP = 10240
NC = 2
NS = 16
NW = NC * NS
B = 512
NB = 20
NB2 = 40
NCH = 2
NBC = NB2 // NCH
EP = NW * NB * B
RPS = NP // NS


@functools.lru_cache(maxsize=None)
def _mesh():
    return plsc.VectorSubcoreMesh(
        core_axis_name="c", subcore_axis_name="s", num_cores=NC, num_subcores=NS
    )


def _deg_body(init_hbm, dst_hbm, out_hbm, dst_v, ones_v, acc, sem):
    c = lax.axis_index("c")
    s = lax.axis_index("s")
    wid = s * NC + c
    pltpu.sync_copy(dst_hbm.at[wid], dst_v)
    for t in range(B // 16):
        ones_v[pl.ds(t * 16, 16)] = jnp.ones((16,), jnp.float32)
    pltpu.sync_copy(init_hbm.at[c, pl.ds(s * RPS, RPS)], acc.at[pl.ds(s * RPS, RPS)])
    plsc.subcore_barrier()

    def body(j, carry):
        pltpu.sync_copy(ones_v, acc.at[dst_v.at[j]], add=True)
        return carry

    lax.fori_loop(0, NB, body, 0)
    plsc.subcore_barrier()
    pltpu.sync_copy(acc.at[pl.ds(s * RPS, RPS)], out_hbm.at[c, pl.ds(s * RPS, RPS)])


@functools.lru_cache(maxsize=None)
def _deg_kernel():
    return pl.kernel(
        _deg_body,
        out_type=jax.ShapeDtypeStruct((NC, NP), jnp.float32),
        mesh=_mesh(),
        scratch_types=[
            pltpu.VMEM((NB, B), jnp.int32),
            pltpu.VMEM((B,), jnp.float32),
            pltpu.VMEM_SHARED((NP,), jnp.float32),
            pltpu.SemaphoreType.DMA,
        ],
        compiler_params=pltpu.CompilerParams(use_tc_tiling_on_sc=False),
    )


def _agg_body(ys_hbm, src0_hbm, dst_hbm, out_hbm,
              src_v, dst_v, rows0_v, rows1_v, acc, sg0, sg1):
    c = lax.axis_index("c")
    s = lax.axis_index("s")

    tbl = ys_hbm.at[pl.ds(c * NP, NP)]

    pltpu.sync_copy(ys_hbm.at[pl.ds(c * NP + s * RPS, RPS)],
                    acc.at[pl.ds(s * RPS, RPS)])
    plsc.subcore_barrier()

    def body(jj, carry):
        j = jj * 2
        d1 = pltpu.async_copy(tbl.at[src_v.at[j + 1]], rows1_v, sg1)
        pltpu.make_async_copy(tbl.at[src_v.at[0]], rows0_v, sg0).wait()
        pltpu.sync_copy(rows0_v, acc.at[dst_v.at[j]], add=True)

        @pl.when(jj + 1 < NBC // 2)
        def _():
            pltpu.async_copy(tbl.at[src_v.at[j + 2]], rows0_v, sg0)

        d1.wait()
        pltpu.sync_copy(rows1_v, acc.at[dst_v.at[j + 1]], add=True)
        return carry

    for ch in range(NCH):
        pltpu.sync_copy(src0_hbm.at[s, pl.ds(ch * NBC, NBC)], src_v)
        pltpu.sync_copy(dst_hbm.at[s, pl.ds(ch * NBC, NBC)], dst_v)
        pltpu.async_copy(tbl.at[src_v.at[0]], rows0_v, sg0)
        lax.fori_loop(0, NBC // 2, body, 0)

    plsc.subcore_barrier()
    pltpu.sync_copy(acc.at[pl.ds(s * RPS, RPS)], out_hbm.at[c, pl.ds(s * RPS, RPS)])


@functools.lru_cache(maxsize=None)
def _make_agg(d):
    return pl.kernel(
        _agg_body,
        out_type=jax.ShapeDtypeStruct((NC, NP, d), jnp.float32),
        mesh=_mesh(),
        scratch_types=[
            pltpu.VMEM((NBC, B), jnp.int32),
            pltpu.VMEM((NBC, B), jnp.int32),
            pltpu.VMEM((B, d), jnp.float32),
            pltpu.VMEM((B, d), jnp.float32),
            pltpu.VMEM_SHARED((NP, d), jnp.float32),
            pltpu.SemaphoreType.DMA,
            pltpu.SemaphoreType.DMA,
        ],
        compiler_params=pltpu.CompilerParams(use_tc_tiling_on_sc=False),
    )


def _tc_mm_body(x_ref, w0_ref, w1_ref, xw_ref):
    x = x_ref[...]
    xw_ref[0] = jnp.dot(x, w0_ref[...], preferred_element_type=jnp.float32)
    xw_ref[1] = jnp.dot(x, w1_ref[...], preferred_element_type=jnp.float32)


def _tc_pre_body(xw_ref, dp_ref, ys_ref, dis_ref):
    deg = dp_ref[0] + dp_ref[1]
    dis_c = jnp.where(deg > 0.0, lax.rsqrt(deg), 0.0).reshape(NP, 1)
    ys_ref[0] = xw_ref[0] * dis_c
    ys_ref[1] = xw_ref[1] * dis_c
    dis_ref[...] = dis_c


def _tc_mid_body(p_ref, dis_ref, b10_ref, b11_ref,
                 w00_ref, w01_ref, w10_ref, w11_ref, ys2_ref):
    dis = dis_ref[...]
    h0 = jnp.maximum(dis * p_ref[0] + b10_ref[...], 0.0)
    h1 = jnp.maximum(dis * p_ref[1] + b11_ref[...], 0.0)
    hw0 = (jnp.dot(h0, w00_ref[...], preferred_element_type=jnp.float32)
           + jnp.dot(h1, w10_ref[...], preferred_element_type=jnp.float32))
    hw1 = (jnp.dot(h0, w01_ref[...], preferred_element_type=jnp.float32)
           + jnp.dot(h1, w11_ref[...], preferred_element_type=jnp.float32))
    ys2_ref[0] = hw0 * dis
    ys2_ref[1] = hw1 * dis


def _tc_post_body(q_ref, dis_ref, b2_ref, out_ref):
    agg = jnp.concatenate([q_ref[0], q_ref[1]], axis=1)
    out_ref[...] = dis_ref[...] * agg + b2_ref[...]


def _tc_mm(x_pad, W1a, W1b):
    return pl.pallas_call(
        _tc_mm_body,
        in_specs=[
            pl.BlockSpec((NP, DI), lambda: (0, 0)),
            pl.BlockSpec((DI, DH // 2), lambda: (0, 0)),
            pl.BlockSpec((DI, DH // 2), lambda: (0, 0)),
        ],
        out_specs=pl.BlockSpec((NC, NP, DH // 2), lambda: (0, 0, 0)),
        out_shape=jax.ShapeDtypeStruct((NC, NP, DH // 2), jnp.float32),
    )(x_pad, W1a, W1b)


def _tc_pre(xw, degp):
    return pl.pallas_call(
        _tc_pre_body,
        in_specs=[
            pl.BlockSpec((NC, NP, DH // 2), lambda: (0, 0, 0)),
            pl.BlockSpec((NC, NP), lambda: (0, 0)),
        ],
        out_specs=[
            pl.BlockSpec((NC, NP, DH // 2), lambda: (0, 0, 0)),
            pl.BlockSpec((NP, 1), lambda: (0, 0)),
        ],
        out_shape=[
            jax.ShapeDtypeStruct((NC, NP, DH // 2), jnp.float32),
            jax.ShapeDtypeStruct((NP, 1), jnp.float32),
        ],
    )(xw, degp)


def _tc_mid(p, dis, b10, b11, W2s):
    return pl.pallas_call(
        _tc_mid_body,
        in_specs=[
            pl.BlockSpec((NC, NP, DH // 2), lambda: (0, 0, 0)),
            pl.BlockSpec((NP, 1), lambda: (0, 0)),
            pl.BlockSpec((1, DH // 2), lambda: (0, 0)),
            pl.BlockSpec((1, DH // 2), lambda: (0, 0)),
            pl.BlockSpec((DH // 2, DO // 2), lambda: (0, 0)),
            pl.BlockSpec((DH // 2, DO // 2), lambda: (0, 0)),
            pl.BlockSpec((DH // 2, DO // 2), lambda: (0, 0)),
            pl.BlockSpec((DH // 2, DO // 2), lambda: (0, 0)),
        ],
        out_specs=pl.BlockSpec((NC, NP, DO // 2), lambda: (0, 0, 0)),
        out_shape=jax.ShapeDtypeStruct((NC, NP, DO // 2), jnp.float32),
    )(p, dis, b10, b11, *W2s)


def _tc_post(q, dis, b2):
    R = 1000
    return pl.pallas_call(
        _tc_post_body,
        grid=(N // R,),
        in_specs=[
            pl.BlockSpec((NC, R, DO // 2), lambda i: (0, i, 0)),
            pl.BlockSpec((R, 1), lambda i: (i, 0)),
            pl.BlockSpec((1, DO), lambda i: (0, 0)),
        ],
        out_specs=pl.BlockSpec((R, DO), lambda i: (i, 0)),
        out_shape=jax.ShapeDtypeStruct((N, DO), jnp.float32),
    )(q, dis, b2)


_PAD_EDGES = np.stack([
    np.asarray((np.arange(EP - E) * 97) % N, np.int32),
    np.asarray(N + np.arange(EP - E) % (NP - N), np.int32),
])


def kernel(x, edge_index, W1, b1, W2, b2):
    ei = jnp.concatenate([edge_index.astype(jnp.int32),
                          jnp.asarray(_PAD_EDGES)], axis=1)
    dst_deg = ei[1].reshape(NW, NB, B)
    src_r0 = ei[0].reshape(NS, NB2, B)
    dst_r = ei[1].reshape(NS, NB2, B)

    x_pad = jnp.pad(x, ((0, NP - N), (0, 0)))
    deg_init = jnp.concatenate(
        [jnp.ones((1, NP), jnp.float32), jnp.zeros((1, NP), jnp.float32)]
    )
    h = DH // 2
    ho = DO // 2

    degp = _deg_kernel()(deg_init, dst_deg)
    xw = _tc_mm(x_pad, W1[:, :h], W1[:, h:])
    ys, dis = _tc_pre(xw, degp)
    ys_cat = ys.reshape(NC * NP, h)
    p = _make_agg(h)(ys_cat, src_r0, dst_r)
    W2s = (W2[:h, :ho], W2[:h, ho:], W2[h:, :ho], W2[h:, ho:])
    ys2 = _tc_mid(p, dis, b1.reshape(1, DH)[:, :h], b1.reshape(1, DH)[:, h:], W2s)
    ys2_cat = ys2.reshape(NC * NP, ho)
    q = _make_agg(ho)(ys2_cat, src_r0, dst_r)
    out = _tc_post(q, dis, b2.reshape(1, DO))
    return out

# --- scband reference (transcript-rebuilt; emitter-appended) ---
"""Pipeline reference for scband-gcn-17188459118832 (READ-ONLY COPY).

The authoritative reference and input builder live on the scoring server;
editing this copy changes nothing except your own understanding.
"""

import jax, jax.numpy as jnp
import numpy as np

N_NODES = 10000
N_EDGES = 320000
D_IN = 128
D_HID = 128
D_OUT = 64


def setup_inputs(seed: int = 0) -> dict:
    key = jax.random.key(seed)
    k1, k2, k3, k4, k5, k6 = jax.random.split(key, 6)
    x = jax.random.normal(k1, (N_NODES, D_IN), dtype=jnp.float32)
    edge_index = jax.random.randint(k2, (2, N_EDGES), 0, N_NODES, dtype=jnp.int64)
    W1 = jax.random.normal(k3, (D_IN, D_HID), dtype=jnp.float32) * (1.0 / np.sqrt(D_IN))
    b1 = jnp.zeros((D_HID,), dtype=jnp.float32)
    W2 = jax.random.normal(k4, (D_HID, D_OUT), dtype=jnp.float32) * (1.0 / np.sqrt(D_HID))
    b2 = jnp.zeros((D_OUT,), dtype=jnp.float32)
    return {"x": x, "edge_index": edge_index, "W1": W1, "b1": b1, "W2": W2, "b2": b2}


def _gcn_conv(x, edge_index, W, b, num_nodes):
    # Faithful PyG GCNConv: add self-loops, symmetric normalization, scatter-add aggregation
    src = edge_index[0]
    dst = edge_index[1]
    loop = jnp.arange(num_nodes, dtype=src.dtype)
    src = jnp.concatenate([src, loop])
    dst = jnp.concatenate([dst, loop])
    deg = jnp.zeros((num_nodes,), dtype=x.dtype).at[dst].add(1.0)
    deg_inv_sqrt = jnp.where(deg > 0, deg ** -0.5, 0.0)
    norm = deg_inv_sqrt[src] * deg_inv_sqrt[dst]
    xw = x @ W
    msgs = xw[src] * norm[:, None]
    out = jnp.zeros((num_nodes, xw.shape[1]), dtype=x.dtype).at[dst].add(msgs)
    return out + b


def reference(x, edge_index, W1, b1, W2, b2):
    num_nodes = x.shape[0]
    h = _gcn_conv(x, edge_index, W1, b1, num_nodes)
    h = jax.nn.relu(h)
    # F.dropout with training=False is identity (eval mode)
    out = _gcn_conv(h, edge_index, W2, b2, num_nodes)
    return out

if __name__ == "__main__":
    import jax
    _d = setup_inputs()
    print(jax.jit(kernel)(*tuple(_d.values())))

</pallas_src>

<mosaic_0001>
#map = affine_map<(d0, d1) -> (0, 0)>
#map1 = affine_map<(d0, d1) -> (0, 0, 0)>
module attributes {stable_mosaic.version = 14 : i64} {
  func.func @_agg_body(%arg0: i32, %arg1: i32, %arg2: memref<20480x32xf32, #tpu.memory_space<hbm>>, %arg3: memref<16x40x512xi32, #tpu.memory_space<hbm>>, %arg4: memref<16x40x512xi32, #tpu.memory_space<hbm>>, %arg5: memref<2x10240x32xf32, #tpu.memory_space<hbm>>, %arg6: memref<20x512xi32, #tpu.memory_space<vmem>>, %arg7: memref<20x512xi32, #tpu.memory_space<vmem>>, %arg8: memref<512x32xf32, #tpu.memory_space<vmem>>, %arg9: memref<512x32xf32, #tpu.memory_space<vmem>>, %arg10: memref<10240x32xf32, #tpu.memory_space<vmem_shared>>, %arg11: memref<!tpu.dma_semaphore, #tpu.memory_space<semaphore_mem>>, %arg12: memref<!tpu.dma_semaphore, #tpu.memory_space<semaphore_mem>>) attributes {dimension_semantics = [#tpu.dimension_semantics<core_parallel>, #tpu.dimension_semantics<subcore_parallel>], iteration_bounds = array<i64: 2, 16>, scalar_prefetch = 0 : i64, scratch_operands = 7 : i64, tpu.core_type = #tpu.core_type<sc_vector_subcore>, window_params = [{transform_indices = #map}, {transform_indices = #map1}, {transform_indices = #map1}, {transform_indices = #map1}]} {
    %mul3A = arith.constant 10240 : i32
    %mul3A_0 = arith.muli %arg0, %mul3A : i32
    %mul3A_1 = arith.constant 10240 : i32
    %mul3A_2 = arith.muli %arg0, %mul3A_1 : i32
    %mul3A_3 = arith.constant 640 : i32
    %mul3A_4 = arith.muli %arg1, %mul3A_3 : i32
    %add3A = arith.addi %mul3A_2, %mul3A_4 : i32
    %mul3A_5 = arith.constant 640 : i32
    %mul3A_6 = arith.muli %arg1, %mul3A_5 : i32
    "tpu.region"() ({
      %run_scoped3A = tpu.sem_alloc : memref<!tpu.dma_semaphore, #tpu.memory_space<semaphore_mem>>
      %dma_start3A_40 = arith.constant 0 : i32
      %dma_start3A_41 = tpu.memref_slice %arg10[%mul3A_6, %dma_start3A_40] : memref<10240x32xf32, #tpu.memory_space<vmem_shared>> -> memref<640x32xf32, #tpu.memory_space<vmem_shared>>
      %dma_start3A_42 = arith.constant 0 : i32
      %dma_start3A_43 = tpu.memref_slice %arg2[%add3A, %dma_start3A_42] : memref<20480x32xf32, #tpu.memory_space<hbm>> -> memref<640x32xf32, #tpu.memory_space<hbm>>
      tpu.enqueue_dma source(%dma_start3A_43 : memref<640x32xf32, #tpu.memory_space<hbm>>) target(%dma_start3A_41 : memref<640x32xf32, #tpu.memory_space<vmem_shared>>) target_semaphore(%run_scoped3A : memref<!tpu.dma_semaphore, #tpu.memory_space<semaphore_mem>>)
      %dma_wait3A = arith.constant 0 : i32
      %dma_wait3A_44 = tpu.memref_slice %arg10[%mul3A_6, %dma_wait3A] : memref<10240x32xf32, #tpu.memory_space<vmem_shared>> -> memref<640x32xf32, #tpu.memory_space<vmem_shared>>
      %dma_wait3A_45 = arith.constant 0 : i32
      %dma_wait3A_46 = tpu.memref_slice %arg2[%add3A, %dma_wait3A_45] : memref<20480x32xf32, #tpu.memory_space<hbm>> -> memref<640x32xf32, #tpu.memory_space<hbm>>
      tpu.wait_dma2 semaphore(%run_scoped3A : memref<!tpu.dma_semaphore, #tpu.memory_space<semaphore_mem>>) src(%dma_wait3A_46 : memref<640x32xf32, #tpu.memory_space<hbm>>) dst(%dma_wait3A_44 : memref<640x32xf32, #tpu.memory_space<vmem_shared>>)
      tpu.yield
    }) : () -> ()
    %barrier3A = arith.constant 0 : index
    tpu.barrier barrier_id(%barrier3A)
    "tpu.region"() ({
      %run_scoped3A = tpu.sem_alloc : memref<!tpu.dma_semaphore, #tpu.memory_space<semaphore_mem>>
      %dma_start3A_40 = arith.constant 0 : i32
      %dma_start3A_41 = arith.constant 0 : i32
      %dma_start3A_42 = tpu.memref_slice %arg3[%arg1, %dma_start3A_40, %dma_start3A_41] : memref<16x40x512xi32, #tpu.memory_space<hbm>> -> memref<1x20x512xi32, #tpu.memory_space<hbm>>
      %dma_start3A_43 = tpu.memref_squeeze %dma_start3A_42 : memref<1x20x512xi32, #tpu.memory_space<hbm>> -> memref<20x512xi32, #tpu.memory_space<hbm>>
      %dma_start3A_44 = arith.constant 0 : i32
      %dma_start3A_45 = arith.constant 0 : i32
      %dma_start3A_46 = tpu.memref_slice %arg3[%arg1, %dma_start3A_44, %dma_start3A_45] : memref<16x40x512xi32, #tpu.memory_space<hbm>> -> memref<1x20x512xi32, #tpu.memory_space<hbm>>
      %dma_start3A_47 = tpu.memref_squeeze %dma_start3A_46 : memref<1x20x512xi32, #tpu.memory_space<hbm>> -> memref<20x512xi32, #tpu.memory_space<hbm>>
      tpu.enqueue_dma source(%dma_start3A_47 : memref<20x512xi32, #tpu.memory_space<hbm>>) target(%arg6 : memref<20x512xi32, #tpu.memory_space<vmem>>) target_semaphore(%run_scoped3A : memref<!tpu.dma_semaphore, #tpu.memory_space<semaphore_mem>>)
      %dma_wait3A = arith.constant 0 : i32
      %dma_wait3A_48 = arith.constant 0 : i32
      %dma_wait3A_49 = tpu.memref_slice %arg3[%arg1, %dma_wait3A, %dma_wait3A_48] : memref<16x40x512xi32, #tpu.memory_space<hbm>> -> memref<1x20x512xi32, #tpu.memory_space<hbm>>
      %dma_wait3A_50 = tpu.memref_squeeze %dma_wait3A_49 : memref<1x20x512xi32, #tpu.memory_space<hbm>> -> memref<20x512xi32, #tpu.memory_space<hbm>>
      %dma_wait3A_51 = arith.constant 0 : i32
      %dma_wait3A_52 = arith.constant 0 : i32
      %dma_wait3A_53 = tpu.memref_slice %arg3[%arg1, %dma_wait3A_51, %dma_wait3A_52] : memref<16x40x512xi32, #tpu.memory_space<hbm>> -> memref<1x20x512xi32, #tpu.memory_space<hbm>>
      %dma_wait3A_54 = tpu.memref_squeeze %dma_wait3A_53 : memref<1x20x512xi32, #tpu.memory_space<hbm>> -> memref<20x512xi32, #tpu.memory_space<hbm>>
      tpu.wait_dma2 semaphore(%run_scoped3A : memref<!tpu.dma_semaphore, #tpu.memory_space<semaphore_mem>>) src(%dma_wait3A_54 : memref<20x512xi32, #tpu.memory_space<hbm>>) dst(%arg6 : memref<20x512xi32, #tpu.memory_space<vmem>>)
      tpu.yield
    }) : () -> ()
    "tpu.region"() ({
      %run_scoped3A = tpu.sem_alloc : memref<!tpu.dma_semaphore, #tpu.memory_space<semaphore_mem>>
      %dma_start3A_40 = arith.constant 0 : i32
      %dma_start3A_41 = arith.constant 0 : i32
      %dma_start3A_42 = tpu.memref_slice %arg4[%arg1, %dma_start3A_40, %dma_start3A_41] : memref<16x40x512xi32, #tpu.memory_space<hbm>> -> memref<1x20x512xi32, #tpu.memory_space<hbm>>
      %dma_start3A_43 = tpu.memref_squeeze %dma_start3A_42 : memref<1x20x512xi32, #tpu.memory_space<hbm>> -> memref<20x512xi32, #tpu.memory_space<hbm>>
      %dma_start3A_44 = arith.constant 0 : i32
      %dma_start3A_45 = arith.constant 0 : i32
      %dma_start3A_46 = tpu.memref_slice %arg4[%arg1, %dma_start3A_44, %dma_start3A_45] : memref<16x40x512xi32, #tpu.memory_space<hbm>> -> memref<1x20x512xi32, #tpu.memory_space<hbm>>
      %dma_start3A_47 = tpu.memref_squeeze %dma_start3A_46 : memref<1x20x512xi32, #tpu.memory_space<hbm>> -> memref<20x512xi32, #tpu.memory_space<hbm>>
      tpu.enqueue_dma source(%dma_start3A_47 : memref<20x512xi32, #tpu.memory_space<hbm>>) target(%arg7 : memref<20x512xi32, #tpu.memory_space<vmem>>) target_semaphore(%run_scoped3A : memref<!tpu.dma_semaphore, #tpu.memory_space<semaphore_mem>>)
      %dma_wait3A = arith.constant 0 : i32
      %dma_wait3A_48 = arith.constant 0 : i32
      %dma_wait3A_49 = tpu.memref_slice %arg4[%arg1, %dma_wait3A, %dma_wait3A_48] : memref<16x40x512xi32, #tpu.memory_space<hbm>> -> memref<1x20x512xi32, #tpu.memory_space<hbm>>
      %dma_wait3A_50 = tpu.memref_squeeze %dma_wait3A_49 : memref<1x20x512xi32, #tpu.memory_space<hbm>> -> memref<20x512xi32, #tpu.memory_space<hbm>>
      %dma_wait3A_51 = arith.constant 0 : i32
      %dma_wait3A_52 = arith.constant 0 : i32
      %dma_wait3A_53 = tpu.memref_slice %arg4[%arg1, %dma_wait3A_51, %dma_wait3A_52] : memref<16x40x512xi32, #tpu.memory_space<hbm>> -> memref<1x20x512xi32, #tpu.memory_space<hbm>>
      %dma_wait3A_54 = tpu.memref_squeeze %dma_wait3A_53 : memref<1x20x512xi32, #tpu.memory_space<hbm>> -> memref<20x512xi32, #tpu.memory_space<hbm>>
      tpu.wait_dma2 semaphore(%run_scoped3A : memref<!tpu.dma_semaphore, #tpu.memory_space<semaphore_mem>>) src(%dma_wait3A_54 : memref<20x512xi32, #tpu.memory_space<hbm>>) dst(%arg7 : memref<20x512xi32, #tpu.memory_space<vmem>>)
      tpu.yield
    }) : () -> ()
    %dma_start3A = arith.constant 0 : i32
    %dma_start3A_7 = arith.constant 0 : i32
    %dma_start3A_8 = tpu.memref_slice %arg6[%dma_start3A, %dma_start3A_7] : memref<20x512xi32, #tpu.memory_space<vmem>> -> memref<1x512xi32, #tpu.memory_space<vmem>>
    %dma_start3A_9 = tpu.memref_squeeze %dma_start3A_8 : memref<1x512xi32, #tpu.memory_space<vmem>> -> memref<512xi32, #tpu.memory_space<vmem>>
    %dma_start3A_10 = arith.constant 0 : i32
    %dma_start3A_11 = tpu.memref_slice %arg2[%mul3A_0, %dma_start3A_10] : memref<20480x32xf32, #tpu.memory_space<hbm>> -> memref<10240x32xf32, #tpu.memory_space<hbm>>
    %dma_start3A_12 = arith.constant 0 : i32
    %dma_start3A_13 = arith.constant 0 : i32
    %dma_start3A_14 = tpu.memref_slice %dma_start3A_11[%dma_start3A_12, %dma_start3A_13] : memref<10240x32xf32, #tpu.memory_space<hbm>> -> memref<10240x32xf32, #tpu.memory_space<hbm>>
    tpu.enqueue_indirect_dma source(%dma_start3A_14 : memref<10240x32xf32, #tpu.memory_space<hbm>>) target(%arg8 : memref<512x32xf32, #tpu.memory_space<vmem>>) offsets(%dma_start3A_9 : memref<512xi32, #tpu.memory_space<vmem>>) semaphore(%arg11 : memref<!tpu.dma_semaphore, #tpu.memory_space<semaphore_mem>>)
    %scan3A = arith.constant 0 : i32
    %scan3A_15 = arith.constant 0 : i32
    %scan3A_16 = arith.constant 10 : i32
    %scan3A_17 = arith.addi %scan3A_15, %scan3A_16 : i32
    %scan3A_18 = arith.constant 1 : i32
    scf.for %scan3A_40 = %scan3A_15 to %scan3A_17 step %scan3A_18  : i32 {
      %mul3A_41 = arith.constant 2 : i32
      %mul3A_42 = arith.muli %scan3A_40, %mul3A_41 : i32
      %add3A_43 = arith.constant 1 : i32
      %add3A_44 = arith.addi %mul3A_42, %add3A_43 : i32
      %dma_start3A_45 = arith.constant 0 : i32
      %dma_start3A_46 = tpu.memref_slice %arg6[%add3A_44, %dma_start3A_45] : memref<20x512xi32, #tpu.memory_space<vmem>> -> memref<1x512xi32, #tpu.memory_space<vmem>>
      %dma_start3A_47 = tpu.memref_squeeze %dma_start3A_46 : memref<1x512xi32, #tpu.memory_space<vmem>> -> memref<512xi32, #tpu.memory_space<vmem>>
      %dma_start3A_48 = arith.constant 0 : i32
      %dma_start3A_49 = tpu.memref_slice %arg2[%mul3A_0, %dma_start3A_48] : memref<20480x32xf32, #tpu.memory_space<hbm>> -> memref<10240x32xf32, #tpu.memory_space<hbm>>
      %dma_start3A_50 = arith.constant 0 : i32
      %dma_start3A_51 = arith.constant 0 : i32
      %dma_start3A_52 = tpu.memref_slice %dma_start3A_49[%dma_start3A_50, %dma_start3A_51] : memref<10240x32xf32, #tpu.memory_space<hbm>> -> memref<10240x32xf32, #tpu.memory_space<hbm>>
      tpu.enqueue_indirect_dma source(%dma_start3A_52 : memref<10240x32xf32, #tpu.memory_space<hbm>>) target(%arg9 : memref<512x32xf32, #tpu.memory_space<vmem>>) offsets(%dma_start3A_47 : memref<512xi32, #tpu.memory_space<vmem>>) semaphore(%arg12 : memref<!tpu.dma_semaphore, #tpu.memory_space<semaphore_mem>>)
      %dma_wait3A = arith.constant 0 : i32
      %dma_wait3A_53 = arith.constant 0 : i32
      %dma_wait3A_54 = tpu.memref_slice %arg6[%dma_wait3A, %dma_wait3A_53] : memref<20x512xi32, #tpu.memory_space<vmem>> -> memref<1x512xi32, #tpu.memory_space<vmem>>
      %dma_wait3A_55 = tpu.memref_squeeze %dma_wait3A_54 : memref<1x512xi32, #tpu.memory_space<vmem>> -> memref<512xi32, #tpu.memory_space<vmem>>
      %dma_wait3A_56 = arith.constant 0 : i32
      %dma_wait3A_57 = tpu.memref_slice %arg2[%mul3A_0, %dma_wait3A_56] : memref<20480x32xf32, #tpu.memory_space<hbm>> -> memref<10240x32xf32, #tpu.memory_space<hbm>>
      %dma_wait3A_58 = arith.constant 0 : i32
      %dma_wait3A_59 = arith.constant 0 : i32
      %dma_wait3A_60 = tpu.memref_slice %dma_wait3A_57[%dma_wait3A_58, %dma_wait3A_59] : memref<10240x32xf32, #tpu.memory_space<hbm>> -> memref<10240x32xf32, #tpu.memory_space<hbm>>
      tpu.wait_indirect_dma semaphore(%arg11 : memref<!tpu.dma_semaphore, #tpu.memory_space<semaphore_mem>>) src(%dma_wait3A_60 : memref<10240x32xf32, #tpu.memory_space<hbm>>) dst(%arg8 : memref<512x32xf32, #tpu.memory_space<vmem>>)
      "tpu.region"() ({
        %run_scoped3A = tpu.sem_alloc : memref<!tpu.dma_semaphore, #tpu.memory_space<semaphore_mem>>
        %dma_start3A_75 = arith.constant 0 : i32
        %dma_start3A_76 = tpu.memref_slice %arg7[%mul3A_42, %dma_start3A_75] : memref<20x512xi32, #tpu.memory_space<vmem>> -> memref<1x512xi32, #tpu.memory_space<vmem>>
        %dma_start3A_77 = tpu.memref_squeeze %dma_start3A_76 : memref<1x512xi32, #tpu.memory_space<vmem>> -> memref<512xi32, #tpu.memory_space<vmem>>
        %dma_start3A_78 = arith.constant 0 : i32
        %dma_start3A_79 = arith.constant 0 : i32
        %dma_start3A_80 = tpu.memref_slice %arg10[%dma_start3A_78, %dma_start3A_79] : memref<10240x32xf32, #tpu.memory_space<vmem_shared>> -> memref<10240x32xf32, #tpu.memory_space<vmem_shared>>
        tpu.enqueue_indirect_dma source(%arg8 : memref<512x32xf32, #tpu.memory_space<vmem>>) target(%dma_start3A_80 : memref<10240x32xf32, #tpu.memory_space<vmem_shared>>) offsets(%dma_start3A_77 : memref<512xi32, #tpu.memory_space<vmem>>) semaphore(%run_scoped3A : memref<!tpu.dma_semaphore, #tpu.memory_space<semaphore_mem>>) {add = true}
        %dma_wait3A_81 = arith.constant 0 : i32
        %dma_wait3A_82 = tpu.memref_slice %arg7[%mul3A_42, %dma_wait3A_81] : memref<20x512xi32, #tpu.memory_space<vmem>> -> memref<1x512xi32, #tpu.memory_space<vmem>>
        %dma_wait3A_83 = tpu.memref_squeeze %dma_wait3A_82 : memref<1x512xi32, #tpu.memory_space<vmem>> -> memref<512xi32, #tpu.memory_space<vmem>>
        %dma_wait3A_84 = arith.constant 0 : i32
        %dma_wait3A_85 = arith.constant 0 : i32
        %dma_wait3A_86 = tpu.memref_slice %arg10[%dma_wait3A_84, %dma_wait3A_85] : memref<10240x32xf32, #tpu.memory_space<vmem_shared>> -> memref<10240x32xf32, #tpu.memory_space<vmem_shared>>
        tpu.wait_indirect_dma semaphore(%run_scoped3A : memref<!tpu.dma_semaphore, #tpu.memory_space<semaphore_mem>>) src(%arg8 : memref<512x32xf32, #tpu.memory_space<vmem>>) dst(%dma_wait3A_86 : memref<10240x32xf32, #tpu.memory_space<vmem_shared>>)
        tpu.yield
      }) : () -> ()
      %add3A_61 = arith.constant 1 : i32
      %add3A_62 = arith.addi %scan3A_40, %add3A_61 : i32
      %lt3A = arith.constant 10 : i32
      %lt3A_63 = arith.cmpi slt, %add3A_62, %lt3A : i32
      %convert_element_type3A = arith.extui %lt3A_63 : i1 to i32
      %cond3A = arith.constant 0 : i32
      %cond3A_64 = arith.cmpi ne, %convert_element_type3A, %cond3A : i32
      scf.if %cond3A_64 {
        %add3A_75 = arith.constant 2 : i32
        %add3A_76 = arith.addi %mul3A_42, %add3A_75 : i32
        %dma_start3A_77 = arith.constant 0 : i32
        %dma_start3A_78 = tpu.memref_slice %arg6[%add3A_76, %dma_start3A_77] : memref<20x512xi32, #tpu.memory_space<vmem>> -> memref<1x512xi32, #tpu.memory_space<vmem>>
        %dma_start3A_79 = tpu.memref_squeeze %dma_start3A_78 : memref<1x512xi32, #tpu.memory_space<vmem>> -> memref<512xi32, #tpu.memory_space<vmem>>
        %dma_start3A_80 = arith.constant 0 : i32
        %dma_start3A_81 = tpu.memref_slice %arg2[%mul3A_0, %dma_start3A_80] : memref<20480x32xf32, #tpu.memory_space<hbm>> -> memref<10240x32xf32, #tpu.memory_space<hbm>>
        %dma_start3A_82 = arith.constant 0 : i32
        %dma_start3A_83 = arith.constant 0 : i32
        %dma_start3A_84 = tpu.memref_slice %dma_start3A_81[%dma_start3A_82, %dma_start3A_83] : memref<10240x32xf32, #tpu.memory_space<hbm>> -> memref<10240x32xf32, #tpu.memory_space<hbm>>
        tpu.enqueue_indirect_dma source(%dma_start3A_84 : memref<10240x32xf32, #tpu.memory_space<hbm>>) target(%arg8 : memref<512x32xf32, #tpu.memory_space<vmem>>) offsets(%dma_start3A_79 : memref<512xi32, #tpu.memory_space<vmem>>) semaphore(%arg11 : memref<!tpu.dma_semaphore, #tpu.memory_space<semaphore_mem>>)
      } else {
      }
      %dma_wait3A_65 = arith.constant 0 : i32
      %dma_wait3A_66 = tpu.memref_slice %arg6[%add3A_44, %dma_wait3A_65] : memref<20x512xi32, #tpu.memory_space<vmem>> -> memref<1x512xi32, #tpu.memory_space<vmem>>
      %dma_wait3A_67 = tpu.memref_squeeze %dma_wait3A_66 : memref<1x512xi32, #tpu.memory_space<vmem>> -> memref<512xi32, #tpu.memory_space<vmem>>
      %dma_wait3A_68 = arith.constant 0 : i32
      %dma_wait3A_69 = tpu.memref_slice %arg2[%mul3A_0, %dma_wait3A_68] : memref<20480x32xf32, #tpu.memory_space<hbm>> -> memref<10240x32xf32, #tpu.memory_space<hbm>>
      %dma_wait3A_70 = arith.constant 0 : i32
      %dma_wait3A_71 = arith.constant 0 : i32
      %dma_wait3A_72 = tpu.memref_slice %dma_wait3A_69[%dma_wait3A_70, %dma_wait3A_71] : memref<10240x32xf32, #tpu.memory_space<hbm>> -> memref<10240x32xf32, #tpu.memory_space<hbm>>
      tpu.wait_indirect_dma semaphore(%arg12 : memref<!tpu.dma_semaphore, #tpu.memory_space<semaphore_mem>>) src(%dma_wait3A_72 : memref<10240x32xf32, #tpu.memory_space<hbm>>) dst(%arg9 : memref<512x32xf32, #tpu.memory_space<vmem>>)
      %add3A_73 = arith.constant 1 : i32
      %add3A_74 = arith.addi %mul3A_42, %add3A_73 : i32
      "tpu.region"() ({
        %run_scoped3A = tpu.sem_alloc : memref<!tpu.dma_semaphore, #tpu.memory_space<semaphore_mem>>
        %dma_start3A_75 = arith.constant 0 : i32
        %dma_start3A_76 = tpu.memref_slice %arg7[%add3A_74, %dma_start3A_75] : memref<20x512xi32, #tpu.memory_space<vmem>> -> memref<1x512xi32, #tpu.memory_space<vmem>>
        %dma_start3A_77 = tpu.memref_squeeze %dma_start3A_76 : memref<1x512xi32, #tpu.memory_space<vmem>> -> memref<512xi32, #tpu.memory_space<vmem>>
        %dma_start3A_78 = arith.constant 0 : i32
        %dma_start3A_79 = arith.constant 0 : i32
        %dma_start3A_80 = tpu.memref_slice %arg10[%dma_start3A_78, %dma_start3A_79] : memref<10240x32xf32, #tpu.memory_space<vmem_shared>> -> memref<10240x32xf32, #tpu.memory_space<vmem_shared>>
        tpu.enqueue_indirect_dma source(%arg9 : memref<512x32xf32, #tpu.memory_space<vmem>>) target(%dma_start3A_80 : memref<10240x32xf32, #tpu.memory_space<vmem_shared>>) offsets(%dma_start3A_77 : memref<512xi32, #tpu.memory_space<vmem>>) semaphore(%run_scoped3A : memref<!tpu.dma_semaphore, #tpu.memory_space<semaphore_mem>>) {add = true}
        %dma_wait3A_81 = arith.constant 0 : i32
        %dma_wait3A_82 = tpu.memref_slice %arg7[%add3A_74, %dma_wait3A_81] : memref<20x512xi32, #tpu.memory_space<vmem>> -> memref<1x512xi32, #tpu.memory_space<vmem>>
        %dma_wait3A_83 = tpu.memref_squeeze %dma_wait3A_82 : memref<1x512xi32, #tpu.memory_space<vmem>> -> memref<512xi32, #tpu.memory_space<vmem>>
        %dma_wait3A_84 = arith.constant 0 : i32
        %dma_wait3A_85 = arith.constant 0 : i32
        %dma_wait3A_86 = tpu.memref_slice %arg10[%dma_wait3A_84, %dma_wait3A_85] : memref<10240x32xf32, #tpu.memory_space<vmem_shared>> -> memref<10240x32xf32, #tpu.memory_space<vmem_shared>>
        tpu.wait_indirect_dma semaphore(%run_scoped3A : memref<!tpu.dma_semaphore, #tpu.memory_space<semaphore_mem>>) src(%arg9 : memref<512x32xf32, #tpu.memory_space<vmem>>) dst(%dma_wait3A_86 : memref<10240x32xf32, #tpu.memory_space<vmem_shared>>)
        tpu.yield
      }) : () -> ()
    }
    %scan3A_19 = arith.constant 10 : i32
    "tpu.region"() ({
      %run_scoped3A = tpu.sem_alloc : memref<!tpu.dma_semaphore, #tpu.memory_space<semaphore_mem>>
      %dma_start3A_40 = arith.constant 20 : i32
      %dma_start3A_41 = arith.constant 0 : i32
      %dma_start3A_42 = tpu.memref_slice %arg3[%arg1, %dma_start3A_40, %dma_start3A_41] : memref<16x40x512xi32, #tpu.memory_space<hbm>> -> memref<1x20x512xi32, #tpu.memory_space<hbm>>
      %dma_start3A_43 = tpu.memref_squeeze %dma_start3A_42 : memref<1x20x512xi32, #tpu.memory_space<hbm>> -> memref<20x512xi32, #tpu.memory_space<hbm>>
      %dma_start3A_44 = arith.constant 20 : i32
      %dma_start3A_45 = arith.constant 0 : i32
      %dma_start3A_46 = tpu.memref_slice %arg3[%arg1, %dma_start3A_44, %dma_start3A_45] : memref<16x40x512xi32, #tpu.memory_space<hbm>> -> memref<1x20x512xi32, #tpu.memory_space<hbm>>
      %dma_start3A_47 = tpu.memref_squeeze %dma_start3A_46 : memref<1x20x512xi32, #tpu.memory_space<hbm>> -> memref<20x512xi32, #tpu.memory_space<hbm>>
      tpu.enqueue_dma source(%dma_start3A_47 : memref<20x512xi32, #tpu.memory_space<hbm>>) target(%arg6 : memref<20x512xi32, #tpu.memory_space<vmem>>) target_semaphore(%run_scoped3A : memref<!tpu.dma_semaphore, #tpu.memory_space<semaphore_mem>>)
      %dma_wait3A = arith.constant 20 : i32
      %dma_wait3A_48 = arith.constant 0 : i32
      %dma_wait3A_49 = tpu.memref_slice %arg3[%arg1, %dma_wait3A, %dma_wait3A_48] : memref<16x40x512xi32, #tpu.memory_space<hbm>> -> memref<1x20x512xi32, #tpu.memory_space<hbm>>
      %dma_wait3A_50 = tpu.memref_squeeze %dma_wait3A_49 : memref<1x20x512xi32, #tpu.memory_space<hbm>> -> memref<20x512xi32, #tpu.memory_space<hbm>>
      %dma_wait3A_51 = arith.constant 20 : i32
      %dma_wait3A_52 = arith.constant 0 : i32
      %dma_wait3A_53 = tpu.memref_slice %arg3[%arg1, %dma_wait3A_51, %dma_wait3A_52] : memref<16x40x512xi32, #tpu.memory_space<hbm>> -> memref<1x20x512xi32, #tpu.memory_space<hbm>>
      %dma_wait3A_54 = tpu.memref_squeeze %dma_wait3A_53 : memref<1x20x512xi32, #tpu.memory_space<hbm>> -> memref<20x512xi32, #tpu.memory_space<hbm>>
      tpu.wait_dma2 semaphore(%run_scoped3A : memref<!tpu.dma_semaphore, #tpu.memory_space<semaphore_mem>>) src(%dma_wait3A_54 : memref<20x512xi32, #tpu.memory_space<hbm>>) dst(%arg6 : memref<20x512xi32, #tpu.memory_space<vmem>>)
      tpu.yield
    }) : () -> ()
    "tpu.region"() ({
      %run_scoped3A = tpu.sem_alloc : memref<!tpu.dma_semaphore, #tpu.memory_space<semaphore_mem>>
      %dma_start3A_40 = arith.constant 20 : i32
      %dma_start3A_41 = arith.constant 0 : i32
      %dma_start3A_42 = tpu.memref_slice %arg4[%arg1, %dma_start3A_40, %dma_start3A_41] : memref<16x40x512xi32, #tpu.memory_space<hbm>> -> memref<1x20x512xi32, #tpu.memory_space<hbm>>
      %dma_start3A_43 = tpu.memref_squeeze %dma_start3A_42 : memref<1x20x512xi32, #tpu.memory_space<hbm>> -> memref<20x512xi32, #tpu.memory_space<hbm>>
      %dma_start3A_44 = arith.constant 20 : i32
      %dma_start3A_45 = arith.constant 0 : i32
      %dma_start3A_46 = tpu.memref_slice %arg4[%arg1, %dma_start3A_44, %dma_start3A_45] : memref<16x40x512xi32, #tpu.memory_space<hbm>> -> memref<1x20x512xi32, #tpu.memory_space<hbm>>
      %dma_start3A_47 = tpu.memref_squeeze %dma_start3A_46 : memref<1x20x512xi32, #tpu.memory_space<hbm>> -> memref<20x512xi32, #tpu.memory_space<hbm>>
      tpu.enqueue_dma source(%dma_start3A_47 : memref<20x512xi32, #tpu.memory_space<hbm>>) target(%arg7 : memref<20x512xi32, #tpu.memory_space<vmem>>) target_semaphore(%run_scoped3A : memref<!tpu.dma_semaphore, #tpu.memory_space<semaphore_mem>>)
      %dma_wait3A = arith.constant 20 : i32
      %dma_wait3A_48 = arith.constant 0 : i32
      %dma_wait3A_49 = tpu.memref_slice %arg4[%arg1, %dma_wait3A, %dma_wait3A_48] : memref<16x40x512xi32, #tpu.memory_space<hbm>> -> memref<1x20x512xi32, #tpu.memory_space<hbm>>
      %dma_wait3A_50 = tpu.memref_squeeze %dma_wait3A_49 : memref<1x20x512xi32, #tpu.memory_space<hbm>> -> memref<20x512xi32, #tpu.memory_space<hbm>>
      %dma_wait3A_51 = arith.constant 20 : i32
      %dma_wait3A_52 = arith.constant 0 : i32
      %dma_wait3A_53 = tpu.memref_slice %arg4[%arg1, %dma_wait3A_51, %dma_wait3A_52] : memref<16x40x512xi32, #tpu.memory_space<hbm>> -> memref<1x20x512xi32, #tpu.memory_space<hbm>>
      %dma_wait3A_54 = tpu.memref_squeeze %dma_wait3A_53 : memref<1x20x512xi32, #tpu.memory_space<hbm>> -> memref<20x512xi32, #tpu.memory_space<hbm>>
      tpu.wait_dma2 semaphore(%run_scoped3A : memref<!tpu.dma_semaphore, #tpu.memory_space<semaphore_mem>>) src(%dma_wait3A_54 : memref<20x512xi32, #tpu.memory_space<hbm>>) dst(%arg7 : memref<20x512xi32, #tpu.memory_space<vmem>>)
      tpu.yield
    }) : () -> ()
    %dma_start3A_20 = arith.constant 0 : i32
    %dma_start3A_21 = arith.constant 0 : i32
    %dma_start3A_22 = tpu.memref_slice %arg6[%dma_start3A_20, %dma_start3A_21] : memref<20x512xi32, #tpu.memory_space<vmem>> -> memref<1x512xi32, #tpu.memory_space<vmem>>
    %dma_start3A_23 = tpu.memref_squeeze %dma_start3A_22 : memref<1x512xi32, #tpu.memory_space<vmem>> -> memref<512xi32, #tpu.memory_space<vmem>>
    %dma_start3A_24 = arith.constant 0 : i32
    %dma_start3A_25 = tpu.memref_slice %arg2[%mul3A_0, %dma_start3A_24] : memref<20480x32xf32, #tpu.memory_space<hbm>> -> memref<10240x32xf32, #tpu.memory_space<hbm>>
    %dma_start3A_26 = arith.constant 0 : i32
    %dma_start3A_27 = arith.constant 0 : i32
    %dma_start3A_28 = tpu.memref_slice %dma_start3A_25[%dma_start3A_26, %dma_start3A_27] : memref<10240x32xf32, #tpu.memory_space<hbm>> -> memref<10240x32xf32, #tpu.memory_space<hbm>>
    tpu.enqueue_indirect_dma source(%dma_start3A_28 : memref<10240x32xf32, #tpu.memory_space<hbm>>) target(%arg8 : memref<512x32xf32, #tpu.memory_space<vmem>>) offsets(%dma_start3A_23 : memref<512xi32, #tpu.memory_space<vmem>>) semaphore(%arg11 : memref<!tpu.dma_semaphore, #tpu.memory_space<semaphore_mem>>)
    %scan3A_29 = arith.constant 0 : i32
    %scan3A_30 = arith.constant 0 : i32
    %scan3A_31 = arith.constant 10 : i32
    %scan3A_32 = arith.addi %scan3A_30, %scan3A_31 : i32
    %scan3A_33 = arith.constant 1 : i32
    scf.for %scan3A_40 = %scan3A_30 to %scan3A_32 step %scan3A_33  : i32 {
      %mul3A_41 = arith.constant 2 : i32
      %mul3A_42 = arith.muli %scan3A_40, %mul3A_41 : i32
      %add3A_43 = arith.constant 1 : i32
      %add3A_44 = arith.addi %mul3A_42, %add3A_43 : i32
      %dma_start3A_45 = arith.constant 0 : i32
      %dma_start3A_46 = tpu.memref_slice %arg6[%add3A_44, %dma_start3A_45] : memref<20x512xi32, #tpu.memory_space<vmem>> -> memref<1x512xi32, #tpu.memory_space<vmem>>
      %dma_start3A_47 = tpu.memref_squeeze %dma_start3A_46 : memref<1x512xi32, #tpu.memory_space<vmem>> -> memref<512xi32, #tpu.memory_space<vmem>>
      %dma_start3A_48 = arith.constant 0 : i32
      %dma_start3A_49 = tpu.memref_slice %arg2[%mul3A_0, %dma_start3A_48] : memref<20480x32xf32, #tpu.memory_space<hbm>> -> memref<10240x32xf32, #tpu.memory_space<hbm>>
      %dma_start3A_50 = arith.constant 0 : i32
      %dma_start3A_51 = arith.constant 0 : i32
      %dma_start3A_52 = tpu.memref_slice %dma_start3A_49[%dma_start3A_50, %dma_start3A_51] : memref<10240x32xf32, #tpu.memory_space<hbm>> -> memref<10240x32xf32, #tpu.memory_space<hbm>>
      tpu.enqueue_indirect_dma source(%dma_start3A_52 : memref<10240x32xf32, #tpu.memory_space<hbm>>) target(%arg9 : memref<512x32xf32, #tpu.memory_space<vmem>>) offsets(%dma_start3A_47 : memref<512xi32, #tpu.memory_space<vmem>>) semaphore(%arg12 : memref<!tpu.dma_semaphore, #tpu.memory_space<semaphore_mem>>)
      %dma_wait3A = arith.constant 0 : i32
      %dma_wait3A_53 = arith.constant 0 : i32
      %dma_wait3A_54 = tpu.memref_slice %arg6[%dma_wait3A, %dma_wait3A_53] : memref<20x512xi32, #tpu.memory_space<vmem>> -> memref<1x512xi32, #tpu.memory_space<vmem>>
      %dma_wait3A_55 = tpu.memref_squeeze %dma_wait3A_54 : memref<1x512xi32, #tpu.memory_space<vmem>> -> memref<512xi32, #tpu.memory_space<vmem>>
      %dma_wait3A_56 = arith.constant 0 : i32
      %dma_wait3A_57 = tpu.memref_slice %arg2[%mul3A_0, %dma_wait3A_56] : memref<20480x32xf32, #tpu.memory_space<hbm>> -> memref<10240x32xf32, #tpu.memory_space<hbm>>
      %dma_wait3A_58 = arith.constant 0 : i32
      %dma_wait3A_59 = arith.constant 0 : i32
      %dma_wait3A_60 = tpu.memref_slice %dma_wait3A_57[%dma_wait3A_58, %dma_wait3A_59] : memref<10240x32xf32, #tpu.memory_space<hbm>> -> memref<10240x32xf32, #tpu.memory_space<hbm>>
      tpu.wait_indirect_dma semaphore(%arg11 : memref<!tpu.dma_semaphore, #tpu.memory_space<semaphore_mem>>) src(%dma_wait3A_60 : memref<10240x32xf32, #tpu.memory_space<hbm>>) dst(%arg8 : memref<512x32xf32, #tpu.memory_space<vmem>>)
      "tpu.region"() ({
        %run_scoped3A = tpu.sem_alloc : memref<!tpu.dma_semaphore, #tpu.memory_space<semaphore_mem>>
        %dma_start3A_75 = arith.constant 0 : i32
        %dma_start3A_76 = tpu.memref_slice %arg7[%mul3A_42, %dma_start3A_75] : memref<20x512xi32, #tpu.memory_space<vmem>> -> memref<1x512xi32, #tpu.memory_space<vmem>>
        %dma_start3A_77 = tpu.memref_squeeze %dma_start3A_76 : memref<1x512xi32, #tpu.memory_space<vmem>> -> memref<512xi32, #tpu.memory_space<vmem>>
        %dma_start3A_78 = arith.constant 0 : i32
        %dma_start3A_79 = arith.constant 0 : i32
        %dma_start3A_80 = tpu.memref_slice %arg10[%dma_start3A_78, %dma_start3A_79] : memref<10240x32xf32, #tpu.memory_space<vmem_shared>> -> memref<10240x32xf32, #tpu.memory_space<vmem_shared>>
        tpu.enqueue_indirect_dma source(%arg8 : memref<512x32xf32, #tpu.memory_space<vmem>>) target(%dma_start3A_80 : memref<10240x32xf32, #tpu.memory_space<vmem_shared>>) offsets(%dma_start3A_77 : memref<512xi32, #tpu.memory_space<vmem>>) semaphore(%run_scoped3A : memref<!tpu.dma_semaphore, #tpu.memory_space<semaphore_mem>>) {add = true}
        %dma_wait3A_81 = arith.constant 0 : i32
        %dma_wait3A_82 = tpu.memref_slice %arg7[%mul3A_42, %dma_wait3A_81] : memref<20x512xi32, #tpu.memory_space<vmem>> -> memref<1x512xi32, #tpu.memory_space<vmem>>
        %dma_wait3A_83 = tpu.memref_squeeze %dma_wait3A_82 : memref<1x512xi32, #tpu.memory_space<vmem>> -> memref<512xi32, #tpu.memory_space<vmem>>
        %dma_wait3A_84 = arith.constant 0 : i32
        %dma_wait3A_85 = arith.constant 0 : i32
        %dma_wait3A_86 = tpu.memref_slice %arg10[%dma_wait3A_84, %dma_wait3A_85] : memref<10240x32xf32, #tpu.memory_space<vmem_shared>> -> memref<10240x32xf32, #tpu.memory_space<vmem_shared>>
        tpu.wait_indirect_dma semaphore(%run_scoped3A : memref<!tpu.dma_semaphore, #tpu.memory_space<semaphore_mem>>) src(%arg8 : memref<512x32xf32, #tpu.memory_space<vmem>>) dst(%dma_wait3A_86 : memref<10240x32xf32, #tpu.memory_space<vmem_shared>>)
        tpu.yield
      }) : () -> ()
      %add3A_61 = arith.constant 1 : i32
      %add3A_62 = arith.addi %scan3A_40, %add3A_61 : i32
      %lt3A = arith.constant 10 : i32
      %lt3A_63 = arith.cmpi slt, %add3A_62, %lt3A : i32
      %convert_element_type3A = arith.extui %lt3A_63 : i1 to i32
      %cond3A = arith.constant 0 : i32
      %cond3A_64 = arith.cmpi ne, %convert_element_type3A, %cond3A : i32
      scf.if %cond3A_64 {
        %add3A_75 = arith.constant 2 : i32
        %add3A_76 = arith.addi %mul3A_42, %add3A_75 : i32
        %dma_start3A_77 = arith.constant 0 : i32
        %dma_start3A_78 = tpu.memref_slice %arg6[%add3A_76, %dma_start3A_77] : memref<20x512xi32, #tpu.memory_space<vmem>> -> memref<1x512xi32, #tpu.memory_space<vmem>>
        %dma_start3A_79 = tpu.memref_squeeze %dma_start3A_78 : memref<1x512xi32, #tpu.memory_space<vmem>> -> memref<512xi32, #tpu.memory_space<vmem>>
        %dma_start3A_80 = arith.constant 0 : i32
        %dma_start3A_81 = tpu.memref_slice %arg2[%mul3A_0, %dma_start3A_80] : memref<20480x32xf32, #tpu.memory_space<hbm>> -> memref<10240x32xf32, #tpu.memory_space<hbm>>
        %dma_start3A_82 = arith.constant 0 : i32
        %dma_start3A_83 = arith.constant 0 : i32
        %dma_start3A_84 = tpu.memref_slice %dma_start3A_81[%dma_start3A_82, %dma_start3A_83] : memref<10240x32xf32, #tpu.memory_space<hbm>> -> memref<10240x32xf32, #tpu.memory_space<hbm>>
        tpu.enqueue_indirect_dma source(%dma_start3A_84 : memref<10240x32xf32, #tpu.memory_space<hbm>>) target(%arg8 : memref<512x32xf32, #tpu.memory_space<vmem>>) offsets(%dma_start3A_79 : memref<512xi32, #tpu.memory_space<vmem>>) semaphore(%arg11 : memref<!tpu.dma_semaphore, #tpu.memory_space<semaphore_mem>>)
      } else {
      }
      %dma_wait3A_65 = arith.constant 0 : i32
      %dma_wait3A_66 = tpu.memref_slice %arg6[%add3A_44, %dma_wait3A_65] : memref<20x512xi32, #tpu.memory_space<vmem>> -> memref<1x512xi32, #tpu.memory_space<vmem>>
      %dma_wait3A_67 = tpu.memref_squeeze %dma_wait3A_66 : memref<1x512xi32, #tpu.memory_space<vmem>> -> memref<512xi32, #tpu.memory_space<vmem>>
      %dma_wait3A_68 = arith.constant 0 : i32
      %dma_wait3A_69 = tpu.memref_slice %arg2[%mul3A_0, %dma_wait3A_68] : memref<20480x32xf32, #tpu.memory_space<hbm>> -> memref<10240x32xf32, #tpu.memory_space<hbm>>
      %dma_wait3A_70 = arith.constant 0 : i32
      %dma_wait3A_71 = arith.constant 0 : i32
      %dma_wait3A_72 = tpu.memref_slice %dma_wait3A_69[%dma_wait3A_70, %dma_wait3A_71] : memref<10240x32xf32, #tpu.memory_space<hbm>> -> memref<10240x32xf32, #tpu.memory_space<hbm>>
      tpu.wait_indirect_dma semaphore(%arg12 : memref<!tpu.dma_semaphore, #tpu.memory_space<semaphore_mem>>) src(%dma_wait3A_72 : memref<10240x32xf32, #tpu.memory_space<hbm>>) dst(%arg9 : memref<512x32xf32, #tpu.memory_space<vmem>>)
      %add3A_73 = arith.constant 1 : i32
      %add3A_74 = arith.addi %mul3A_42, %add3A_73 : i32
      "tpu.region"() ({
        %run_scoped3A = tpu.sem_alloc : memref<!tpu.dma_semaphore, #tpu.memory_space<semaphore_mem>>
        %dma_start3A_75 = arith.constant 0 : i32
        %dma_start3A_76 = tpu.memref_slice %arg7[%add3A_74, %dma_start3A_75] : memref<20x512xi32, #tpu.memory_space<vmem>> -> memref<1x512xi32, #tpu.memory_space<vmem>>
        %dma_start3A_77 = tpu.memref_squeeze %dma_start3A_76 : memref<1x512xi32, #tpu.memory_space<vmem>> -> memref<512xi32, #tpu.memory_space<vmem>>
        %dma_start3A_78 = arith.constant 0 : i32
        %dma_start3A_79 = arith.constant 0 : i32
        %dma_start3A_80 = tpu.memref_slice %arg10[%dma_start3A_78, %dma_start3A_79] : memref<10240x32xf32, #tpu.memory_space<vmem_shared>> -> memref<10240x32xf32, #tpu.memory_space<vmem_shared>>
        tpu.enqueue_indirect_dma source(%arg9 : memref<512x32xf32, #tpu.memory_space<vmem>>) target(%dma_start3A_80 : memref<10240x32xf32, #tpu.memory_space<vmem_shared>>) offsets(%dma_start3A_77 : memref<512xi32, #tpu.memory_space<vmem>>) semaphore(%run_scoped3A : memref<!tpu.dma_semaphore, #tpu.memory_space<semaphore_mem>>) {add = true}
        %dma_wait3A_81 = arith.constant 0 : i32
        %dma_wait3A_82 = tpu.memref_slice %arg7[%add3A_74, %dma_wait3A_81] : memref<20x512xi32, #tpu.memory_space<vmem>> -> memref<1x512xi32, #tpu.memory_space<vmem>>
        %dma_wait3A_83 = tpu.memref_squeeze %dma_wait3A_82 : memref<1x512xi32, #tpu.memory_space<vmem>> -> memref<512xi32, #tpu.memory_space<vmem>>
        %dma_wait3A_84 = arith.constant 0 : i32
        %dma_wait3A_85 = arith.constant 0 : i32
        %dma_wait3A_86 = tpu.memref_slice %arg10[%dma_wait3A_84, %dma_wait3A_85] : memref<10240x32xf32, #tpu.memory_space<vmem_shared>> -> memref<10240x32xf32, #tpu.memory_space<vmem_shared>>
        tpu.wait_indirect_dma semaphore(%run_scoped3A : memref<!tpu.dma_semaphore, #tpu.memory_space<semaphore_mem>>) src(%arg9 : memref<512x32xf32, #tpu.memory_space<vmem>>) dst(%dma_wait3A_86 : memref<10240x32xf32, #tpu.memory_space<vmem_shared>>)
        tpu.yield
      }) : () -> ()
    }
    %scan3A_34 = arith.constant 10 : i32
    %barrier3A_35 = arith.constant 0 : index
    tpu.barrier barrier_id(%barrier3A_35)
    %mul3A_36 = arith.constant 640 : i32
    %mul3A_37 = arith.muli %arg1, %mul3A_36 : i32
    %mul3A_38 = arith.constant 640 : i32
    %mul3A_39 = arith.muli %arg1, %mul3A_38 : i32
    "tpu.region"() ({
      %run_scoped3A = tpu.sem_alloc : memref<!tpu.dma_semaphore, #tpu.memory_space<semaphore_mem>>
      %dma_start3A_40 = arith.constant 0 : i32
      %dma_start3A_41 = tpu.memref_slice %arg5[%arg0, %mul3A_39, %dma_start3A_40] : memref<2x10240x32xf32, #tpu.memory_space<hbm>> -> memref<1x640x32xf32, #tpu.memory_space<hbm>>
      %dma_start3A_42 = tpu.memref_squeeze %dma_start3A_41 : memref<1x640x32xf32, #tpu.memory_space<hbm>> -> memref<640x32xf32, #tpu.memory_space<hbm>>
      %dma_start3A_43 = arith.constant 0 : i32
      %dma_start3A_44 = tpu.memref_slice %arg10[%mul3A_37, %dma_start3A_43] : memref<10240x32xf32, #tpu.memory_space<vmem_shared>> -> memref<640x32xf32, #tpu.memory_space<vmem_shared>>
      tpu.enqueue_dma source(%dma_start3A_44 : memref<640x32xf32, #tpu.memory_space<vmem_shared>>) target(%dma_start3A_42 : memref<640x32xf32, #tpu.memory_space<hbm>>) target_semaphore(%run_scoped3A : memref<!tpu.dma_semaphore, #tpu.memory_space<semaphore_mem>>)
      %dma_wait3A = arith.constant 0 : i32
      %dma_wait3A_45 = tpu.memref_slice %arg5[%arg0, %mul3A_39, %dma_wait3A] : memref<2x10240x32xf32, #tpu.memory_space<hbm>> -> memref<1x640x32xf32, #tpu.memory_space<hbm>>
      %dma_wait3A_46 = tpu.memref_squeeze %dma_wait3A_45 : memref<1x640x32xf32, #tpu.memory_space<hbm>> -> memref<640x32xf32, #tpu.memory_space<hbm>>
      %dma_wait3A_47 = arith.constant 0 : i32
      %dma_wait3A_48 = tpu.memref_slice %arg10[%mul3A_37, %dma_wait3A_47] : memref<10240x32xf32, #tpu.memory_space<vmem_shared>> -> memref<640x32xf32, #tpu.memory_space<vmem_shared>>
      tpu.wait_dma2 semaphore(%run_scoped3A : memref<!tpu.dma_semaphore, #tpu.memory_space<semaphore_mem>>) src(%dma_wait3A_48 : memref<640x32xf32, #tpu.memory_space<vmem_shared>>) dst(%dma_wait3A_46 : memref<640x32xf32, #tpu.memory_space<hbm>>)
      tpu.yield
    }) : () -> ()
    return
  }
}

#map = affine_map<(d0, d1) -> (0, 0)>
#map1 = affine_map<(d0, d1) -> (0, 0, 0)>
module attributes {stable_mosaic.version = 14 : i64} {
  func.func @_deg_body(%arg0: i32, %arg1: i32, %arg2: memref<2x10240xf32, #tpu.memory_space<hbm>>, %arg3: memref<32x20x512xi32, #tpu.memory_space<hbm>>, %arg4: memref<2x10240xf32, #tpu.memory_space<hbm>>, %arg5: memref<20x512xi32, #tpu.memory_space<vmem>>, %arg6: memref<512xf32, #tpu.memory_space<vmem>>, %arg7: memref<10240xf32, #tpu.memory_space<vmem_shared>>, %arg8: memref<!tpu.dma_semaphore, #tpu.memory_space<semaphore_mem>>) attributes {dimension_semantics = [#tpu.dimension_semantics<core_parallel>, #tpu.dimension_semantics<subcore_parallel>], iteration_bounds = array<i64: 2, 16>, scalar_prefetch = 0 : i64, scratch_operands = 4 : i64, tpu.core_type = #tpu.core_type<sc_vector_subcore>, window_params = [{transform_indices = #map}, {transform_indices = #map1}, {transform_indices = #map}]} {
    %mul3A = arith.constant 2 : i32
    %mul3A_0 = arith.muli %arg1, %mul3A : i32
    %add3A = arith.addi %mul3A_0, %arg0 : i32
    "tpu.region"() ({
      %run_scoped3A = tpu.sem_alloc : memref<!tpu.dma_semaphore, #tpu.memory_space<semaphore_mem>>
      %dma_start3A = arith.constant 0 : i32
      %dma_start3A_205 = arith.constant 0 : i32
      %dma_start3A_206 = tpu.memref_slice %arg3[%add3A, %dma_start3A, %dma_start3A_205] : memref<32x20x512xi32, #tpu.memory_space<hbm>> -> memref<1x20x512xi32, #tpu.memory_space<hbm>>
      %dma_start3A_207 = tpu.memref_squeeze %dma_start3A_206 : memref<1x20x512xi32, #tpu.memory_space<hbm>> -> memref<20x512xi32, #tpu.memory_space<hbm>>
      %dma_start3A_208 = arith.constant 0 : i32
      %dma_start3A_209 = arith.constant 0 : i32
      %dma_start3A_210 = tpu.memref_slice %arg3[%add3A, %dma_start3A_208, %dma_start3A_209] : memref<32x20x512xi32, #tpu.memory_space<hbm>> -> memref<1x20x512xi32, #tpu.memory_space<hbm>>
      %dma_start3A_211 = tpu.memref_squeeze %dma_start3A_210 : memref<1x20x512xi32, #tpu.memory_space<hbm>> -> memref<20x512xi32, #tpu.memory_space<hbm>>
      tpu.enqueue_dma source(%dma_start3A_211 : memref<20x512xi32, #tpu.memory_space<hbm>>) target(%arg5 : memref<20x512xi32, #tpu.memory_space<vmem>>) target_semaphore(%run_scoped3A : memref<!tpu.dma_semaphore, #tpu.memory_space<semaphore_mem>>)
      %dma_wait3A = arith.constant 0 : i32
      %dma_wait3A_212 = arith.constant 0 : i32
      %dma_wait3A_213 = tpu.memref_slice %arg3[%add3A, %dma_wait3A, %dma_wait3A_212] : memref<32x20x512xi32, #tpu.memory_space<hbm>> -> memref<1x20x512xi32, #tpu.memory_space<hbm>>
      %dma_wait3A_214 = tpu.memref_squeeze %dma_wait3A_213 : memref<1x20x512xi32, #tpu.memory_space<hbm>> -> memref<20x512xi32, #tpu.memory_space<hbm>>
      %dma_wait3A_215 = arith.constant 0 : i32
      %dma_wait3A_216 = arith.constant 0 : i32
      %dma_wait3A_217 = tpu.memref_slice %arg3[%add3A, %dma_wait3A_215, %dma_wait3A_216] : memref<32x20x512xi32, #tpu.memory_space<hbm>> -> memref<1x20x512xi32, #tpu.memory_space<hbm>>
      %dma_wait3A_218 = tpu.memref_squeeze %dma_wait3A_217 : memref<1x20x512xi32, #tpu.memory_space<hbm>> -> memref<20x512xi32, #tpu.memory_space<hbm>>
      tpu.wait_dma2 semaphore(%run_scoped3A : memref<!tpu.dma_semaphore, #tpu.memory_space<semaphore_mem>>) src(%dma_wait3A_218 : memref<20x512xi32, #tpu.memory_space<hbm>>) dst(%arg5 : memref<20x512xi32, #tpu.memory_space<vmem>>)
      tpu.yield
    }) : () -> ()
    %broadcast_in_dim3A = arith.constant 1.000000e+00 : f32
    %broadcast_in_dim3A_1 = vector.broadcast %broadcast_in_dim3A : f32 to vector<16xf32>
    %swap3A = arith.constant 0 : index
    %swap3A_2 = tpu.vector_load %arg6[%swap3A] {strides = array<i32>} : memref<512xf32, #tpu.memory_space<vmem>>, vector<16xf32>,
    %swap3A_3 = vector.shape_cast %swap3A_2 : vector<16xf32> to vector<16xf32>
    %swap3A_4 = vector.shape_cast %broadcast_in_dim3A_1 : vector<16xf32> to vector<16xf32>
    tpu.vector_store %arg6[%swap3A], %swap3A_4 {strides = array<i32>} : memref<512xf32, #tpu.memory_space<vmem>>, vector<16xf32>,
    %broadcast_in_dim3A_5 = arith.constant 1.000000e+00 : f32
    %broadcast_in_dim3A_6 = vector.broadcast %broadcast_in_dim3A_5 : f32 to vector<16xf32>
    %swap3A_7 = arith.constant 16 : index
    %swap3A_8 = tpu.vector_load %arg6[%swap3A_7] {strides = array<i32>} : memref<512xf32, #tpu.memory_space<vmem>>, vector<16xf32>,
    %swap3A_9 = vector.shape_cast %swap3A_8 : vector<16xf32> to vector<16xf32>
    %swap3A_10 = vector.shape_cast %broadcast_in_dim3A_6 : vector<16xf32> to vector<16xf32>
    tpu.vector_store %arg6[%swap3A_7], %swap3A_10 {strides = array<i32>} : memref<512xf32, #tpu.memory_space<vmem>>, vector<16xf32>,
    %broadcast_in_dim3A_11 = arith.constant 1.000000e+00 : f32
    %broadcast_in_dim3A_12 = vector.broadcast %broadcast_in_dim3A_11 : f32 to vector<16xf32>
    %swap3A_13 = arith.constant 32 : index
    %swap3A_14 = tpu.vector_load %arg6[%swap3A_13] {strides = array<i32>} : memref<512xf32, #tpu.memory_space<vmem>>, vector<16xf32>,
    %swap3A_15 = vector.shape_cast %swap3A_14 : vector<16xf32> to vector<16xf32>
    %swap3A_16 = vector.shape_cast %broadcast_in_dim3A_12 : vector<16xf32> to vector<16xf32>
    tpu.vector_store %arg6[%swap3A_13], %swap3A_16 {strides = array<i32>} : memref<512xf32, #tpu.memory_space<vmem>>, vector<16xf32>,
    %broadcast_in_dim3A_17 = arith.constant 1.000000e+00 : f32
    %broadcast_in_dim3A_18 = vector.broadcast %broadcast_in_dim3A_17 : f32 to vector<16xf32>
    %swap3A_19 = arith.constant 48 : index
    %swap3A_20 = tpu.vector_load %arg6[%swap3A_19] {strides = array<i32>} : memref<512xf32, #tpu.memory_space<vmem>>, vector<16xf32>,
    %swap3A_21 = vector.shape_cast %swap3A_20 : vector<16xf32> to vector<16xf32>
    %swap3A_22 = vector.shape_cast %broadcast_in_dim3A_18 : vector<16xf32> to vector<16xf32>
    tpu.vector_store %arg6[%swap3A_19], %swap3A_22 {strides = array<i32>} : memref<512xf32, #tpu.memory_space<vmem>>, vector<16xf32>,
    %broadcast_in_dim3A_23 = arith.constant 1.000000e+00 : f32
    %broadcast_in_dim3A_24 = vector.broadcast %broadcast_in_dim3A_23 : f32 to vector<16xf32>
    %swap3A_25 = arith.constant 64 : index
    %swap3A_26 = tpu.vector_load %arg6[%swap3A_25] {strides = array<i32>} : memref<512xf32, #tpu.memory_space<vmem>>, vector<16xf32>,
    %swap3A_27 = vector.shape_cast %swap3A_26 : vector<16xf32> to vector<16xf32>
    %swap3A_28 = vector.shape_cast %broadcast_in_dim3A_24 : vector<16xf32> to vector<16xf32>
    tpu.vector_store %arg6[%swap3A_25], %swap3A_28 {strides = array<i32>} : memref<512xf32, #tpu.memory_space<vmem>>, vector<16xf32>,
    %broadcast_in_dim3A_29 = arith.constant 1.000000e+00 : f32
    %broadcast_in_dim3A_30 = vector.broadcast %broadcast_in_dim3A_29 : f32 to vector<16xf32>
    %swap3A_31 = arith.constant 80 : index
    %swap3A_32 = tpu.vector_load %arg6[%swap3A_31] {strides = array<i32>} : memref<512xf32, #tpu.memory_space<vmem>>, vector<16xf32>,
    %swap3A_33 = vector.shape_cast %swap3A_32 : vector<16xf32> to vector<16xf32>
    %swap3A_34 = vector.shape_cast %broadcast_in_dim3A_30 : vector<16xf32> to vector<16xf32>
    tpu.vector_store %arg6[%swap3A_31], %swap3A_34 {strides = array<i32>} : memref<512xf32, #tpu.memory_space<vmem>>, vector<16xf32>,
    %broadcast_in_dim3A_35 = arith.constant 1.000000e+00 : f32
    %broadcast_in_dim3A_36 = vector.broadcast %broadcast_in_dim3A_35 : f32 to vector<16xf32>
    %swap3A_37 = arith.constant 96 : index
    %swap3A_38 = tpu.vector_load %arg6[%swap3A_37] {strides = array<i32>} : memref<512xf32, #tpu.memory_space<vmem>>, vector<16xf32>,
    %swap3A_39 = vector.shape_cast %swap3A_38 : vector<16xf32> to vector<16xf32>
    %swap3A_40 = vector.shape_cast %broadcast_in_dim3A_36 : vector<16xf32> to vector<16xf32>
    tpu.vector_store %arg6[%swap3A_37], %swap3A_40 {strides = array<i32>} : memref<512xf32, #tpu.memory_space<vmem>>, vector<16xf32>,
    %broadcast_in_dim3A_41 = arith.constant 1.000000e+00 : f32
    %broadcast_in_dim3A_42 = vector.broadcast %broadcast_in_dim3A_41 : f32 to vector<16xf32>
    %swap3A_43 = arith.constant 112 : index
    %swap3A_44 = tpu.vector_load %arg6[%swap3A_43] {strides = array<i32>} : memref<512xf32, #tpu.memory_space<vmem>>, vector<16xf32>,
    %swap3A_45 = vector.shape_cast %swap3A_44 : vector<16xf32> to vector<16xf32>
    %swap3A_46 = vector.shape_cast %broadcast_in_dim3A_42 : vector<16xf32> to vector<16xf32>
    tpu.vector_store %arg6[%swap3A_43], %swap3A_46 {strides = array<i32>} : memref<512xf32, #tpu.memory_space<vmem>>, vector<16xf32>,
    %broadcast_in_dim3A_47 = arith.constant 1.000000e+00 : f32
    %broadcast_in_dim3A_48 = vector.broadcast %broadcast_in_dim3A_47 : f32 to vector<16xf32>
    %swap3A_49 = arith.constant 128 : index
    %swap3A_50 = tpu.vector_load %arg6[%swap3A_49] {strides = array<i32>} : memref<512xf32, #tpu.memory_space<vmem>>, vector<16xf32>,
    %swap3A_51 = vector.shape_cast %swap3A_50 : vector<16xf32> to vector<16xf32>
    %swap3A_52 = vector.shape_cast %broadcast_in_dim3A_48 : vector<16xf32> to vector<16xf32>
    tpu.vector_store %arg6[%swap3A_49], %swap3A_52 {strides = array<i32>} : memref<512xf32, #tpu.memory_space<vmem>>, vector<16xf32>,
    %broadcast_in_dim3A_53 = arith.constant 1.000000e+00 : f32
    %broadcast_in_dim3A_54 = vector.broadcast %broadcast_in_dim3A_53 : f32 to vector<16xf32>
    %swap3A_55 = arith.constant 144 : index
    %swap3A_56 = tpu.vector_load %arg6[%swap3A_55] {strides = array<i32>} : memref<512xf32, #tpu.memory_space<vmem>>, vector<16xf32>,
    %swap3A_57 = vector.shape_cast %swap3A_56 : vector<16xf32> to vector<16xf32>
    %swap3A_58 = vector.shape_cast %broadcast_in_dim3A_54 : vector<16xf32> to vector<16xf32>
    tpu.vector_store %arg6[%swap3A_55], %swap3A_58 {strides = array<i32>} : memref<512xf32, #tpu.memory_space<vmem>>, vector<16xf32>,
    %broadcast_in_dim3A_59 = arith.constant 1.000000e+00 : f32
    %broadcast_in_dim3A_60 = vector.broadcast %broadcast_in_dim3A_59 : f32 to vector<16xf32>
    %swap3A_61 = arith.constant 160 : index
    %swap3A_62 = tpu.vector_load %arg6[%swap3A_61] {strides = array<i32>} : memref<512xf32, #tpu.memory_space<vmem>>, vector<16xf32>,
    %swap3A_63 = vector.shape_cast %swap3A_62 : vector<16xf32> to vector<16xf32>
    %swap3A_64 = vector.shape_cast %broadcast_in_dim3A_60 : vector<16xf32> to vector<16xf32>
    tpu.vector_store %arg6[%swap3A_61], %swap3A_64 {strides = array<i32>} : memref<512xf32, #tpu.memory_space<vmem>>, vector<16xf32>,
    %broadcast_in_dim3A_65 = arith.constant 1.000000e+00 : f32
    %broadcast_in_dim3A_66 = vector.broadcast %broadcast_in_dim3A_65 : f32 to vector<16xf32>
    %swap3A_67 = arith.constant 176 : index
    %swap3A_68 = tpu.vector_load %arg6[%swap3A_67] {strides = array<i32>} : memref<512xf32, #tpu.memory_space<vmem>>, vector<16xf32>,
    %swap3A_69 = vector.shape_cast %swap3A_68 : vector<16xf32> to vector<16xf32>
    %swap3A_70 = vector.shape_cast %broadcast_in_dim3A_66 : vector<16xf32> to vector<16xf32>
    tpu.vector_store %arg6[%swap3A_67], %swap3A_70 {strides = array<i32>} : memref<512xf32, #tpu.memory_space<vmem>>, vector<16xf32>,
    %broadcast_in_dim3A_71 = arith.constant 1.000000e+00 : f32
    %broadcast_in_dim3A_72 = vector.broadcast %broadcast_in_dim3A_71 : f32 to vector<16xf32>
    %swap3A_73 = arith.constant 192 : index
    %swap3A_74 = tpu.vector_load %arg6[%swap3A_73] {strides = array<i32>} : memref<512xf32, #tpu.memory_space<vmem>>, vector<16xf32>,
    %swap3A_75 = vector.shape_cast %swap3A_74 : vector<16xf32> to vector<16xf32>
    %swap3A_76 = vector.shape_cast %broadcast_in_dim3A_72 : vector<16xf32> to vector<16xf32>
    tpu.vector_store %arg6[%swap3A_73], %swap3A_76 {strides = array<i32>} : memref<512xf32, #tpu.memory_space<vmem>>, vector<16xf32>,
    %broadcast_in_dim3A_77 = arith.constant 1.000000e+00 : f32
    %broadcast_in_dim3A_78 = vector.broadcast %broadcast_in_dim3A_77 : f32 to vector<16xf32>
    %swap3A_79 = arith.constant 208 : index
    %swap3A_80 = tpu.vector_load %arg6[%swap3A_79] {strides = array<i32>} : memref<512xf32, #tpu.memory_space<vmem>>, vector<16xf32>,
    %swap3A_81 = vector.shape_cast %swap3A_80 : vector<16xf32> to vector<16xf32>
    %swap3A_82 = vector.shape_cast %broadcast_in_dim3A_78 : vector<16xf32> to vector<16xf32>
    tpu.vector_store %arg6[%swap3A_79], %swap3A_82 {strides = array<i32>} : memref<512xf32, #tpu.memory_space<vmem>>, vector<16xf32>,
    %broadcast_in_dim3A_83 = arith.constant 1.000000e+00 : f32
    %broadcast_in_dim3A_84 = vector.broadcast %broadcast_in_dim3A_83 : f32 to vector<16xf32>
    %swap3A_85 = arith.constant 224 : index
    %swap3A_86 = tpu.vector_load %arg6[%swap3A_85] {strides = array<i32>} : memref<512xf32, #tpu.memory_space<vmem>>, vector<16xf32>,
    %swap3A_87 = vector.shape_cast %swap3A_86 : vector<16xf32> to vector<16xf32>
    %swap3A_88 = vector.shape_cast %broadcast_in_dim3A_84 : vector<16xf32> to vector<16xf32>
    tpu.vector_store %arg6[%swap3A_85], %swap3A_88 {strides = array<i32>} : memref<512xf32, #tpu.memory_space<vmem>>, vector<16xf32>,
    %broadcast_in_dim3A_89 = arith.constant 1.000000e+00 : f32
    %broadcast_in_dim3A_90 = vector.broadcast %broadcast_in_dim3A_89 : f32 to vector<16xf32>
    %swap3A_91 = arith.constant 240 : index
    %swap3A_92 = tpu.vector_load %arg6[%swap3A_91] {strides = array<i32>} : memref<512xf32, #tpu.memory_space<vmem>>, vector<16xf32>,
    %swap3A_93 = vector.shape_cast %swap3A_92 : vector<16xf32> to vector<16xf32>
    %swap3A_94 = vector.shape_cast %broadcast_in_dim3A_90 : vector<16xf32> to vector<16xf32>
    tpu.vector_store %arg6[%swap3A_91], %swap3A_94 {strides = array<i32>} : memref<512xf32, #tpu.memory_space<vmem>>, vector<16xf32>,
    %broadcast_in_dim3A_95 = arith.constant 1.000000e+00 : f32
    %broadcast_in_dim3A_96 = vector.broadcast %broadcast_in_dim3A_95 : f32 to vector<16xf32>
    %swap3A_97 = arith.constant 256 : index
    %swap3A_98 = tpu.vector_load %arg6[%swap3A_97] {strides = array<i32>} : memref<512xf32, #tpu.memory_space<vmem>>, vector<16xf32>,
    %swap3A_99 = vector.shape_cast %swap3A_98 : vector<16xf32> to vector<16xf32>
    %swap3A_100 = vector.shape_cast %broadcast_in_dim3A_96 : vector<16xf32> to vector<16xf32>
    tpu.vector_store %arg6[%swap3A_97], %swap3A_100 {strides = array<i32>} : memref<512xf32, #tpu.memory_space<vmem>>, vector<16xf32>,
    %broadcast_in_dim3A_101 = arith.constant 1.000000e+00 : f32
    %broadcast_in_dim3A_102 = vector.broadcast %broadcast_in_dim3A_101 : f32 to vector<16xf32>
    %swap3A_103 = arith.constant 272 : index
    %swap3A_104 = tpu.vector_load %arg6[%swap3A_103] {strides = array<i32>} : memref<512xf32, #tpu.memory_space<vmem>>, vector<16xf32>,
    %swap3A_105 = vector.shape_cast %swap3A_104 : vector<16xf32> to vector<16xf32>
    %swap3A_106 = vector.shape_cast %broadcast_in_dim3A_102 : vector<16xf32> to vector<16xf32>
    tpu.vector_store %arg6[%swap3A_103], %swap3A_106 {strides = array<i32>} : memref<512xf32, #tpu.memory_space<vmem>>, vector<16xf32>,
    %broadcast_in_dim3A_107 = arith.constant 1.000000e+00 : f32
    %broadcast_in_dim3A_108 = vector.broadcast %broadcast_in_dim3A_107 : f32 to vector<16xf32>
    %swap3A_109 = arith.constant 288 : index
    %swap3A_110 = tpu.vector_load %arg6[%swap3A_109] {strides = array<i32>} : memref<512xf32, #tpu.memory_space<vmem>>, vector<16xf32>,
    %swap3A_111 = vector.shape_cast %swap3A_110 : vector<16xf32> to vector<16xf32>
    %swap3A_112 = vector.shape_cast %broadcast_in_dim3A_108 : vector<16xf32> to vector<16xf32>
    tpu.vector_store %arg6[%swap3A_109], %swap3A_112 {strides = array<i32>} : memref<512xf32, #tpu.memory_space<vmem>>, vector<16xf32>,
    %broadcast_in_dim3A_113 = arith.constant 1.000000e+00 : f32
    %broadcast_in_dim3A_114 = vector.broadcast %broadcast_in_dim3A_113 : f32 to vector<16xf32>
    %swap3A_115 = arith.constant 304 : index
    %swap3A_116 = tpu.vector_load %arg6[%swap3A_115] {strides = array<i32>} : memref<512xf32, #tpu.memory_space<vmem>>, vector<16xf32>,
    %swap3A_117 = vector.shape_cast %swap3A_116 : vector<16xf32> to vector<16xf32>
    %swap3A_118 = vector.shape_cast %broadcast_in_dim3A_114 : vector<16xf32> to vector<16xf32>
    tpu.vector_store %arg6[%swap3A_115], %swap3A_118 {strides = array<i32>} : memref<512xf32, #tpu.memory_space<vmem>>, vector<16xf32>,
    %broadcast_in_dim3A_119 = arith.constant 1.000000e+00 : f32
    %broadcast_in_dim3A_120 = vector.broadcast %broadcast_in_dim3A_119 : f32 to vector<16xf32>
    %swap3A_121 = arith.constant 320 : index
    %swap3A_122 = tpu.vector_load %arg6[%swap3A_121] {strides = array<i32>} : memref<512xf32, #tpu.memory_space<vmem>>, vector<16xf32>,
    %swap3A_123 = vector.shape_cast %swap3A_122 : vector<16xf32> to vector<16xf32>
    %swap3A_124 = vector.shape_cast %broadcast_in_dim3A_120 : vector<16xf32> to vector<16xf32>
    tpu.vector_store %arg6[%swap3A_121], %swap3A_124 {strides = array<i32>} : memref<512xf32, #tpu.memory_space<vmem>>, vector<16xf32>,
    %broadcast_in_dim3A_125 = arith.constant 1.000000e+00 : f32
    %broadcast_in_dim3A_126 = vector.broadcast %broadcast_in_dim3A_125 : f32 to vector<16xf32>
    %swap3A_127 = arith.constant 336 : index
    %swap3A_128 = tpu.vector_load %arg6[%swap3A_127] {strides = array<i32>} : memref<512xf32, #tpu.memory_space<vmem>>, vector<16xf32>,
    %swap3A_129 = vector.shape_cast %swap3A_128 : vector<16xf32> to vector<16xf32>
    %swap3A_130 = vector.shape_cast %broadcast_in_dim3A_126 : vector<16xf32> to vector<16xf32>
    tpu.vector_store %arg6[%swap3A_127], %swap3A_130 {strides = array<i32>} : memref<512xf32, #tpu.memory_space<vmem>>, vector<16xf32>,
    %broadcast_in_dim3A_131 = arith.constant 1.000000e+00 : f32
    %broadcast_in_dim3A_132 = vector.broadcast %broadcast_in_dim3A_131 : f32 to vector<16xf32>
    %swap3A_133 = arith.constant 352 : index
    %swap3A_134 = tpu.vector_load %arg6[%swap3A_133] {strides = array<i32>} : memref<512xf32, #tpu.memory_space<vmem>>, vector<16xf32>,
    %swap3A_135 = vector.shape_cast %swap3A_134 : vector<16xf32> to vector<16xf32>
    %swap3A_136 = vector.shape_cast %broadcast_in_dim3A_132 : vector<16xf32> to vector<16xf32>
    tpu.vector_store %arg6[%swap3A_133], %swap3A_136 {strides = array<i32>} : memref<512xf32, #tpu.memory_space<vmem>>, vector<16xf32>,
    %broadcast_in_dim3A_137 = arith.constant 1.000000e+00 : f32
    %broadcast_in_dim3A_138 = vector.broadcast %broadcast_in_dim3A_137 : f32 to vector<16xf32>
    %swap3A_139 = arith.constant 368 : index
    %swap3A_140 = tpu.vector_load %arg6[%swap3A_139] {strides = array<i32>} : memref<512xf32, #tpu.memory_space<vmem>>, vector<16xf32>,
    %swap3A_141 = vector.shape_cast %swap3A_140 : vector<16xf32> to vector<16xf32>
    %swap3A_142 = vector.shape_cast %broadcast_in_dim3A_138 : vector<16xf32> to vector<16xf32>
    tpu.vector_store %arg6[%swap3A_139], %swap3A_142 {strides = array<i32>} : memref<512xf32, #tpu.memory_space<vmem>>, vector<16xf32>,
    %broadcast_in_dim3A_143 = arith.constant 1.000000e+00 : f32
    %broadcast_in_dim3A_144 = vector.broadcast %broadcast_in_dim3A_143 : f32 to vector<16xf32>
    %swap3A_145 = arith.constant 384 : index
    %swap3A_146 = tpu.vector_load %arg6[%swap3A_145] {strides = array<i32>} : memref<512xf32, #tpu.memory_space<vmem>>, vector<16xf32>,
    %swap3A_147 = vector.shape_cast %swap3A_146 : vector<16xf32> to vector<16xf32>
    %swap3A_148 = vector.shape_cast %broadcast_in_dim3A_144 : vector<16xf32> to vector<16xf32>
    tpu.vector_store %arg6[%swap3A_145], %swap3A_148 {strides = array<i32>} : memref<512xf32, #tpu.memory_space<vmem>>, vector<16xf32>,
    %broadcast_in_dim3A_149 = arith.constant 1.000000e+00 : f32
    %broadcast_in_dim3A_150 = vector.broadcast %broadcast_in_dim3A_149 : f32 to vector<16xf32>
    %swap3A_151 = arith.constant 400 : index
    %swap3A_152 = tpu.vector_load %arg6[%swap3A_151] {strides = array<i32>} : memref<512xf32, #tpu.memory_space<vmem>>, vector<16xf32>,
    %swap3A_153 = vector.shape_cast %swap3A_152 : vector<16xf32> to vector<16xf32>
    %swap3A_154 = vector.shape_cast %broadcast_in_dim3A_150 : vector<16xf32> to vector<16xf32>
    tpu.vector_store %arg6[%swap3A_151], %swap3A_154 {strides = array<i32>} : memref<512xf32, #tpu.memory_space<vmem>>, vector<16xf32>,
    %broadcast_in_dim3A_155 = arith.constant 1.000000e+00 : f32
    %broadcast_in_dim3A_156 = vector.broadcast %broadcast_in_dim3A_155 : f32 to vector<16xf32>
    %swap3A_157 = arith.constant 416 : index
    %swap3A_158 = tpu.vector_load %arg6[%swap3A_157] {strides = array<i32>} : memref<512xf32, #tpu.memory_space<vmem>>, vector<16xf32>,
    %swap3A_159 = vector.shape_cast %swap3A_158 : vector<16xf32> to vector<16xf32>
    %swap3A_160 = vector.shape_cast %broadcast_in_dim3A_156 : vector<16xf32> to vector<16xf32>
    tpu.vector_store %arg6[%swap3A_157], %swap3A_160 {strides = array<i32>} : memref<512xf32, #tpu.memory_space<vmem>>, vector<16xf32>,
    %broadcast_in_dim3A_161 = arith.constant 1.000000e+00 : f32
    %broadcast_in_dim3A_162 = vector.broadcast %broadcast_in_dim3A_161 : f32 to vector<16xf32>
    %swap3A_163 = arith.constant 432 : index
    %swap3A_164 = tpu.vector_load %arg6[%swap3A_163] {strides = array<i32>} : memref<512xf32, #tpu.memory_space<vmem>>, vector<16xf32>,
    %swap3A_165 = vector.shape_cast %swap3A_164 : vector<16xf32> to vector<16xf32>
    %swap3A_166 = vector.shape_cast %broadcast_in_dim3A_162 : vector<16xf32> to vector<16xf32>
    tpu.vector_store %arg6[%swap3A_163], %swap3A_166 {strides = array<i32>} : memref<512xf32, #tpu.memory_space<vmem>>, vector<16xf32>,
    %broadcast_in_dim3A_167 = arith.constant 1.000000e+00 : f32
    %broadcast_in_dim3A_168 = vector.broadcast %broadcast_in_dim3A_167 : f32 to vector<16xf32>
    %swap3A_169 = arith.constant 448 : index
    %swap3A_170 = tpu.vector_load %arg6[%swap3A_169] {strides = array<i32>} : memref<512xf32, #tpu.memory_space<vmem>>, vector<16xf32>,
    %swap3A_171 = vector.shape_cast %swap3A_170 : vector<16xf32> to vector<16xf32>
    %swap3A_172 = vector.shape_cast %broadcast_in_dim3A_168 : vector<16xf32> to vector<16xf32>
    tpu.vector_store %arg6[%swap3A_169], %swap3A_172 {strides = array<i32>} : memref<512xf32, #tpu.memory_space<vmem>>, vector<16xf32>,
    %broadcast_in_dim3A_173 = arith.constant 1.000000e+00 : f32
    %broadcast_in_dim3A_174 = vector.broadcast %broadcast_in_dim3A_173 : f32 to vector<16xf32>
    %swap3A_175 = arith.constant 464 : index
    %swap3A_176 = tpu.vector_load %arg6[%swap3A_175] {strides = array<i32>} : memref<512xf32, #tpu.memory_space<vmem>>, vector<16xf32>,
    %swap3A_177 = vector.shape_cast %swap3A_176 : vector<16xf32> to vector<16xf32>
    %swap3A_178 = vector.shape_cast %broadcast_in_dim3A_174 : vector<16xf32> to vector<16xf32>
    tpu.vector_store %arg6[%swap3A_175], %swap3A_178 {strides = array<i32>} : memref<512xf32, #tpu.memory_space<vmem>>, vector<16xf32>,
    %broadcast_in_dim3A_179 = arith.constant 1.000000e+00 : f32
    %broadcast_in_dim3A_180 = vector.broadcast %broadcast_in_dim3A_179 : f32 to vector<16xf32>
    %swap3A_181 = arith.constant 480 : index
    %swap3A_182 = tpu.vector_load %arg6[%swap3A_181] {strides = array<i32>} : memref<512xf32, #tpu.memory_space<vmem>>, vector<16xf32>,
    %swap3A_183 = vector.shape_cast %swap3A_182 : vector<16xf32> to vector<16xf32>
    %swap3A_184 = vector.shape_cast %broadcast_in_dim3A_180 : vector<16xf32> to vector<16xf32>
    tpu.vector_store %arg6[%swap3A_181], %swap3A_184 {strides = array<i32>} : memref<512xf32, #tpu.memory_space<vmem>>, vector<16xf32>,
    %broadcast_in_dim3A_185 = arith.constant 1.000000e+00 : f32
    %broadcast_in_dim3A_186 = vector.broadcast %broadcast_in_dim3A_185 : f32 to vector<16xf32>
    %swap3A_187 = arith.constant 496 : index
    %swap3A_188 = tpu.vector_load %arg6[%swap3A_187] {strides = array<i32>} : memref<512xf32, #tpu.memory_space<vmem>>, vector<16xf32>,
    %swap3A_189 = vector.shape_cast %swap3A_188 : vector<16xf32> to vector<16xf32>
    %swap3A_190 = vector.shape_cast %broadcast_in_dim3A_186 : vector<16xf32> to vector<16xf32>
    tpu.vector_store %arg6[%swap3A_187], %swap3A_190 {strides = array<i32>} : memref<512xf32, #tpu.memory_space<vmem>>, vector<16xf32>,
    %mul3A_191 = arith.constant 640 : i32
    %mul3A_192 = arith.muli %arg1, %mul3A_191 : i32
    %mul3A_193 = arith.constant 640 : i32
    %mul3A_194 = arith.muli %arg1, %mul3A_193 : i32
    "tpu.region"() ({
      %run_scoped3A = tpu.sem_alloc : memref<!tpu.dma_semaphore, #tpu.memory_space<semaphore_mem>>
      %dma_start3A = tpu.memref_slice %arg7[%mul3A_194] : memref<10240xf32, #tpu.memory_space<vmem_shared>> -> memref<640xf32, #tpu.memory_space<vmem_shared>>
      %dma_start3A_205 = tpu.memref_slice %arg2[%arg0, %mul3A_192] : memref<2x10240xf32, #tpu.memory_space<hbm>> -> memref<1x640xf32, #tpu.memory_space<hbm>>
      %dma_start3A_206 = tpu.memref_squeeze %dma_start3A_205 : memref<1x640xf32, #tpu.memory_space<hbm>> -> memref<640xf32, #tpu.memory_space<hbm>>
      tpu.enqueue_dma source(%dma_start3A_206 : memref<640xf32, #tpu.memory_space<hbm>>) target(%dma_start3A : memref<640xf32, #tpu.memory_space<vmem_shared>>) target_semaphore(%run_scoped3A : memref<!tpu.dma_semaphore, #tpu.memory_space<semaphore_mem>>)
      %dma_wait3A = tpu.memref_slice %arg7[%mul3A_194] : memref<10240xf32, #tpu.memory_space<vmem_shared>> -> memref<640xf32, #tpu.memory_space<vmem_shared>>
      %dma_wait3A_207 = tpu.memref_slice %arg2[%arg0, %mul3A_192] : memref<2x10240xf32, #tpu.memory_space<hbm>> -> memref<1x640xf32, #tpu.memory_space<hbm>>
      %dma_wait3A_208 = tpu.memref_squeeze %dma_wait3A_207 : memref<1x640xf32, #tpu.memory_space<hbm>> -> memref<640xf32, #tpu.memory_space<hbm>>
      tpu.wait_dma2 semaphore(%run_scoped3A : memref<!tpu.dma_semaphore, #tpu.memory_space<semaphore_mem>>) src(%dma_wait3A_208 : memref<640xf32, #tpu.memory_space<hbm>>) dst(%dma_wait3A : memref<640xf32, #tpu.memory_space<vmem_shared>>)
      tpu.yield
    }) : () -> ()
    %barrier3A = arith.constant 0 : index
    tpu.barrier barrier_id(%barrier3A)
    %scan3A = arith.constant 0 : i32
    %scan3A_195 = arith.constant 0 : i32
    %scan3A_196 = arith.constant 20 : i32
    %scan3A_197 = arith.addi %scan3A_195, %scan3A_196 : i32
    %scan3A_198 = arith.constant 1 : i32
    scf.for %scan3A_205 = %scan3A_195 to %scan3A_197 step %scan3A_198  : i32 {
      "tpu.region"() ({
        %run_scoped3A = tpu.sem_alloc : memref<!tpu.dma_semaphore, #tpu.memory_space<semaphore_mem>>
        %dma_start3A = arith.constant 0 : i32
        %dma_start3A_206 = tpu.memref_slice %arg5[%scan3A_205, %dma_start3A] : memref<20x512xi32, #tpu.memory_space<vmem>> -> memref<1x512xi32, #tpu.memory_space<vmem>>
        %dma_start3A_207 = tpu.memref_squeeze %dma_start3A_206 : memref<1x512xi32, #tpu.memory_space<vmem>> -> memref<512xi32, #tpu.memory_space<vmem>>
        %dma_start3A_208 = arith.constant 0 : i32
        %dma_start3A_209 = tpu.memref_slice %arg7[%dma_start3A_208] : memref<10240xf32, #tpu.memory_space<vmem_shared>> -> memref<10240xf32, #tpu.memory_space<vmem_shared>>
        tpu.enqueue_indirect_dma source(%arg6 : memref<512xf32, #tpu.memory_space<vmem>>) target(%dma_start3A_209 : memref<10240xf32, #tpu.memory_space<vmem_shared>>) offsets(%dma_start3A_207 : memref<512xi32, #tpu.memory_space<vmem>>) semaphore(%run_scoped3A : memref<!tpu.dma_semaphore, #tpu.memory_space<semaphore_mem>>) {add = true}
        %dma_wait3A = arith.constant 0 : i32
        %dma_wait3A_210 = tpu.memref_slice %arg5[%scan3A_205, %dma_wait3A] : memref<20x512xi32, #tpu.memory_space<vmem>> -> memref<1x512xi32, #tpu.memory_space<vmem>>
        %dma_wait3A_211 = tpu.memref_squeeze %dma_wait3A_210 : memref<1x512xi32, #tpu.memory_space<vmem>> -> memref<512xi32, #tpu.memory_space<vmem>>
        %dma_wait3A_212 = arith.constant 0 : i32
        %dma_wait3A_213 = tpu.memref_slice %arg7[%dma_wait3A_212] : memref<10240xf32, #tpu.memory_space<vmem_shared>> -> memref<10240xf32, #tpu.memory_space<vmem_shared>>
        tpu.wait_indirect_dma semaphore(%run_scoped3A : memref<!tpu.dma_semaphore, #tpu.memory_space<semaphore_mem>>) src(%arg6 : memref<512xf32, #tpu.memory_space<vmem>>) dst(%dma_wait3A_213 : memref<10240xf32, #tpu.memory_space<vmem_shared>>)
        tpu.yield
      }) : () -> ()
    }
    %scan3A_199 = arith.constant 20 : i32
    %barrier3A_200 = arith.constant 0 : index
    tpu.barrier barrier_id(%barrier3A_200)
    %mul3A_201 = arith.constant 640 : i32
    %mul3A_202 = arith.muli %arg1, %mul3A_201 : i32
    %mul3A_203 = arith.constant 640 : i32
    %mul3A_204 = arith.muli %arg1, %mul3A_203 : i32
    "tpu.region"() ({
      %run_scoped3A = tpu.sem_alloc : memref<!tpu.dma_semaphore, #tpu.memory_space<semaphore_mem>>
      %dma_start3A = tpu.memref_slice %arg4[%arg0, %mul3A_204] : memref<2x10240xf32, #tpu.memory_space<hbm>> -> memref<1x640xf32, #tpu.memory_space<hbm>>
      %dma_start3A_205 = tpu.memref_squeeze %dma_start3A : memref<1x640xf32, #tpu.memory_space<hbm>> -> memref<640xf32, #tpu.memory_space<hbm>>
      %dma_start3A_206 = tpu.memref_slice %arg7[%mul3A_202] : memref<10240xf32, #tpu.memory_space<vmem_shared>> -> memref<640xf32, #tpu.memory_space<vmem_shared>>
      tpu.enqueue_dma source(%dma_start3A_206 : memref<640xf32, #tpu.memory_space<vmem_shared>>) target(%dma_start3A_205 : memref<640xf32, #tpu.memory_space<hbm>>) target_semaphore(%run_scoped3A : memref<!tpu.dma_semaphore, #tpu.memory_space<semaphore_mem>>)
      %dma_wait3A = tpu.memref_slice %arg4[%arg0, %mul3A_204] : memref<2x10240xf32, #tpu.memory_space<hbm>> -> memref<1x640xf32, #tpu.memory_space<hbm>>
      %dma_wait3A_207 = tpu.memref_squeeze %dma_wait3A : memref<1x640xf32, #tpu.memory_space<hbm>> -> memref<640xf32, #tpu.memory_space<hbm>>
      %dma_wait3A_208 = tpu.memref_slice %arg7[%mul3A_202] : memref<10240xf32, #tpu.memory_space<vmem_shared>> -> memref<640xf32, #tpu.memory_space<vmem_shared>>
      tpu.wait_dma2 semaphore(%run_scoped3A : memref<!tpu.dma_semaphore, #tpu.memory_space<semaphore_mem>>) src(%dma_wait3A_208 : memref<640xf32, #tpu.memory_space<vmem_shared>>) dst(%dma_wait3A_207 : memref<640xf32, #tpu.memory_space<hbm>>)
      tpu.yield
    }) : () -> ()
    return
  }
}

#map = affine_map<(d0, d1) -> (0, 0)>
#map1 = affine_map<(d0, d1) -> (0, 0, 0)>
module attributes {stable_mosaic.version = 14 : i64} {
  func.func @_agg_body(%arg0: i32, %arg1: i32, %arg2: memref<20480x64xf32, #tpu.memory_space<hbm>>, %arg3: memref<16x40x512xi32, #tpu.memory_space<hbm>>, %arg4: memref<16x40x512xi32, #tpu.memory_space<hbm>>, %arg5: memref<2x10240x64xf32, #tpu.memory_space<hbm>>, %arg6: memref<20x512xi32, #tpu.memory_space<vmem>>, %arg7: memref<20x512xi32, #tpu.memory_space<vmem>>, %arg8: memref<512x64xf32, #tpu.memory_space<vmem>>, %arg9: memref<512x64xf32, #tpu.memory_space<vmem>>, %arg10: memref<10240x64xf32, #tpu.memory_space<vmem_shared>>, %arg11: memref<!tpu.dma_semaphore, #tpu.memory_space<semaphore_mem>>, %arg12: memref<!tpu.dma_semaphore, #tpu.memory_space<semaphore_mem>>) attributes {dimension_semantics = [#tpu.dimension_semantics<core_parallel>, #tpu.dimension_semantics<subcore_parallel>], iteration_bounds = array<i64: 2, 16>, scalar_prefetch = 0 : i64, scratch_operands = 7 : i64, tpu.core_type = #tpu.core_type<sc_vector_subcore>, window_params = [{transform_indices = #map}, {transform_indices = #map1}, {transform_indices = #map1}, {transform_indices = #map1}]} {
    %mul3A = arith.constant 10240 : i32
    %mul3A_0 = arith.muli %arg0, %mul3A : i32
    %mul3A_1 = arith.constant 10240 : i32
    %mul3A_2 = arith.muli %arg0, %mul3A_1 : i32
    %mul3A_3 = arith.constant 640 : i32
    %mul3A_4 = arith.muli %arg1, %mul3A_3 : i32
    %add3A = arith.addi %mul3A_2, %mul3A_4 : i32
    %mul3A_5 = arith.constant 640 : i32
    %mul3A_6 = arith.muli %arg1, %mul3A_5 : i32
    "tpu.region"() ({
      %run_scoped3A = tpu.sem_alloc : memref<!tpu.dma_semaphore, #tpu.memory_space<semaphore_mem>>
      %dma_start3A_40 = arith.constant 0 : i32
      %dma_start3A_41 = tpu.memref_slice %arg10[%mul3A_6, %dma_start3A_40] : memref<10240x64xf32, #tpu.memory_space<vmem_shared>> -> memref<640x64xf32, #tpu.memory_space<vmem_shared>>
      %dma_start3A_42 = arith.constant 0 : i32
      %dma_start3A_43 = tpu.memref_slice %arg2[%add3A, %dma_start3A_42] : memref<20480x64xf32, #tpu.memory_space<hbm>> -> memref<640x64xf32, #tpu.memory_space<hbm>>
      tpu.enqueue_dma source(%dma_start3A_43 : memref<640x64xf32, #tpu.memory_space<hbm>>) target(%dma_start3A_41 : memref<640x64xf32, #tpu.memory_space<vmem_shared>>) target_semaphore(%run_scoped3A : memref<!tpu.dma_semaphore, #tpu.memory_space<semaphore_mem>>)
      %dma_wait3A = arith.constant 0 : i32
      %dma_wait3A_44 = tpu.memref_slice %arg10[%mul3A_6, %dma_wait3A] : memref<10240x64xf32, #tpu.memory_space<vmem_shared>> -> memref<640x64xf32, #tpu.memory_space<vmem_shared>>
      %dma_wait3A_45 = arith.constant 0 : i32
      %dma_wait3A_46 = tpu.memref_slice %arg2[%add3A, %dma_wait3A_45] : memref<20480x64xf32, #tpu.memory_space<hbm>> -> memref<640x64xf32, #tpu.memory_space<hbm>>
      tpu.wait_dma2 semaphore(%run_scoped3A : memref<!tpu.dma_semaphore, #tpu.memory_space<semaphore_mem>>) src(%dma_wait3A_46 : memref<640x64xf32, #tpu.memory_space<hbm>>) dst(%dma_wait3A_44 : memref<640x64xf32, #tpu.memory_space<vmem_shared>>)
      tpu.yield
    }) : () -> ()
    %barrier3A = arith.constant 0 : index
    tpu.barrier barrier_id(%barrier3A)
    "tpu.region"() ({
      %run_scoped3A = tpu.sem_alloc : memref<!tpu.dma_semaphore, #tpu.memory_space<semaphore_mem>>
      %dma_start3A_40 = arith.constant 0 : i32
      %dma_start3A_41 = arith.constant 0 : i32
      %dma_start3A_42 = tpu.memref_slice %arg3[%arg1, %dma_start3A_40, %dma_start3A_41] : memref<16x40x512xi32, #tpu.memory_space<hbm>> -> memref<1x20x512xi32, #tpu.memory_space<hbm>>
      %dma_start3A_43 = tpu.memref_squeeze %dma_start3A_42 : memref<1x20x512xi32, #tpu.memory_space<hbm>> -> memref<20x512xi32, #tpu.memory_space<hbm>>
      %dma_start3A_44 = arith.constant 0 : i32
      %dma_start3A_45 = arith.constant 0 : i32
      %dma_start3A_46 = tpu.memref_slice %arg3[%arg1, %dma_start3A_44, %dma_start3A_45] : memref<16x40x512xi32, #tpu.memory_space<hbm>> -> memref<1x20x512xi32, #tpu.memory_space<hbm>>
      %dma_start3A_47 = tpu.memref_squeeze %dma_start3A_46 : memref<1x20x512xi32, #tpu.memory_space<hbm>> -> memref<20x512xi32, #tpu.memory_space<hbm>>
      tpu.enqueue_dma source(%dma_start3A_47 : memref<20x512xi32, #tpu.memory_space<hbm>>) target(%arg6 : memref<20x512xi32, #tpu.memory_space<vmem>>) target_semaphore(%run_scoped3A : memref<!tpu.dma_semaphore, #tpu.memory_space<semaphore_mem>>)
      %dma_wait3A = arith.constant 0 : i32
      %dma_wait3A_48 = arith.constant 0 : i32
      %dma_wait3A_49 = tpu.memref_slice %arg3[%arg1, %dma_wait3A, %dma_wait3A_48] : memref<16x40x512xi32, #tpu.memory_space<hbm>> -> memref<1x20x512xi32, #tpu.memory_space<hbm>>
      %dma_wait3A_50 = tpu.memref_squeeze %dma_wait3A_49 : memref<1x20x512xi32, #tpu.memory_space<hbm>> -> memref<20x512xi32, #tpu.memory_space<hbm>>
      %dma_wait3A_51 = arith.constant 0 : i32
      %dma_wait3A_52 = arith.constant 0 : i32
      %dma_wait3A_53 = tpu.memref_slice %arg3[%arg1, %dma_wait3A_51, %dma_wait3A_52] : memref<16x40x512xi32, #tpu.memory_space<hbm>> -> memref<1x20x512xi32, #tpu.memory_space<hbm>>
      %dma_wait3A_54 = tpu.memref_squeeze %dma_wait3A_53 : memref<1x20x512xi32, #tpu.memory_space<hbm>> -> memref<20x512xi32, #tpu.memory_space<hbm>>
      tpu.wait_dma2 semaphore(%run_scoped3A : memref<!tpu.dma_semaphore, #tpu.memory_space<semaphore_mem>>) src(%dma_wait3A_54 : memref<20x512xi32, #tpu.memory_space<hbm>>) dst(%arg6 : memref<20x512xi32, #tpu.memory_space<vmem>>)
      tpu.yield
    }) : () -> ()
    "tpu.region"() ({
      %run_scoped3A = tpu.sem_alloc : memref<!tpu.dma_semaphore, #tpu.memory_space<semaphore_mem>>
      %dma_start3A_40 = arith.constant 0 : i32
      %dma_start3A_41 = arith.constant 0 : i32
      %dma_start3A_42 = tpu.memref_slice %arg4[%arg1, %dma_start3A_40, %dma_start3A_41] : memref<16x40x512xi32, #tpu.memory_space<hbm>> -> memref<1x20x512xi32, #tpu.memory_space<hbm>>
      %dma_start3A_43 = tpu.memref_squeeze %dma_start3A_42 : memref<1x20x512xi32, #tpu.memory_space<hbm>> -> memref<20x512xi32, #tpu.memory_space<hbm>>
      %dma_start3A_44 = arith.constant 0 : i32
      %dma_start3A_45 = arith.constant 0 : i32
      %dma_start3A_46 = tpu.memref_slice %arg4[%arg1, %dma_start3A_44, %dma_start3A_45] : memref<16x40x512xi32, #tpu.memory_space<hbm>> -> memref<1x20x512xi32, #tpu.memory_space<hbm>>
      %dma_start3A_47 = tpu.memref_squeeze %dma_start3A_46 : memref<1x20x512xi32, #tpu.memory_space<hbm>> -> memref<20x512xi32, #tpu.memory_space<hbm>>
      tpu.enqueue_dma source(%dma_start3A_47 : memref<20x512xi32, #tpu.memory_space<hbm>>) target(%arg7 : memref<20x512xi32, #tpu.memory_space<vmem>>) target_semaphore(%run_scoped3A : memref<!tpu.dma_semaphore, #tpu.memory_space<semaphore_mem>>)
      %dma_wait3A = arith.constant 0 : i32
      %dma_wait3A_48 = arith.constant 0 : i32
      %dma_wait3A_49 = tpu.memref_slice %arg4[%arg1, %dma_wait3A, %dma_wait3A_48] : memref<16x40x512xi32, #tpu.memory_space<hbm>> -> memref<1x20x512xi32, #tpu.memory_space<hbm>>
      %dma_wait3A_50 = tpu.memref_squeeze %dma_wait3A_49 : memref<1x20x512xi32, #tpu.memory_space<hbm>> -> memref<20x512xi32, #tpu.memory_space<hbm>>
      %dma_wait3A_51 = arith.constant 0 : i32
      %dma_wait3A_52 = arith.constant 0 : i32
      %dma_wait3A_53 = tpu.memref_slice %arg4[%arg1, %dma_wait3A_51, %dma_wait3A_52] : memref<16x40x512xi32, #tpu.memory_space<hbm>> -> memref<1x20x512xi32, #tpu.memory_space<hbm>>
      %dma_wait3A_54 = tpu.memref_squeeze %dma_wait3A_53 : memref<1x20x512xi32, #tpu.memory_space<hbm>> -> memref<20x512xi32, #tpu.memory_space<hbm>>
      tpu.wait_dma2 semaphore(%run_scoped3A : memref<!tpu.dma_semaphore, #tpu.memory_space<semaphore_mem>>) src(%dma_wait3A_54 : memref<20x512xi32, #tpu.memory_space<hbm>>) dst(%arg7 : memref<20x512xi32, #tpu.memory_space<vmem>>)
      tpu.yield
    }) : () -> ()
    %dma_start3A = arith.constant 0 : i32
    %dma_start3A_7 = arith.constant 0 : i32
    %dma_start3A_8 = tpu.memref_slice %arg6[%dma_start3A, %dma_start3A_7] : memref<20x512xi32, #tpu.memory_space<vmem>> -> memref<1x512xi32, #tpu.memory_space<vmem>>
    %dma_start3A_9 = tpu.memref_squeeze %dma_start3A_8 : memref<1x512xi32, #tpu.memory_space<vmem>> -> memref<512xi32, #tpu.memory_space<vmem>>
    %dma_start3A_10 = arith.constant 0 : i32
    %dma_start3A_11 = tpu.memref_slice %arg2[%mul3A_0, %dma_start3A_10] : memref<20480x64xf32, #tpu.memory_space<hbm>> -> memref<10240x64xf32, #tpu.memory_space<hbm>>
    %dma_start3A_12 = arith.constant 0 : i32
    %dma_start3A_13 = arith.constant 0 : i32
    %dma_start3A_14 = tpu.memref_slice %dma_start3A_11[%dma_start3A_12, %dma_start3A_13] : memref<10240x64xf32, #tpu.memory_space<hbm>> -> memref<10240x64xf32, #tpu.memory_space<hbm>>
    tpu.enqueue_indirect_dma source(%dma_start3A_14 : memref<10240x64xf32, #tpu.memory_space<hbm>>) target(%arg8 : memref<512x64xf32, #tpu.memory_space<vmem>>) offsets(%dma_start3A_9 : memref<512xi32, #tpu.memory_space<vmem>>) semaphore(%arg11 : memref<!tpu.dma_semaphore, #tpu.memory_space<semaphore_mem>>)
    %scan3A = arith.constant 0 : i32
    %scan3A_15 = arith.constant 0 : i32
    %scan3A_16 = arith.constant 10 : i32
    %scan3A_17 = arith.addi %scan3A_15, %scan3A_16 : i32
    %scan3A_18 = arith.constant 1 : i32
    scf.for %scan3A_40 = %scan3A_15 to %scan3A_17 step %scan3A_18  : i32 {
      %mul3A_41 = arith.constant 2 : i32
      %mul3A_42 = arith.muli %scan3A_40, %mul3A_41 : i32
      %add3A_43 = arith.constant 1 : i32
      %add3A_44 = arith.addi %mul3A_42, %add3A_43 : i32
      %dma_start3A_45 = arith.constant 0 : i32
      %dma_start3A_46 = tpu.memref_slice %arg6[%add3A_44, %dma_start3A_45] : memref<20x512xi32, #tpu.memory_space<vmem>> -> memref<1x512xi32, #tpu.memory_space<vmem>>
      %dma_start3A_47 = tpu.memref_squeeze %dma_start3A_46 : memref<1x512xi32, #tpu.memory_space<vmem>> -> memref<512xi32, #tpu.memory_space<vmem>>
      %dma_start3A_48 = arith.constant 0 : i32
      %dma_start3A_49 = tpu.memref_slice %arg2[%mul3A_0, %dma_start3A_48] : memref<20480x64xf32, #tpu.memory_space<hbm>> -> memref<10240x64xf32, #tpu.memory_space<hbm>>
      %dma_start3A_50 = arith.constant 0 : i32
      %dma_start3A_51 = arith.constant 0 : i32
      %dma_start3A_52 = tpu.memref_slice %dma_start3A_49[%dma_start3A_50, %dma_start3A_51] : memref<10240x64xf32, #tpu.memory_space<hbm>> -> memref<10240x64xf32, #tpu.memory_space<hbm>>
      tpu.enqueue_indirect_dma source(%dma_start3A_52 : memref<10240x64xf32, #tpu.memory_space<hbm>>) target(%arg9 : memref<512x64xf32, #tpu.memory_space<vmem>>) offsets(%dma_start3A_47 : memref<512xi32, #tpu.memory_space<vmem>>) semaphore(%arg12 : memref<!tpu.dma_semaphore, #tpu.memory_space<semaphore_mem>>)
      %dma_wait3A = arith.constant 0 : i32
      %dma_wait3A_53 = arith.constant 0 : i32
      %dma_wait3A_54 = tpu.memref_slice %arg6[%dma_wait3A, %dma_wait3A_53] : memref<20x512xi32, #tpu.memory_space<vmem>> -> memref<1x512xi32, #tpu.memory_space<vmem>>
      %dma_wait3A_55 = tpu.memref_squeeze %dma_wait3A_54 : memref<1x512xi32, #tpu.memory_space<vmem>> -> memref<512xi32, #tpu.memory_space<vmem>>
      %dma_wait3A_56 = arith.constant 0 : i32
      %dma_wait3A_57 = tpu.memref_slice %arg2[%mul3A_0, %dma_wait3A_56] : memref<20480x64xf32, #tpu.memory_space<hbm>> -> memref<10240x64xf32, #tpu.memory_space<hbm>>
      %dma_wait3A_58 = arith.constant 0 : i32
      %dma_wait3A_59 = arith.constant 0 : i32
      %dma_wait3A_60 = tpu.memref_slice %dma_wait3A_57[%dma_wait3A_58, %dma_wait3A_59] : memref<10240x64xf32, #tpu.memory_space<hbm>> -> memref<10240x64xf32, #tpu.memory_space<hbm>>
      tpu.wait_indirect_dma semaphore(%arg11 : memref<!tpu.dma_semaphore, #tpu.memory_space<semaphore_mem>>) src(%dma_wait3A_60 : memref<10240x64xf32, #tpu.memory_space<hbm>>) dst(%arg8 : memref<512x64xf32, #tpu.memory_space<vmem>>)
      "tpu.region"() ({
        %run_scoped3A = tpu.sem_alloc : memref<!tpu.dma_semaphore, #tpu.memory_space<semaphore_mem>>
        %dma_start3A_75 = arith.constant 0 : i32
        %dma_start3A_76 = tpu.memref_slice %arg7[%mul3A_42, %dma_start3A_75] : memref<20x512xi32, #tpu.memory_space<vmem>> -> memref<1x512xi32, #tpu.memory_space<vmem>>
        %dma_start3A_77 = tpu.memref_squeeze %dma_start3A_76 : memref<1x512xi32, #tpu.memory_space<vmem>> -> memref<512xi32, #tpu.memory_space<vmem>>
        %dma_start3A_78 = arith.constant 0 : i32
        %dma_start3A_79 = arith.constant 0 : i32
        %dma_start3A_80 = tpu.memref_slice %arg10[%dma_start3A_78, %dma_start3A_79] : memref<10240x64xf32, #tpu.memory_space<vmem_shared>> -> memref<10240x64xf32, #tpu.memory_space<vmem_shared>>
        tpu.enqueue_indirect_dma source(%arg8 : memref<512x64xf32, #tpu.memory_space<vmem>>) target(%dma_start3A_80 : memref<10240x64xf32, #tpu.memory_space<vmem_shared>>) offsets(%dma_start3A_77 : memref<512xi32, #tpu.memory_space<vmem>>) semaphore(%run_scoped3A : memref<!tpu.dma_semaphore, #tpu.memory_space<semaphore_mem>>) {add = true}
        %dma_wait3A_81 = arith.constant 0 : i32
        %dma_wait3A_82 = tpu.memref_slice %arg7[%mul3A_42, %dma_wait3A_81] : memref<20x512xi32, #tpu.memory_space<vmem>> -> memref<1x512xi32, #tpu.memory_space<vmem>>
        %dma_wait3A_83 = tpu.memref_squeeze %dma_wait3A_82 : memref<1x512xi32, #tpu.memory_space<vmem>> -> memref<512xi32, #tpu.memory_space<vmem>>
        %dma_wait3A_84 = arith.constant 0 : i32
        %dma_wait3A_85 = arith.constant 0 : i32
        %dma_wait3A_86 = tpu.memref_slice %arg10[%dma_wait3A_84, %dma_wait3A_85] : memref<10240x64xf32, #tpu.memory_space<vmem_shared>> -> memref<10240x64xf32, #tpu.memory_space<vmem_shared>>
        tpu.wait_indirect_dma semaphore(%run_scoped3A : memref<!tpu.dma_semaphore, #tpu.memory_space<semaphore_mem>>) src(%arg8 : memref<512x64xf32, #tpu.memory_space<vmem>>) dst(%dma_wait3A_86 : memref<10240x64xf32, #tpu.memory_space<vmem_shared>>)
        tpu.yield
      }) : () -> ()
      %add3A_61 = arith.constant 1 : i32
      %add3A_62 = arith.addi %scan3A_40, %add3A_61 : i32
      %lt3A = arith.constant 10 : i32
      %lt3A_63 = arith.cmpi slt, %add3A_62, %lt3A : i32
      %convert_element_type3A = arith.extui %lt3A_63 : i1 to i32
      %cond3A = arith.constant 0 : i32
      %cond3A_64 = arith.cmpi ne, %convert_element_type3A, %cond3A : i32
      scf.if %cond3A_64 {
        %add3A_75 = arith.constant 2 : i32
        %add3A_76 = arith.addi %mul3A_42, %add3A_75 : i32
        %dma_start3A_77 = arith.constant 0 : i32
        %dma_start3A_78 = tpu.memref_slice %arg6[%add3A_76, %dma_start3A_77] : memref<20x512xi32, #tpu.memory_space<vmem>> -> memref<1x512xi32, #tpu.memory_space<vmem>>
        %dma_start3A_79 = tpu.memref_squeeze %dma_start3A_78 : memref<1x512xi32, #tpu.memory_space<vmem>> -> memref<512xi32, #tpu.memory_space<vmem>>
        %dma_start3A_80 = arith.constant 0 : i32
        %dma_start3A_81 = tpu.memref_slice %arg2[%mul3A_0, %dma_start3A_80] : memref<20480x64xf32, #tpu.memory_space<hbm>> -> memref<10240x64xf32, #tpu.memory_space<hbm>>
        %dma_start3A_82 = arith.constant 0 : i32
        %dma_start3A_83 = arith.constant 0 : i32
        %dma_start3A_84 = tpu.memref_slice %dma_start3A_81[%dma_start3A_82, %dma_start3A_83] : memref<10240x64xf32, #tpu.memory_space<hbm>> -> memref<10240x64xf32, #tpu.memory_space<hbm>>
        tpu.enqueue_indirect_dma source(%dma_start3A_84 : memref<10240x64xf32, #tpu.memory_space<hbm>>) target(%arg8 : memref<512x64xf32, #tpu.memory_space<vmem>>) offsets(%dma_start3A_79 : memref<512xi32, #tpu.memory_space<vmem>>) semaphore(%arg11 : memref<!tpu.dma_semaphore, #tpu.memory_space<semaphore_mem>>)
      } else {
      }
      %dma_wait3A_65 = arith.constant 0 : i32
      %dma_wait3A_66 = tpu.memref_slice %arg6[%add3A_44, %dma_wait3A_65] : memref<20x512xi32, #tpu.memory_space<vmem>> -> memref<1x512xi32, #tpu.memory_space<vmem>>
      %dma_wait3A_67 = tpu.memref_squeeze %dma_wait3A_66 : memref<1x512xi32, #tpu.memory_space<vmem>> -> memref<512xi32, #tpu.memory_space<vmem>>
      %dma_wait3A_68 = arith.constant 0 : i32
      %dma_wait3A_69 = tpu.memref_slice %arg2[%mul3A_0, %dma_wait3A_68] : memref<20480x64xf32, #tpu.memory_space<hbm>> -> memref<10240x64xf32, #tpu.memory_space<hbm>>
      %dma_wait3A_70 = arith.constant 0 : i32
      %dma_wait3A_71 = arith.constant 0 : i32
      %dma_wait3A_72 = tpu.memref_slice %dma_wait3A_69[%dma_wait3A_70, %dma_wait3A_71] : memref<10240x64xf32, #tpu.memory_space<hbm>> -> memref<10240x64xf32, #tpu.memory_space<hbm>>
      tpu.wait_indirect_dma semaphore(%arg12 : memref<!tpu.dma_semaphore, #tpu.memory_space<semaphore_mem>>) src(%dma_wait3A_72 : memref<10240x64xf32, #tpu.memory_space<hbm>>) dst(%arg9 : memref<512x64xf32, #tpu.memory_space<vmem>>)
      %add3A_73 = arith.constant 1 : i32
      %add3A_74 = arith.addi %mul3A_42, %add3A_73 : i32
      "tpu.region"() ({
        %run_scoped3A = tpu.sem_alloc : memref<!tpu.dma_semaphore, #tpu.memory_space<semaphore_mem>>
        %dma_start3A_75 = arith.constant 0 : i32
        %dma_start3A_76 = tpu.memref_slice %arg7[%add3A_74, %dma_start3A_75] : memref<20x512xi32, #tpu.memory_space<vmem>> -> memref<1x512xi32, #tpu.memory_space<vmem>>
        %dma_start3A_77 = tpu.memref_squeeze %dma_start3A_76 : memref<1x512xi32, #tpu.memory_space<vmem>> -> memref<512xi32, #tpu.memory_space<vmem>>
        %dma_start3A_78 = arith.constant 0 : i32
        %dma_start3A_79 = arith.constant 0 : i32
        %dma_start3A_80 = tpu.memref_slice %arg10[%dma_start3A_78, %dma_start3A_79] : memref<10240x64xf32, #tpu.memory_space<vmem_shared>> -> memref<10240x64xf32, #tpu.memory_space<vmem_shared>>
        tpu.enqueue_indirect_dma source(%arg9 : memref<512x64xf32, #tpu.memory_space<vmem>>) target(%dma_start3A_80 : memref<10240x64xf32, #tpu.memory_space<vmem_shared>>) offsets(%dma_start3A_77 : memref<512xi32, #tpu.memory_space<vmem>>) semaphore(%run_scoped3A : memref<!tpu.dma_semaphore, #tpu.memory_space<semaphore_mem>>) {add = true}
        %dma_wait3A_81 = arith.constant 0 : i32
        %dma_wait3A_82 = tpu.memref_slice %arg7[%add3A_74, %dma_wait3A_81] : memref<20x512xi32, #tpu.memory_space<vmem>> -> memref<1x512xi32, #tpu.memory_space<vmem>>
        %dma_wait3A_83 = tpu.memref_squeeze %dma_wait3A_82 : memref<1x512xi32, #tpu.memory_space<vmem>> -> memref<512xi32, #tpu.memory_space<vmem>>
        %dma_wait3A_84 = arith.constant 0 : i32
        %dma_wait3A_85 = arith.constant 0 : i32
        %dma_wait3A_86 = tpu.memref_slice %arg10[%dma_wait3A_84, %dma_wait3A_85] : memref<10240x64xf32, #tpu.memory_space<vmem_shared>> -> memref<10240x64xf32, #tpu.memory_space<vmem_shared>>
        tpu.wait_indirect_dma semaphore(%run_scoped3A : memref<!tpu.dma_semaphore, #tpu.memory_space<semaphore_mem>>) src(%arg9 : memref<512x64xf32, #tpu.memory_space<vmem>>) dst(%dma_wait3A_86 : memref<10240x64xf32, #tpu.memory_space<vmem_shared>>)
        tpu.yield
      }) : () -> ()
    }
    %scan3A_19 = arith.constant 10 : i32
    "tpu.region"() ({
      %run_scoped3A = tpu.sem_alloc : memref<!tpu.dma_semaphore, #tpu.memory_space<semaphore_mem>>
      %dma_start3A_40 = arith.constant 20 : i32
      %dma_start3A_41 = arith.constant 0 : i32
      %dma_start3A_42 = tpu.memref_slice %arg3[%arg1, %dma_start3A_40, %dma_start3A_41] : memref<16x40x512xi32, #tpu.memory_space<hbm>> -> memref<1x20x512xi32, #tpu.memory_space<hbm>>
      %dma_start3A_43 = tpu.memref_squeeze %dma_start3A_42 : memref<1x20x512xi32, #tpu.memory_space<hbm>> -> memref<20x512xi32, #tpu.memory_space<hbm>>
      %dma_start3A_44 = arith.constant 20 : i32
      %dma_start3A_45 = arith.constant 0 : i32
      %dma_start3A_46 = tpu.memref_slice %arg3[%arg1, %dma_start3A_44, %dma_start3A_45] : memref<16x40x512xi32, #tpu.memory_space<hbm>> -> memref<1x20x512xi32, #tpu.memory_space<hbm>>
      %dma_start3A_47 = tpu.memref_squeeze %dma_start3A_46 : memref<1x20x512xi32, #tpu.memory_space<hbm>> -> memref<20x512xi32, #tpu.memory_space<hbm>>
      tpu.enqueue_dma source(%dma_start3A_47 : memref<20x512xi32, #tpu.memory_space<hbm>>) target(%arg6 : memref<20x512xi32, #tpu.memory_space<vmem>>) target_semaphore(%run_scoped3A : memref<!tpu.dma_semaphore, #tpu.memory_space<semaphore_mem>>)
      %dma_wait3A = arith.constant 20 : i32
      %dma_wait3A_48 = arith.constant 0 : i32
      %dma_wait3A_49 = tpu.memref_slice %arg3[%arg1, %dma_wait3A, %dma_wait3A_48] : memref<16x40x512xi32, #tpu.memory_space<hbm>> -> memref<1x20x512xi32, #tpu.memory_space<hbm>>
      %dma_wait3A_50 = tpu.memref_squeeze %dma_wait3A_49 : memref<1x20x512xi32, #tpu.memory_space<hbm>> -> memref<20x512xi32, #tpu.memory_space<hbm>>
      %dma_wait3A_51 = arith.constant 20 : i32
      %dma_wait3A_52 = arith.constant 0 : i32
      %dma_wait3A_53 = tpu.memref_slice %arg3[%arg1, %dma_wait3A_51, %dma_wait3A_52] : memref<16x40x512xi32, #tpu.memory_space<hbm>> -> memref<1x20x512xi32, #tpu.memory_space<hbm>>
      %dma_wait3A_54 = tpu.memref_squeeze %dma_wait3A_53 : memref<1x20x512xi32, #tpu.memory_space<hbm>> -> memref<20x512xi32, #tpu.memory_space<hbm>>
      tpu.wait_dma2 semaphore(%run_scoped3A : memref<!tpu.dma_semaphore, #tpu.memory_space<semaphore_mem>>) src(%dma_wait3A_54 : memref<20x512xi32, #tpu.memory_space<hbm>>) dst(%arg6 : memref<20x512xi32, #tpu.memory_space<vmem>>)
      tpu.yield
    }) : () -> ()
    "tpu.region"() ({
      %run_scoped3A = tpu.sem_alloc : memref<!tpu.dma_semaphore, #tpu.memory_space<semaphore_mem>>
      %dma_start3A_40 = arith.constant 20 : i32
      %dma_start3A_41 = arith.constant 0 : i32
      %dma_start3A_42 = tpu.memref_slice %arg4[%arg1, %dma_start3A_40, %dma_start3A_41] : memref<16x40x512xi32, #tpu.memory_space<hbm>> -> memref<1x20x512xi32, #tpu.memory_space<hbm>>
      %dma_start3A_43 = tpu.memref_squeeze %dma_start3A_42 : memref<1x20x512xi32, #tpu.memory_space<hbm>> -> memref<20x512xi32, #tpu.memory_space<hbm>>
      %dma_start3A_44 = arith.constant 20 : i32
      %dma_start3A_45 = arith.constant 0 : i32
      %dma_start3A_46 = tpu.memref_slice %arg4[%arg1, %dma_start3A_44, %dma_start3A_45] : memref<16x40x512xi32, #tpu.memory_space<hbm>> -> memref<1x20x512xi32, #tpu.memory_space<hbm>>
      %dma_start3A_47 = tpu.memref_squeeze %dma_start3A_46 : memref<1x20x512xi32, #tpu.memory_space<hbm>> -> memref<20x512xi32, #tpu.memory_space<hbm>>
      tpu.enqueue_dma source(%dma_start3A_47 : memref<20x512xi32, #tpu.memory_space<hbm>>) target(%arg7 : memref<20x512xi32, #tpu.memory_space<vmem>>) target_semaphore(%run_scoped3A : memref<!tpu.dma_semaphore, #tpu.memory_space<semaphore_mem>>)
      %dma_wait3A = arith.constant 20 : i32
      %dma_wait3A_48 = arith.constant 0 : i32
      %dma_wait3A_49 = tpu.memref_slice %arg4[%arg1, %dma_wait3A, %dma_wait3A_48] : memref<16x40x512xi32, #tpu.memory_space<hbm>> -> memref<1x20x512xi32, #tpu.memory_space<hbm>>
      %dma_wait3A_50 = tpu.memref_squeeze %dma_wait3A_49 : memref<1x20x512xi32, #tpu.memory_space<hbm>> -> memref<20x512xi32, #tpu.memory_space<hbm>>
      %dma_wait3A_51 = arith.constant 20 : i32
      %dma_wait3A_52 = arith.constant 0 : i32
      %dma_wait3A_53 = tpu.memref_slice %arg4[%arg1, %dma_wait3A_51, %dma_wait3A_52] : memref<16x40x512xi32, #tpu.memory_space<hbm>> -> memref<1x20x512xi32, #tpu.memory_space<hbm>>
      %dma_wait3A_54 = tpu.memref_squeeze %dma_wait3A_53 : memref<1x20x512xi32, #tpu.memory_space<hbm>> -> memref<20x512xi32, #tpu.memory_space<hbm>>
      tpu.wait_dma2 semaphore(%run_scoped3A : memref<!tpu.dma_semaphore, #tpu.memory_space<semaphore_mem>>) src(%dma_wait3A_54 : memref<20x512xi32, #tpu.memory_space<hbm>>) dst(%arg7 : memref<20x512xi32, #tpu.memory_space<vmem>>)
      tpu.yield
    }) : () -> ()
    %dma_start3A_20 = arith.constant 0 : i32
    %dma_start3A_21 = arith.constant 0 : i32
    %dma_start3A_22 = tpu.memref_slice %arg6[%dma_start3A_20, %dma_start3A_21] : memref<20x512xi32, #tpu.memory_space<vmem>> -> memref<1x512xi32, #tpu.memory_space<vmem>>
    %dma_start3A_23 = tpu.memref_squeeze %dma_start3A_22 : memref<1x512xi32, #tpu.memory_space<vmem>> -> memref<512xi32, #tpu.memory_space<vmem>>
    %dma_start3A_24 = arith.constant 0 : i32
    %dma_start3A_25 = tpu.memref_slice %arg2[%mul3A_0, %dma_start3A_24] : memref<20480x64xf32, #tpu.memory_space<hbm>> -> memref<10240x64xf32, #tpu.memory_space<hbm>>
    %dma_start3A_26 = arith.constant 0 : i32
    %dma_start3A_27 = arith.constant 0 : i32
    %dma_start3A_28 = tpu.memref_slice %dma_start3A_25[%dma_start3A_26, %dma_start3A_27] : memref<10240x64xf32, #tpu.memory_space<hbm>> -> memref<10240x64xf32, #tpu.memory_space<hbm>>
    tpu.enqueue_indirect_dma source(%dma_start3A_28 : memref<10240x64xf32, #tpu.memory_space<hbm>>) target(%arg8 : memref<512x64xf32, #tpu.memory_space<vmem>>) offsets(%dma_start3A_23 : memref<512xi32, #tpu.memory_space<vmem>>) semaphore(%arg11 : memref<!tpu.dma_semaphore, #tpu.memory_space<semaphore_mem>>)
    %scan3A_29 = arith.constant 0 : i32
    %scan3A_30 = arith.constant 0 : i32
    %scan3A_31 = arith.constant 10 : i32
    %scan3A_32 = arith.addi %scan3A_30, %scan3A_31 : i32
    %scan3A_33 = arith.constant 1 : i32
    scf.for %scan3A_40 = %scan3A_30 to %scan3A_32 step %scan3A_33  : i32 {
      %mul3A_41 = arith.constant 2 : i32
      %mul3A_42 = arith.muli %scan3A_40, %mul3A_41 : i32
      %add3A_43 = arith.constant 1 : i32
      %add3A_44 = arith.addi %mul3A_42, %add3A_43 : i32
      %dma_start3A_45 = arith.constant 0 : i32
      %dma_start3A_46 = tpu.memref_slice %arg6[%add3A_44, %dma_start3A_45] : memref<20x512xi32, #tpu.memory_space<vmem>> -> memref<1x512xi32, #tpu.memory_space<vmem>>
      %dma_start3A_47 = tpu.memref_squeeze %dma_start3A_46 : memref<1x512xi32, #tpu.memory_space<vmem>> -> memref<512xi32, #tpu.memory_space<vmem>>
      %dma_start3A_48 = arith.constant 0 : i32
      %dma_start3A_49 = tpu.memref_slice %arg2[%mul3A_0, %dma_start3A_48] : memref<20480x64xf32, #tpu.memory_space<hbm>> -> memref<10240x64xf32, #tpu.memory_space<hbm>>
      %dma_start3A_50 = arith.constant 0 : i32
      %dma_start3A_51 = arith.constant 0 : i32
      %dma_start3A_52 = tpu.memref_slice %dma_start3A_49[%dma_start3A_50, %dma_start3A_51] : memref<10240x64xf32, #tpu.memory_space<hbm>> -> memref<10240x64xf32, #tpu.memory_space<hbm>>
      tpu.enqueue_indirect_dma source(%dma_start3A_52 : memref<10240x64xf32, #tpu.memory_space<hbm>>) target(%arg9 : memref<512x64xf32, #tpu.memory_space<vmem>>) offsets(%dma_start3A_47 : memref<512xi32, #tpu.memory_space<vmem>>) semaphore(%arg12 : memref<!tpu.dma_semaphore, #tpu.memory_space<semaphore_mem>>)
      %dma_wait3A = arith.constant 0 : i32
      %dma_wait3A_53 = arith.constant 0 : i32
      %dma_wait3A_54 = tpu.memref_slice %arg6[%dma_wait3A, %dma_wait3A_53] : memref<20x512xi32, #tpu.memory_space<vmem>> -> memref<1x512xi32, #tpu.memory_space<vmem>>
      %dma_wait3A_55 = tpu.memref_squeeze %dma_wait3A_54 : memref<1x512xi32, #tpu.memory_space<vmem>> -> memref<512xi32, #tpu.memory_space<vmem>>
      %dma_wait3A_56 = arith.constant 0 : i32
      %dma_wait3A_57 = tpu.memref_slice %arg2[%mul3A_0, %dma_wait3A_56] : memref<20480x64xf32, #tpu.memory_space<hbm>> -> memref<10240x64xf32, #tpu.memory_space<hbm>>
      %dma_wait3A_58 = arith.constant 0 : i32
      %dma_wait3A_59 = arith.constant 0 : i32
      %dma_wait3A_60 = tpu.memref_slice %dma_wait3A_57[%dma_wait3A_58, %dma_wait3A_59] : memref<10240x64xf32, #tpu.memory_space<hbm>> -> memref<10240x64xf32, #tpu.memory_space<hbm>>
      tpu.wait_indirect_dma semaphore(%arg11 : memref<!tpu.dma_semaphore, #tpu.memory_space<semaphore_mem>>) src(%dma_wait3A_60 : memref<10240x64xf32, #tpu.memory_space<hbm>>) dst(%arg8 : memref<512x64xf32, #tpu.memory_space<vmem>>)
      "tpu.region"() ({
        %run_scoped3A = tpu.sem_alloc : memref<!tpu.dma_semaphore, #tpu.memory_space<semaphore_mem>>
        %dma_start3A_75 = arith.constant 0 : i32
        %dma_start3A_76 = tpu.memref_slice %arg7[%mul3A_42, %dma_start3A_75] : memref<20x512xi32, #tpu.memory_space<vmem>> -> memref<1x512xi32, #tpu.memory_space<vmem>>
        %dma_start3A_77 = tpu.memref_squeeze %dma_start3A_76 : memref<1x512xi32, #tpu.memory_space<vmem>> -> memref<512xi32, #tpu.memory_space<vmem>>
        %dma_start3A_78 = arith.constant 0 : i32
        %dma_start3A_79 = arith.constant 0 : i32
        %dma_start3A_80 = tpu.memref_slice %arg10[%dma_start3A_78, %dma_start3A_79] : memref<10240x64xf32, #tpu.memory_space<vmem_shared>> -> memref<10240x64xf32, #tpu.memory_space<vmem_shared>>
        tpu.enqueue_indirect_dma source(%arg8 : memref<512x64xf32, #tpu.memory_space<vmem>>) target(%dma_start3A_80 : memref<10240x64xf32, #tpu.memory_space<vmem_shared>>) offsets(%dma_start3A_77 : memref<512xi32, #tpu.memory_space<vmem>>) semaphore(%run_scoped3A : memref<!tpu.dma_semaphore, #tpu.memory_space<semaphore_mem>>) {add = true}
        %dma_wait3A_81 = arith.constant 0 : i32
        %dma_wait3A_82 = tpu.memref_slice %arg7[%mul3A_42, %dma_wait3A_81] : memref<20x512xi32, #tpu.memory_space<vmem>> -> memref<1x512xi32, #tpu.memory_space<vmem>>
        %dma_wait3A_83 = tpu.memref_squeeze %dma_wait3A_82 : memref<1x512xi32, #tpu.memory_space<vmem>> -> memref<512xi32, #tpu.memory_space<vmem>>
        %dma_wait3A_84 = arith.constant 0 : i32
        %dma_wait3A_85 = arith.constant 0 : i32
        %dma_wait3A_86 = tpu.memref_slice %arg10[%dma_wait3A_84, %dma_wait3A_85] : memref<10240x64xf32, #tpu.memory_space<vmem_shared>> -> memref<10240x64xf32, #tpu.memory_space<vmem_shared>>
        tpu.wait_indirect_dma semaphore(%run_scoped3A : memref<!tpu.dma_semaphore, #tpu.memory_space<semaphore_mem>>) src(%arg8 : memref<512x64xf32, #tpu.memory_space<vmem>>) dst(%dma_wait3A_86 : memref<10240x64xf32, #tpu.memory_space<vmem_shared>>)
        tpu.yield
      }) : () -> ()
      %add3A_61 = arith.constant 1 : i32
      %add3A_62 = arith.addi %scan3A_40, %add3A_61 : i32
      %lt3A = arith.constant 10 : i32
      %lt3A_63 = arith.cmpi slt, %add3A_62, %lt3A : i32
      %convert_element_type3A = arith.extui %lt3A_63 : i1 to i32
      %cond3A = arith.constant 0 : i32
      %cond3A_64 = arith.cmpi ne, %convert_element_type3A, %cond3A : i32
      scf.if %cond3A_64 {
        %add3A_75 = arith.constant 2 : i32
        %add3A_76 = arith.addi %mul3A_42, %add3A_75 : i32
        %dma_start3A_77 = arith.constant 0 : i32
        %dma_start3A_78 = tpu.memref_slice %arg6[%add3A_76, %dma_start3A_77] : memref<20x512xi32, #tpu.memory_space<vmem>> -> memref<1x512xi32, #tpu.memory_space<vmem>>
        %dma_start3A_79 = tpu.memref_squeeze %dma_start3A_78 : memref<1x512xi32, #tpu.memory_space<vmem>> -> memref<512xi32, #tpu.memory_space<vmem>>
        %dma_start3A_80 = arith.constant 0 : i32
        %dma_start3A_81 = tpu.memref_slice %arg2[%mul3A_0, %dma_start3A_80] : memref<20480x64xf32, #tpu.memory_space<hbm>> -> memref<10240x64xf32, #tpu.memory_space<hbm>>
        %dma_start3A_82 = arith.constant 0 : i32
        %dma_start3A_83 = arith.constant 0 : i32
        %dma_start3A_84 = tpu.memref_slice %dma_start3A_81[%dma_start3A_82, %dma_start3A_83] : memref<10240x64xf32, #tpu.memory_space<hbm>> -> memref<10240x64xf32, #tpu.memory_space<hbm>>
        tpu.enqueue_indirect_dma source(%dma_start3A_84 : memref<10240x64xf32, #tpu.memory_space<hbm>>) target(%arg8 : memref<512x64xf32, #tpu.memory_space<vmem>>) offsets(%dma_start3A_79 : memref<512xi32, #tpu.memory_space<vmem>>) semaphore(%arg11 : memref<!tpu.dma_semaphore, #tpu.memory_space<semaphore_mem>>)
      } else {
      }
      %dma_wait3A_65 = arith.constant 0 : i32
      %dma_wait3A_66 = tpu.memref_slice %arg6[%add3A_44, %dma_wait3A_65] : memref<20x512xi32, #tpu.memory_space<vmem>> -> memref<1x512xi32, #tpu.memory_space<vmem>>
      %dma_wait3A_67 = tpu.memref_squeeze %dma_wait3A_66 : memref<1x512xi32, #tpu.memory_space<vmem>> -> memref<512xi32, #tpu.memory_space<vmem>>
      %dma_wait3A_68 = arith.constant 0 : i32
      %dma_wait3A_69 = tpu.memref_slice %arg2[%mul3A_0, %dma_wait3A_68] : memref<20480x64xf32, #tpu.memory_space<hbm>> -> memref<10240x64xf32, #tpu.memory_space<hbm>>
      %dma_wait3A_70 = arith.constant 0 : i32
      %dma_wait3A_71 = arith.constant 0 : i32
      %dma_wait3A_72 = tpu.memref_slice %dma_wait3A_69[%dma_wait3A_70, %dma_wait3A_71] : memref<10240x64xf32, #tpu.memory_space<hbm>> -> memref<10240x64xf32, #tpu.memory_space<hbm>>
      tpu.wait_indirect_dma semaphore(%arg12 : memref<!tpu.dma_semaphore, #tpu.memory_space<semaphore_mem>>) src(%dma_wait3A_72 : memref<10240x64xf32, #tpu.memory_space<hbm>>) dst(%arg9 : memref<512x64xf32, #tpu.memory_space<vmem>>)
      %add3A_73 = arith.constant 1 : i32
      %add3A_74 = arith.addi %mul3A_42, %add3A_73 : i32
      "tpu.region"() ({
        %run_scoped3A = tpu.sem_alloc : memref<!tpu.dma_semaphore, #tpu.memory_space<semaphore_mem>>
        %dma_start3A_75 = arith.constant 0 : i32
        %dma_start3A_76 = tpu.memref_slice %arg7[%add3A_74, %dma_start3A_75] : memref<20x512xi32, #tpu.memory_space<vmem>> -> memref<1x512xi32, #tpu.memory_space<vmem>>
        %dma_start3A_77 = tpu.memref_squeeze %dma_start3A_76 : memref<1x512xi32, #tpu.memory_space<vmem>> -> memref<512xi32, #tpu.memory_space<vmem>>
        %dma_start3A_78 = arith.constant 0 : i32
        %dma_start3A_79 = arith.constant 0 : i32
        %dma_start3A_80 = tpu.memref_slice %arg10[%dma_start3A_78, %dma_start3A_79] : memref<10240x64xf32, #tpu.memory_space<vmem_shared>> -> memref<10240x64xf32, #tpu.memory_space<vmem_shared>>
        tpu.enqueue_indirect_dma source(%arg9 : memref<512x64xf32, #tpu.memory_space<vmem>>) target(%dma_start3A_80 : memref<10240x64xf32, #tpu.memory_space<vmem_shared>>) offsets(%dma_start3A_77 : memref<512xi32, #tpu.memory_space<vmem>>) semaphore(%run_scoped3A : memref<!tpu.dma_semaphore, #tpu.memory_space<semaphore_mem>>) {add = true}
        %dma_wait3A_81 = arith.constant 0 : i32
        %dma_wait3A_82 = tpu.memref_slice %arg7[%add3A_74, %dma_wait3A_81] : memref<20x512xi32, #tpu.memory_space<vmem>> -> memref<1x512xi32, #tpu.memory_space<vmem>>
        %dma_wait3A_83 = tpu.memref_squeeze %dma_wait3A_82 : memref<1x512xi32, #tpu.memory_space<vmem>> -> memref<512xi32, #tpu.memory_space<vmem>>
        %dma_wait3A_84 = arith.constant 0 : i32
        %dma_wait3A_85 = arith.constant 0 : i32
        %dma_wait3A_86 = tpu.memref_slice %arg10[%dma_wait3A_84, %dma_wait3A_85] : memref<10240x64xf32, #tpu.memory_space<vmem_shared>> -> memref<10240x64xf32, #tpu.memory_space<vmem_shared>>
        tpu.wait_indirect_dma semaphore(%run_scoped3A : memref<!tpu.dma_semaphore, #tpu.memory_space<semaphore_mem>>) src(%arg9 : memref<512x64xf32, #tpu.memory_space<vmem>>) dst(%dma_wait3A_86 : memref<10240x64xf32, #tpu.memory_space<vmem_shared>>)
        tpu.yield
      }) : () -> ()
    }
    %scan3A_34 = arith.constant 10 : i32
    %barrier3A_35 = arith.constant 0 : index
    tpu.barrier barrier_id(%barrier3A_35)
    %mul3A_36 = arith.constant 640 : i32
    %mul3A_37 = arith.muli %arg1, %mul3A_36 : i32
    %mul3A_38 = arith.constant 640 : i32
    %mul3A_39 = arith.muli %arg1, %mul3A_38 : i32
    "tpu.region"() ({
      %run_scoped3A = tpu.sem_alloc : memref<!tpu.dma_semaphore, #tpu.memory_space<semaphore_mem>>
      %dma_start3A_40 = arith.constant 0 : i32
      %dma_start3A_41 = tpu.memref_slice %arg5[%arg0, %mul3A_39, %dma_start3A_40] : memref<2x10240x64xf32, #tpu.memory_space<hbm>> -> memref<1x640x64xf32, #tpu.memory_space<hbm>>
      %dma_start3A_42 = tpu.memref_squeeze %dma_start3A_41 : memref<1x640x64xf32, #tpu.memory_space<hbm>> -> memref<640x64xf32, #tpu.memory_space<hbm>>
      %dma_start3A_43 = arith.constant 0 : i32
      %dma_start3A_44 = tpu.memref_slice %arg10[%mul3A_37, %dma_start3A_43] : memref<10240x64xf32, #tpu.memory_space<vmem_shared>> -> memref<640x64xf32, #tpu.memory_space<vmem_shared>>
      tpu.enqueue_dma source(%dma_start3A_44 : memref<640x64xf32, #tpu.memory_space<vmem_shared>>) target(%dma_start3A_42 : memref<640x64xf32, #tpu.memory_space<hbm>>) target_semaphore(%run_scoped3A : memref<!tpu.dma_semaphore, #tpu.memory_space<semaphore_mem>>)
      %dma_wait3A = arith.constant 0 : i32
      %dma_wait3A_45 = tpu.memref_slice %arg5[%arg0, %mul3A_39, %dma_wait3A] : memref<2x10240x64xf32, #tpu.memory_space<hbm>> -> memref<1x640x64xf32, #tpu.memory_space<hbm>>
      %dma_wait3A_46 = tpu.memref_squeeze %dma_wait3A_45 : memref<1x640x64xf32, #tpu.memory_space<hbm>> -> memref<640x64xf32, #tpu.memory_space<hbm>>
      %dma_wait3A_47 = arith.constant 0 : i32
      %dma_wait3A_48 = tpu.memref_slice %arg10[%mul3A_37, %dma_wait3A_47] : memref<10240x64xf32, #tpu.memory_space<vmem_shared>> -> memref<640x64xf32, #tpu.memory_space<vmem_shared>>
      tpu.wait_dma2 semaphore(%run_scoped3A : memref<!tpu.dma_semaphore, #tpu.memory_space<semaphore_mem>>) src(%dma_wait3A_48 : memref<640x64xf32, #tpu.memory_space<vmem_shared>>) dst(%dma_wait3A_46 : memref<640x64xf32, #tpu.memory_space<hbm>>)
      tpu.yield
    }) : () -> ()
    return
  }
}

module attributes {stable_mosaic.version = 14 : i64} {
  func.func @_tc_mm_body(%arg0: memref<10240x128xf32, #tpu.memory_space<vmem>>, %arg1: memref<128x64xf32, #tpu.memory_space<vmem>>, %arg2: memref<128x64xf32, #tpu.memory_space<vmem>>, %arg3: memref<2x10240x64xf32, #tpu.memory_space<vmem>>) attributes {dimension_semantics = [], scalar_prefetch = 0 : i64, scratch_operands = 0 : i64, tpu.core_type = #tpu.core_type<tc>} {
    %get3A = arith.constant 0 : index
    %get3A_0 = arith.constant 0 : index
    %get3A_1 = vector.load %arg0[%get3A, %get3A_0] : memref<10240x128xf32, #tpu.memory_space<vmem>>, vector<10240x128xf32>
    %get3A_2 = arith.constant 0 : index
    %get3A_3 = arith.constant 0 : index
    %get3A_4 = vector.load %arg1[%get3A_2, %get3A_3] : memref<128x64xf32, #tpu.memory_space<vmem>>, vector<128x64xf32>
    %dot_general3A = arith.constant dense<0.000000e+00> : vector<10240x64xf32>
    %dot_general3A_5 = tpu.matmul %get3A_1, %get3A_4, %dot_general3A {dimension_numbers = #tpu.dot_dimension_numbers<[1], [0], [0], [1], [0, 0, 1, 1], [], []>, transpose_lhs_hint = false} : vector<10240x128xf32>, vector<128x64xf32>, vector<10240x64xf32> -> vector<10240x64xf32>
    %swap3A = arith.constant 0 : index
    %swap3A_6 = arith.constant 0 : index
    %swap3A_7 = arith.constant 0 : index
    %swap3A_8 = vector.load %arg3[%swap3A, %swap3A_6, %swap3A_7] : memref<2x10240x64xf32, #tpu.memory_space<vmem>>, vector<1x10240x64xf32>
    %swap3A_9 = vector.shape_cast %swap3A_8 : vector<1x10240x64xf32> to vector<10240x64xf32>
    %swap3A_10 = vector.shape_cast %dot_general3A_5 : vector<10240x64xf32> to vector<1x10240x64xf32>
    tpu.vector_store %arg3[%swap3A, %swap3A_6, %swap3A_7], %swap3A_10 {strides = array<i32>} : memref<2x10240x64xf32, #tpu.memory_space<vmem>>, vector<1x10240x64xf32>,
    %get3A_11 = arith.constant 0 : index
    %get3A_12 = arith.constant 0 : index
    %get3A_13 = vector.load %arg2[%get3A_11, %get3A_12] : memref<128x64xf32, #tpu.memory_space<vmem>>, vector<128x64xf32>
    %dot_general3A_14 = arith.constant dense<0.000000e+00> : vector<10240x64xf32>
    %dot_general3A_15 = tpu.matmul %get3A_1, %get3A_13, %dot_general3A_14 {dimension_numbers = #tpu.dot_dimension_numbers<[1], [0], [0], [1], [0, 0, 1, 1], [], []>, transpose_lhs_hint = false} : vector<10240x128xf32>, vector<128x64xf32>, vector<10240x64xf32> -> vector<10240x64xf32>
    %swap3A_16 = arith.constant 1 : index
    %swap3A_17 = arith.constant 0 : index
    %swap3A_18 = arith.constant 0 : index
    %swap3A_19 = vector.load %arg3[%swap3A_16, %swap3A_17, %swap3A_18] : memref<2x10240x64xf32, #tpu.memory_space<vmem>>, vector<1x10240x64xf32>
    %swap3A_20 = vector.shape_cast %swap3A_19 : vector<1x10240x64xf32> to vector<10240x64xf32>
    %swap3A_21 = vector.shape_cast %dot_general3A_15 : vector<10240x64xf32> to vector<1x10240x64xf32>
    tpu.vector_store %arg3[%swap3A_16, %swap3A_17, %swap3A_18], %swap3A_21 {strides = array<i32>} : memref<2x10240x64xf32, #tpu.memory_space<vmem>>, vector<1x10240x64xf32>,
    return
  }
}

module attributes {stable_mosaic.version = 14 : i64} {
  func.func @_tc_pre_body(%arg0: memref<2x10240x64xf32, #tpu.memory_space<vmem>>, %arg1: memref<2x10240xf32, #tpu.memory_space<vmem>>, %arg2: memref<2x10240x64xf32, #tpu.memory_space<vmem>>, %arg3: memref<10240x1xf32, #tpu.memory_space<vmem>>) attributes {dimension_semantics = [], scalar_prefetch = 0 : i64, scratch_operands = 0 : i64, tpu.core_type = #tpu.core_type<tc>} {
    %get3A = arith.constant 0 : index
    %get3A_0 = arith.constant 0 : index
    %get3A_1 = vector.load %arg1[%get3A, %get3A_0] : memref<2x10240xf32, #tpu.memory_space<vmem>>, vector<1x10240xf32>
    %get3A_2 = vector.shape_cast %get3A_1 : vector<1x10240xf32> to vector<10240xf32>
    %get3A_3 = arith.constant 1 : index
    %get3A_4 = arith.constant 0 : index
    %get3A_5 = vector.load %arg1[%get3A_3, %get3A_4] : memref<2x10240xf32, #tpu.memory_space<vmem>>, vector<1x10240xf32>
    %get3A_6 = vector.shape_cast %get3A_5 : vector<1x10240xf32> to vector<10240xf32>
    %add3A = arith.addf %get3A_2, %get3A_6 : vector<10240xf32>
    %gt3A = arith.constant 0.000000e+00 : f32
    %gt3A_7 = vector.broadcast %gt3A : f32 to vector<10240xf32>
    %gt3A_8 = arith.cmpf ogt, %add3A, %gt3A_7 : vector<10240xf32>
    %rsqrt3A = math.rsqrt %add3A : vector<10240xf32>
    %jit3A = arith.constant 0.000000e+00 : f32
    %broadcast_in_dim3A = vector.broadcast %jit3A : f32 to vector<10240xf32>
    %select_n3A = arith.select %gt3A_8, %rsqrt3A, %broadcast_in_dim3A : vector<10240xi1>, vector<10240xf32>
    %reshape3A = vector.shape_cast %select_n3A : vector<10240xf32> to vector<10240x1xf32>
    %get3A_9 = arith.constant 0 : index
    %get3A_10 = arith.constant 0 : index
    %get3A_11 = arith.constant 0 : index
    %get3A_12 = vector.load %arg0[%get3A_9, %get3A_10, %get3A_11] : memref<2x10240x64xf32, #tpu.memory_space<vmem>>, vector<1x10240x64xf32>
    %get3A_13 = vector.shape_cast %get3A_12 : vector<1x10240x64xf32> to vector<10240x64xf32>
    %mul3A = vector.broadcast %reshape3A : vector<10240x1xf32> to vector<10240x64xf32>
    %mul3A_14 = arith.mulf %get3A_13, %mul3A : vector<10240x64xf32>
    %swap3A = arith.constant 0 : index
    %swap3A_15 = arith.constant 0 : index
    %swap3A_16 = arith.constant 0 : index
    %swap3A_17 = vector.load %arg2[%swap3A, %swap3A_15, %swap3A_16] : memref<2x10240x64xf32, #tpu.memory_space<vmem>>, vector<1x10240x64xf32>
    %swap3A_18 = vector.shape_cast %swap3A_17 : vector<1x10240x64xf32> to vector<10240x64xf32>
    %swap3A_19 = vector.shape_cast %mul3A_14 : vector<10240x64xf32> to vector<1x10240x64xf32>
    tpu.vector_store %arg2[%swap3A, %swap3A_15, %swap3A_16], %swap3A_19 {strides = array<i32>} : memref<2x10240x64xf32, #tpu.memory_space<vmem>>, vector<1x10240x64xf32>,
    %get3A_20 = arith.constant 1 : index
    %get3A_21 = arith.constant 0 : index
    %get3A_22 = arith.constant 0 : index
    %get3A_23 = vector.load %arg0[%get3A_20, %get3A_21, %get3A_22] : memref<2x10240x64xf32, #tpu.memory_space<vmem>>, vector<1x10240x64xf32>
    %get3A_24 = vector.shape_cast %get3A_23 : vector<1x10240x64xf32> to vector<10240x64xf32>
    %mul3A_25 = vector.broadcast %reshape3A : vector<10240x1xf32> to vector<10240x64xf32>
    %mul3A_26 = arith.mulf %get3A_24, %mul3A_25 : vector<10240x64xf32>
    %swap3A_27 = arith.constant 1 : index
    %swap3A_28 = arith.constant 0 : index
    %swap3A_29 = arith.constant 0 : index
    %swap3A_30 = vector.load %arg2[%swap3A_27, %swap3A_28, %swap3A_29] : memref<2x10240x64xf32, #tpu.memory_space<vmem>>, vector<1x10240x64xf32>
    %swap3A_31 = vector.shape_cast %swap3A_30 : vector<1x10240x64xf32> to vector<10240x64xf32>
    %swap3A_32 = vector.shape_cast %mul3A_26 : vector<10240x64xf32> to vector<1x10240x64xf32>
    tpu.vector_store %arg2[%swap3A_27, %swap3A_28, %swap3A_29], %swap3A_32 {strides = array<i32>} : memref<2x10240x64xf32, #tpu.memory_space<vmem>>, vector<1x10240x64xf32>,
    %swap3A_33 = arith.constant 0 : index
    %swap3A_34 = arith.constant 0 : index
    %swap3A_35 = vector.load %arg3[%swap3A_33, %swap3A_34] : memref<10240x1xf32, #tpu.memory_space<vmem>>, vector<10240x1xf32>
    tpu.vector_store %arg3[%swap3A_33, %swap3A_34], %reshape3A {strides = array<i32>} : memref<10240x1xf32, #tpu.memory_space<vmem>>, vector<10240x1xf32>,
    return
  }
}

module attributes {stable_mosaic.version = 14 : i64} {
  func.func @_tc_mid_body(%arg0: memref<2x10240x64xf32, #tpu.memory_space<vmem>>, %arg1: memref<10240x1xf32, #tpu.memory_space<vmem>>, %arg2: memref<1x64xf32, #tpu.memory_space<vmem>>, %arg3: memref<1x64xf32, #tpu.memory_space<vmem>>, %arg4: memref<64x32xf32, #tpu.memory_space<vmem>>, %arg5: memref<64x32xf32, #tpu.memory_space<vmem>>, %arg6: memref<64x32xf32, #tpu.memory_space<vmem>>, %arg7: memref<64x32xf32, #tpu.memory_space<vmem>>, %arg8: memref<2x10240x32xf32, #tpu.memory_space<vmem>>) attributes {dimension_semantics = [], scalar_prefetch = 0 : i64, scratch_operands = 0 : i64, tpu.core_type = #tpu.core_type<tc>} {
    %get3A = arith.constant 0 : index
    %get3A_0 = arith.constant 0 : index
    %get3A_1 = vector.load %arg1[%get3A, %get3A_0] : memref<10240x1xf32, #tpu.memory_space<vmem>>, vector<10240x1xf32>
    %get3A_2 = arith.constant 0 : index
    %get3A_3 = arith.constant 0 : index
    %get3A_4 = arith.constant 0 : index
    %get3A_5 = vector.load %arg0[%get3A_2, %get3A_3, %get3A_4] : memref<2x10240x64xf32, #tpu.memory_space<vmem>>, vector<1x10240x64xf32>
    %get3A_6 = vector.shape_cast %get3A_5 : vector<1x10240x64xf32> to vector<10240x64xf32>
    %mul3A = vector.broadcast %get3A_1 : vector<10240x1xf32> to vector<10240x64xf32>
    %mul3A_7 = arith.mulf %mul3A, %get3A_6 : vector<10240x64xf32>
    %get3A_8 = arith.constant 0 : index
    %get3A_9 = arith.constant 0 : index
    %get3A_10 = vector.load %arg2[%get3A_8, %get3A_9] : memref<1x64xf32, #tpu.memory_space<vmem>>, vector<1x64xf32>
    %add3A = vector.broadcast %get3A_10 : vector<1x64xf32> to vector<10240x64xf32>
    %add3A_11 = arith.addf %mul3A_7, %add3A : vector<10240x64xf32>
    %max3A = arith.constant 0.000000e+00 : f32
    %max3A_12 = vector.broadcast %max3A : f32 to vector<10240x64xf32>
    %max3A_13 = arith.maximumf %add3A_11, %max3A_12 : vector<10240x64xf32>
    %get3A_14 = arith.constant 1 : index
    %get3A_15 = arith.constant 0 : index
    %get3A_16 = arith.constant 0 : index
    %get3A_17 = vector.load %arg0[%get3A_14, %get3A_15, %get3A_16] : memref<2x10240x64xf32, #tpu.memory_space<vmem>>, vector<1x10240x64xf32>
    %get3A_18 = vector.shape_cast %get3A_17 : vector<1x10240x64xf32> to vector<10240x64xf32>
    %mul3A_19 = vector.broadcast %get3A_1 : vector<10240x1xf32> to vector<10240x64xf32>
    %mul3A_20 = arith.mulf %mul3A_19, %get3A_18 : vector<10240x64xf32>
    %get3A_21 = arith.constant 0 : index
    %get3A_22 = arith.constant 0 : index
    %get3A_23 = vector.load %arg3[%get3A_21, %get3A_22] : memref<1x64xf32, #tpu.memory_space<vmem>>, vector<1x64xf32>
    %add3A_24 = vector.broadcast %get3A_23 : vector<1x64xf32> to vector<10240x64xf32>
    %add3A_25 = arith.addf %mul3A_20, %add3A_24 : vector<10240x64xf32>
    %max3A_26 = arith.constant 0.000000e+00 : f32
    %max3A_27 = vector.broadcast %max3A_26 : f32 to vector<10240x64xf32>
    %max3A_28 = arith.maximumf %add3A_25, %max3A_27 : vector<10240x64xf32>
    %get3A_29 = arith.constant 0 : index
    %get3A_30 = arith.constant 0 : index
    %get3A_31 = vector.load %arg4[%get3A_29, %get3A_30] : memref<64x32xf32, #tpu.memory_space<vmem>>, vector<64x32xf32>
    %dot_general3A = arith.constant dense<0.000000e+00> : vector<10240x32xf32>
    %dot_general3A_32 = tpu.matmul %max3A_13, %get3A_31, %dot_general3A {dimension_numbers = #tpu.dot_dimension_numbers<[1], [0], [0], [1], [0, 0, 1, 1], [], []>, transpose_lhs_hint = false} : vector<10240x64xf32>, vector<64x32xf32>, vector<10240x32xf32> -> vector<10240x32xf32>
    %get3A_33 = arith.constant 0 : index
    %get3A_34 = arith.constant 0 : index
    %get3A_35 = vector.load %arg6[%get3A_33, %get3A_34] : memref<64x32xf32, #tpu.memory_space<vmem>>, vector<64x32xf32>
    %dot_general3A_36 = arith.constant dense<0.000000e+00> : vector<10240x32xf32>
    %dot_general3A_37 = tpu.matmul %max3A_28, %get3A_35, %dot_general3A_36 {dimension_numbers = #tpu.dot_dimension_numbers<[1], [0], [0], [1], [0, 0, 1, 1], [], []>, transpose_lhs_hint = false} : vector<10240x64xf32>, vector<64x32xf32>, vector<10240x32xf32> -> vector<10240x32xf32>
    %add3A_38 = arith.addf %dot_general3A_32, %dot_general3A_37 : vector<10240x32xf32>
    %get3A_39 = arith.constant 0 : index
    %get3A_40 = arith.constant 0 : index
    %get3A_41 = vector.load %arg5[%get3A_39, %get3A_40] : memref<64x32xf32, #tpu.memory_space<vmem>>, vector<64x32xf32>
    %dot_general3A_42 = arith.constant dense<0.000000e+00> : vector<10240x32xf32>
    %dot_general3A_43 = tpu.matmul %max3A_13, %get3A_41, %dot_general3A_42 {dimension_numbers = #tpu.dot_dimension_numbers<[1], [0], [0], [1], [0, 0, 1, 1], [], []>, transpose_lhs_hint = false} : vector<10240x64xf32>, vector<64x32xf32>, vector<10240x32xf32> -> vector<10240x32xf32>
    %get3A_44 = arith.constant 0 : index
    %get3A_45 = arith.constant 0 : index
    %get3A_46 = vector.load %arg7[%get3A_44, %get3A_45] : memref<64x32xf32, #tpu.memory_space<vmem>>, vector<64x32xf32>
    %dot_general3A_47 = arith.constant dense<0.000000e+00> : vector<10240x32xf32>
    %dot_general3A_48 = tpu.matmul %max3A_28, %get3A_46, %dot_general3A_47 {dimension_numbers = #tpu.dot_dimension_numbers<[1], [0], [0], [1], [0, 0, 1, 1], [], []>, transpose_lhs_hint = false} : vector<10240x64xf32>, vector<64x32xf32>, vector<10240x32xf32> -> vector<10240x32xf32>
    %add3A_49 = arith.addf %dot_general3A_43, %dot_general3A_48 : vector<10240x32xf32>
    %mul3A_50 = vector.broadcast %get3A_1 : vector<10240x1xf32> to vector<10240x32xf32>
    %mul3A_51 = arith.mulf %add3A_38, %mul3A_50 : vector<10240x32xf32>
    %swap3A = arith.constant 0 : index
    %swap3A_52 = arith.constant 0 : index
    %swap3A_53 = arith.constant 0 : index
    %swap3A_54 = vector.load %arg8[%swap3A, %swap3A_52, %swap3A_53] : memref<2x10240x32xf32, #tpu.memory_space<vmem>>, vector<1x10240x32xf32>
    %swap3A_55 = vector.shape_cast %swap3A_54 : vector<1x10240x32xf32> to vector<10240x32xf32>
    %swap3A_56 = vector.shape_cast %mul3A_51 : vector<10240x32xf32> to vector<1x10240x32xf32>
    tpu.vector_store %arg8[%swap3A, %swap3A_52, %swap3A_53], %swap3A_56 {strides = array<i32>} : memref<2x10240x32xf32, #tpu.memory_space<vmem>>, vector<1x10240x32xf32>,
    %mul3A_57 = vector.broadcast %get3A_1 : vector<10240x1xf32> to vector<10240x32xf32>
    %mul3A_58 = arith.mulf %add3A_49, %mul3A_57 : vector<10240x32xf32>
    %swap3A_59 = arith.constant 1 : index
    %swap3A_60 = arith.constant 0 : index
    %swap3A_61 = arith.constant 0 : index
    %swap3A_62 = vector.load %arg8[%swap3A_59, %swap3A_60, %swap3A_61] : memref<2x10240x32xf32, #tpu.memory_space<vmem>>, vector<1x10240x32xf32>
    %swap3A_63 = vector.shape_cast %swap3A_62 : vector<1x10240x32xf32> to vector<10240x32xf32>
    %swap3A_64 = vector.shape_cast %mul3A_58 : vector<10240x32xf32> to vector<1x10240x32xf32>
    tpu.vector_store %arg8[%swap3A_59, %swap3A_60, %swap3A_61], %swap3A_64 {strides = array<i32>} : memref<2x10240x32xf32, #tpu.memory_space<vmem>>, vector<1x10240x32xf32>,
    return
  }
}

module attributes {stable_mosaic.version = 14 : i64} {
  func.func @_tc_post_body(%arg0: i32, %arg1: memref<2x1000x32xf32, #tpu.memory_space<vmem>>, %arg2: memref<1000x1xf32, #tpu.memory_space<vmem>>, %arg3: memref<1x64xf32, #tpu.memory_space<vmem>>, %arg4: memref<1000x64xf32, #tpu.memory_space<vmem>>) attributes {dimension_semantics = [#tpu.dimension_semantics<arbitrary>], iteration_bounds = array<i64: 10>, scalar_prefetch = 0 : i64, scratch_operands = 0 : i64, tpu.core_type = #tpu.core_type<tc>, window_params = [{transform_indices = @transform_0, window_bounds = array<i64: 2, 1000, 32>}, {transform_indices = @transform_1, window_bounds = array<i64: 1000, 1>}, {pipeline_mode = #tpu.pipeline_mode<synchronous>, transform_indices = @transform_2, window_bounds = array<i64: 1, 64>}, {transform_indices = @transform_3, window_bounds = array<i64: 1000, 64>}]} {
    %get3A = arith.constant 0 : index
    %get3A_0 = arith.constant 0 : index
    %get3A_1 = arith.constant 0 : index
    %get3A_2 = vector.load %arg1[%get3A, %get3A_0, %get3A_1] : memref<2x1000x32xf32, #tpu.memory_space<vmem>>, vector<1x1000x32xf32>
    %get3A_3 = vector.shape_cast %get3A_2 : vector<1x1000x32xf32> to vector<1000x32xf32>
    %get3A_4 = arith.constant 1 : index
    %get3A_5 = arith.constant 0 : index
    %get3A_6 = arith.constant 0 : index
    %get3A_7 = vector.load %arg1[%get3A_4, %get3A_5, %get3A_6] : memref<2x1000x32xf32, #tpu.memory_space<vmem>>, vector<1x1000x32xf32>
    %get3A_8 = vector.shape_cast %get3A_7 : vector<1x1000x32xf32> to vector<1000x32xf32>
    %concatenate3A = tpu.concatenate %get3A_3, %get3A_8 in 1 : vector<1000x32xf32>, vector<1000x32xf32> -> vector<1000x64xf32>
    %get3A_9 = arith.constant 0 : index
    %get3A_10 = arith.constant 0 : index
    %get3A_11 = vector.load %arg2[%get3A_9, %get3A_10] : memref<1000x1xf32, #tpu.memory_space<vmem>>, vector<1000x1xf32>
    %mul3A = vector.broadcast %get3A_11 : vector<1000x1xf32> to vector<1000x64xf32>
    %mul3A_12 = arith.mulf %mul3A, %concatenate3A : vector<1000x64xf32>
    %get3A_13 = arith.constant 0 : index
    %get3A_14 = arith.constant 0 : index
    %get3A_15 = vector.load %arg3[%get3A_13, %get3A_14] : memref<1x64xf32, #tpu.memory_space<vmem>>, vector<1x64xf32>
    %add3A = vector.broadcast %get3A_15 : vector<1x64xf32> to vector<1000x64xf32>
    %add3A_16 = arith.addf %mul3A_12, %add3A : vector<1000x64xf32>
    %swap3A = arith.constant 0 : index
    %swap3A_17 = arith.constant 0 : index
    %swap3A_18 = vector.load %arg4[%swap3A, %swap3A_17] : memref<1000x64xf32, #tpu.memory_space<vmem>>, vector<1000x64xf32>
    tpu.vector_store %arg4[%swap3A, %swap3A_17], %add3A_16 {strides = array<i32>} : memref<1000x64xf32, #tpu.memory_space<vmem>>, vector<1000x64xf32>,
    return
  }
  func.func @transform_0(%arg0: i32) -> (i32, i32, i32) {
    %c0_i32 = arith.constant 0 : i32
    %c0_i32_0 = arith.constant 0 : i32
    %c0_i32_1 = arith.constant 0 : i32
    return %c0_i32, %arg0, %c0_i32_0 : i32, i32, i32
  }
  func.func @transform_1(%arg0: i32) -> (i32, i32) {
    %c0_i32 = arith.constant 0 : i32
    %c0_i32_0 = arith.constant 0 : i32
    return %arg0, %c0_i32 : i32, i32
  }
  func.func @transform_2(%arg0: i32) -> (i32, i32) {
    %c0_i32 = arith.constant 0 : i32
    %c0_i32_0 = arith.constant 0 : i32
    %c0_i32_1 = arith.constant 0 : i32
    return %c0_i32, %c0_i32_0 : i32, i32
  }
  func.func @transform_3(%arg0: i32) -> (i32, i32) {
    %c0_i32 = arith.constant 0 : i32
    %c0_i32_0 = arith.constant 0 : i32
    return %arg0, %c0_i32 : i32, i32
  }
}

</mosaic_0001>

<sc_bundles>
// kernel: kernel.12.cloned.1.call-start
scs
__scs_entry_jumppad:
0x0: {  	(pc) =	sbr.rel $0x88, $3  }
0x1: {  	(tag) =	ssettag $0x0;
	lr =	simm.s32 $0x1  }
0x2: {  	[smem:$0x3F9B] =	sst lr;
	_ =	strace $0xD0000000  }
0x3: {  	_ = 	snop  }
0x4: {  	_ = 	snop  }
0x5: {  	_ = 	snop  }
0x6: {  	_ = 	snop  }
0x7: {  	_ = 	snop  }
__scs_overlays_trampoline_lowered:
0x8: {  	[smem:$0x3FAA] =	sst s0  }
0x9: {  	[smem:$0x3FAB] =	sst s1  }
0xa: {  	[smem:$0x3FAC] =	sst s2  }
0xb: {  	[smem:$0x3FAD] =	sst s3  }
0xc: {  	[smem:$0x3FAE] =	sst s4  }
0xd: {  	[smem:$0x3FAF] =	sst s5  }
0xe: {  	[smem:$0x3FB0] =	sst s6  }
0xf: {  	[smem:$0x3FB1] =	sst s7  }
0x10: {  	[smem:$0x3FB2] =	sst s8  }
0x11: {  	[smem:$0x3FB3] =	sst s9;
	s0 =	simm.s32 @!p0 $0x0  }
0x12: {  	s1 =	sld [smem:$0x3F99];
	s0 =	simm.s32 @p0 $0x1  }
0x13: {  	[smem:$0x3FB4] =	sst s0;
	s0 =	simm.s32 @!p1 $0x0  }
0x14: {  	s2 =	sld [smem:$0x3F98];
	s0 =	simm.s32 @p1 $0x1  }
0x15: {  	[smem:$0x3FB5] =	sst s0;
	s0 =	simm.s32 @!p2 $0x0  }
0x16: {  	s3 =	sld [smem:$0x3FDB];
	s0 =	simm.s32 @p2 $0x1  }
0x17: {  	s4 =	simm.s32 $0x1BF5;
	[smem:$0x3FB7] =	sst s0  }
0x18: {  	s0 =	sld [smem:$0x3F9A];
	_ =	swait.ge [sflag:s4], $0x0  }
0x19: {  	s7 =	sld [smem:$0x3F9B]  }
0x1a: {  	s8 =	sadd.s32 $0xFFFFE003, lr  }
0x1b: {  	s9 =	sadd.s32 $0xFFFFFEF7, lr;
	s5 =	simm.s32 $0xFFFFFFFF;
	p2 =	slt.u32 s8, $0xFFFFF086  }
0x1c: {  	p1 =	slt.u32 s9, $0xF7A;
	s5 =	simm.s32 @!p2 $0x0  }
0x1d: {  	s5 =	simm.s32 @p1 $0x1;
	p0 =	seq.s32 s7, s2  }
0x1e: {  	s7 =	smul.u32 @!p0 $0xF7A, s2;
	p2 =	seq.s32 @!p0 s5, $0x0  }
0x1f: {  	s9 =	smul.u32 $0xF7A, s1;
	s8 =	simm.s32 @!p0 $0x1BF5;
	p2 =	por !p2, p0  }
0x20: {  	[sflag:s8] =	ssyncset.s32 @!p0 $0xFFFFF086;
	s6 =	sadd.s32 @!p0 s3, s7;
	s7 =	simm.s32 @!p0 $0x108  }
0x21: {  	s3 =	sadd.s32 s3, s9;
	s6 =	sadd.s32 @!p0 $0x88, s6;
	s7 =	simm.s32 @p2 $0x1082  }
0x22: {  	[simem:s7], [sflag:s8] =	dma.local @!p0 [hbm:s6], $0xF7A  }
0x23: {  	s9 =	sor.u32 $0xD0000000, s2;
	s6 =	simm.s32 $0x108;
	_ =	swait.ge @!p0 [sflag:s8], $0x0  }
0x24: {  	s3 =	sadd.s32 $0x88, s3;
	s6 =	simm.s32 @!p1 $0x1082;
	[sflag:s4] =	ssyncset.s32 $0xFFFFF086  }
0x25: {  	[simem:s6], [sflag:s4] =	dma.local [hbm:s3], $0xF7A  }
0x26: {  	[smem:$0x3F9B] =	sst s1;
	(tag) =	ssettag s2;
	_ =	strace s9  }
0x27: {  	s1 =	sld [smem:$0x3FAB]  }
0x28: {  	s2 =	sld [smem:$0x3FAC]  }
0x29: {  	s4 =	sld [smem:$0x3FAE]  }
0x2a: {  	p0 =	seq.s32 s5, $0x0;
	s5 =	sld [smem:$0x3FAF]  }
0x2b: {  	s6 =	sld [smem:$0x3FB0]  }
0x2c: {  	s7 =	sld [smem:$0x3FB1]  }
0x2d: {  	s3 =	simm.s32 $0x108;
	s8 =	sld [smem:$0x3FB2]  }
0x2e: {  	s3 =	simm.s32 @!p0 $0x1082;
	s9 =	sld [smem:$0x3FB3]  }
0x2f: {  	lr =	sadd.s32 s0, s3;
	s0 =	sld [smem:$0x3FAA]  }
0x30: {  	s3 =	sld [smem:$0x3FAD]  }
0x31: {  	[smem:$0x3FB6] =	sst s10  }
0x32: {  	s10 =	sld [smem:$0x3FB4];
	_ =	sdelay $0x3  }
0x33: {  	p0 =	seq.s32 s10, $0x1;
	s10 =	sld [smem:$0x3FB6];
	_ =	sdelay $0x3  }
0x34: {  	[smem:$0x3FB6] =	sst s10  }
0x35: {  	s10 =	sld [smem:$0x3FB5];
	_ =	sdelay $0x3  }
0x36: {  	p1 =	seq.s32 s10, $0x1;
	s10 =	sld [smem:$0x3FB6];
	_ =	sdelay $0x3  }
0x37: {  	[smem:$0x3FB6] =	sst s10  }
0x38: {  	s10 =	sld [smem:$0x3FB7]  }
0x39: {  	_ = 	snop;
	(pc) =	sbr.ind lr, $3  }
0x3a: {  	_ = 	snop  }
0x3b: {  	_ = 	snop  }
0x3c: {  	p2 =	seq.s32 s10, $0x1;
	s10 =	sld [smem:$0x3FB6]  }
0x3d: {  	_ =	shalt  }
0x3e: {  	_ =	shalt  }
0x3f: {  	_ =	shalt  }
0x40: {  	_ =	shalt  }
0x41: {  	_ =	shalt  }
0x42: {  	_ =	shalt  }
0x43: {  	_ =	shalt  }
0x44: {  	_ =	shalt  }
0x45: {  	_ =	shalt  }
0x46: {  	_ =	shalt  }
0x47: {  	_ =	shalt  }
0x48: {  	_ =	shalt  }
0x49: {  	_ =	shalt  }
0x4a: {  	_ =	shalt  }
0x4b: {  	_ =	shalt  }
0x4c: {  	_ =	shalt  }
0x4d: {  	_ =	shalt  }
0x4e: {  	_ =	shalt  }
0x4f: {  	_ =	shalt  }
0x50: {  	_ =	shalt  }
0x51: {  	_ =	shalt  }
0x52: {  	_ =	shalt  }
0x53: {  	_ =	shalt  }
0x54: {  	_ =	shalt  }
0x55: {  	_ =	shalt  }
0x56: {  	_ =	shalt  }
0x57: {  	_ =	shalt  }
0x58: {  	_ =	shalt  }
0x59: {  	_ =	shalt  }
0x5a: {  	_ =	shalt  }
0x5b: {  	_ =	shalt  }
0x5c: {  	_ =	shalt  }
0x5d: {  	_ =	shalt  }
0x5e: {  	_ =	shalt  }
0x5f: {  	_ =	shalt  }
0x60: {  	_ =	shalt  }
0x61: {  	_ =	shalt  }
0x62: {  	_ =	shalt  }
0x63: {  	_ =	shalt  }
0x64: {  	_ =	shalt  }
0x65: {  	_ =	shalt  }
0x66: {  	_ =	shalt  }
0x67: {  	_ =	shalt  }
0x68: {  	_ =	shalt  }
0x69: {  	_ =	shalt  }
0x6a: {  	_ =	shalt  }
0x6b: {  	_ =	shalt  }
0x6c: {  	_ =	shalt  }
0x6d: {  	_ =	shalt  }
0x6e: {  	_ =	shalt  }
0x6f: {  	_ =	shalt  }
0x70: {  	_ =	shalt  }
0x71: {  	_ =	shalt  }
0x72: {  	_ =	shalt  }
0x73: {  	_ =	shalt  }
0x74: {  	_ =	shalt  }
0x75: {  	_ =	shalt  }
0x76: {  	_ =	shalt  }
0x77: {  	_ =	shalt  }
0x78: {  	_ =	shalt  }
0x79: {  	_ =	shalt  }
0x7a: {  	_ =	shalt  }
0x7b: {  	_ =	shalt  }
0x7c: {  	_ =	shalt  }
0x7d: {  	_ =	shalt  }
0x7e: {  	_ =	shalt  }
0x7f: {  	_ =	shalt  }
0x80: {  	_ =	shalt  }
0x81: {  	_ =	shalt  }
0x82: {  	_ =	shalt  }
0x83: {  	_ =	shalt  }
0x84: {  	_ =	shalt  }
0x85: {  	_ =	shalt  }
0x86: {  	_ =	shalt  }
0x87: {  	_ =	shalt  }
.Lfunc_end0:
.L_simem_size_0:
called_computation.1_lowered:
.L_overlay_start_0:
0x88: {  	s2 =	sld [smem:$0x3FD9]  }
0x89: {  	s3 =	sld [smem:$0x3FFE];
	_ =	sdelay $0x1  }
0x8a: {  	s1 =	srdreg.scid  }
0x8b: {  	s0 =	sand.u32 $0x1, s1  }
0x8c: {  	s17 =	sshll.u32 s0, $0xA;
	s2 =	sadd.s32 s3, s2  }
0x8d: {  	s2 =	sadd.s32 s2, s17  }
0x8e: {  	[smem:$0x3FC2] =	sst s2  }
0x8f: {  	_ = 	snop  }
0x90: {  	s2 =	sld [smem:$0x3FD0];
	(tm) =	ssettm $0x1  }
0x91: {  	s18 =	sld [smem:$0x3FFB];
	_ =	sdelay $0x3  }
0x92: {  	_ =	strace s18  }
0x93: {  	s3 =	sld [smem:$0x3FFC];
	_ =	sdelay $0x3  }
0x94: {  	_ =	strace s3  }
0x95: {  	s3 =	sld [smem:$0x3FFD];
	_ =	sdelay $0x3  }
0x96: {  	_ =	strace s3  }
0x97: {  	_ =	strace $0x8FFFFFFF  }
0x98: {  	s19 =	sld [smem:$0x3FDB];
	_ =	sdelay $0x1  }
0x99: {  	s4 =	simm.s32 $_scs_section_size  }
0x9a: {  	s5 =	simm.s32 $_size__tile_overlayer_lowered;
	s6 =	simm.s32 $_tile_overlayer_lowered  }
0x9b: {  	s22 =	simm.s32 $0x1BFF;
	s21 =	sshll.u32 s6, $0x1;
	s3 =	sadd.s32 s4, s19  }
0x9c: {  	s7 =	simm.s32 $0x0;
	s20 =	sshll.u32 s5, $0x1;
	s5 =	sadd.s32 s21, s3  }
0x9d: {  	[timem:s7], [sflag:s22] =	dma.local [hbm:s5], s20  }
0x9e: {  	_ =	swait.ge [sflag:s22], s20  }
0x9f: {  	s4 =	ssub.s32 $0x0, s20;
	[sflag:s22] =	ssyncset.done $0x0  }
0xa0: {  	[sflag:s22] =	ssyncadd.s32 s4;
	_ =	sdelay $0x1  }
0xa1: {  	s23 =	simm.s32 $0x1B8B  }
0xa2: {  	_ =	swait.ge [sflag:s23], $0x1  }
0xa3: {  	[sflag:s23] =	ssyncset.done $0x0  }
0xa4: {  	s25 =	simm.s32 $0x1B8E;
	s24 =	sld [smem:$0x3FFE];
	[sflag:s23] =	ssyncadd.s32 $0xFFFFFFFF  }
0xa5: {  	s26 =	simm.s32 $execute0_lowered;
	[smem:$0x3FD2] =	sst s25  }
0xa6: {  	s5 =	sshll.u32 s26, $0x1;
	_ =	strace $0x80000049;
	[dreg:$0x1] =	wrdreg $0xFFFFFFFF  }
0xa7: {  	s28 =	simm.s32 $_size_execute0_lowered;
	s3 =	sadd.s32 s3, s5;
	[dreg:$0x0] =	wrdreg $0x0  }
0xa8: {  	s5 =	sshll.u32 s28, $0x1;
	[dreg:$0x2] =	wrdreg s3  }
0xa9: {  	[dreg:$0x3] =	wrdreg s5  }
0xaa: {  	[dreg:$0x4] =	wrdreg $0xC0  }
0xab: {  	_ =	task [dreg:s7], $0x5FFFF  }
0xac: {  	[dreg:$0x1] =	wrdreg $0xFFFFFFFF  }
0xad: {  	[dreg:$0x0] =	wrdreg $0x60  }
0xae: {  	[dreg:$0x2] =	wrdreg s24  }
0xaf: {  	[dreg:$0x3] =	wrdreg s2  }
0xb0: {  	[dreg:$0x4] =	wrdreg $0x150000  }
0xb1: {  	[dreg:$0x5] =	wrdreg $0x9  }
0xb2: {  	_ =	task.clear_ibuf [dreg:s7], $0x6FFFF;
	_ =	strace $0x90000049  }
0xb3: {  	s29 =	simm.s32 $0x9;
	_ =	strace $0x8000004B  }
0xb4: {  	_ =	swait.ge [sflag:s29], $0x1  }
0xb5: {  	[sflag:s29] =	ssyncadd.s32 $0xFFFFFFFF  }
0xb6: {  	_ =	strace $0x9000004B  }
0xb7: {  	_ =	sfence  }
0xb8: {  	s30 =	sld [smem:$0x0];
	_ =	sdelay $0x2  }
0xb9: {  	s31 =	sshll.u32 s1, $0xD;
	s1 =	sshrl.u32 s1, $0x2  }
0xba: {  	s3 =	sand.u32 $0x4000, s31;
	s1 =	sadd.s32 s1, s30  }
0xbb: {  	s0 =	sor.u32 s3, s0;
	s1 =	sshll.u32 s1, $0x11  }
0xbc: {  	s0 =	sor.u32 s1, s0  }
0xbd: {  	s0 =	sadd.s32 $0x8F2B, s0  }
0xbe: {  	[sflag:s0] =	ssyncadd.remote.s32 $0x1  }
0xbf: {  	_ =	sfence.sel $0xFFFF  }
0xc0: {  	[dreg:$0x0] =	wrdreg $0xFFFFFFFF;
	(pc) =	sbr.abs _section_cstart, $3  }
0xc1: {  	[dreg:$0x1] =	wrdreg $0xFFFFFFFF  }
0xc2: {  	_ =	task.clear_ibuf [dreg:s7], $0x2FFFF;
	_ =	strace $0x9FFFFFFF  }
0xc3: {  	(tm) =	ssettm $0x7FFFFFFF  }
tec
execute0_lowered:
.L_overlay_start_1:
0x0: {  	(tag) =	ssettag $0x1  }
0x1: {  	s1 =	rddreg [dreg:$0x0]  }
0x2: {  	s0 =	srdreg.scid;
	s25 =	stileid.u32  }
0x3: {  	s5 =	rddreg [dreg:$0x1];
	s6 =	smul.u32 $0xA000, s25  }
0x4: {  	s2 =	rddreg [dreg:$0x2];
	s13 =	simm.s32 $0x0;
	s7 =	smul.u32 $0x1400, s25  }
0x5: {  	s3 =	sand.u32 $0x1, s0;
	[smem:$0x7FF] =	sst s13;
	s8 =	smul.u32 $0x5000, s25  }
0x6: {  	s10 =	sadd.s32 $0x3200, s1;
	s29 =	sshll.u32 s25, $0x6;
	s4 =	smul.u32 $0x14000, s3  }
0x7: {  	[dreg:$0xc] =	wrdreg s3;
	s9 =	smul.u32 $0xA0000, s3;
	s8 =	sshrl.u32 s8, $0x3  }
0x8: {  	_ =	strace $0x8000004A;
	s4 =	sadd.s32 s4, s1;
	s26 =	sadd.s32 s5, s8  }
0x9: {  	s28 =	sadd.s32 s10, s8;
	s8 =	sadd.s32 $0x500, s8;
	[dreg:$0x5] =	wrdreg s26  }
0xa: {  	s9 =	sadd.s32 s6, s9;
	[dreg:$0x6] =	wrdreg s28;
	s5 =	sadd.s32 s5, s8  }
0xb: {  	s4 =	sadd.s32 $0xD200, s4;
	s30 =	sadd.s32 s10, s8;
	[dreg:$0x7] =	wrdreg s5  }
0xc: {  	s9 =	sshrl.u32 s9, $0x3;
	s7 =	sadd.s32 s7, s4;
	[dreg:$0x8] =	wrdreg s30  }
0xd: {  	s31 =	sor.u32 $0x1C03, s29;
	s1 =	sadd.s32 s9, s1;
	[dreg:$0x4] =	wrdreg s7  }
0xe: {  	s6 =	sadd.s32 s6, s2;
	s1 =	sadd.s32 $0x35200, s1;
	s0 =	rddreg [dreg:$0x4]  }
0xf: {  	s7 =	sshrl.u32 s6, $0x3;
	s6 =	simm.s32 $0x3;
	[dreg:$0x9] =	wrdreg s1  }
0x10: {  	[spmem:s7], [sflag:s31] =	dma.local [hbm:s0], $0x1400  }
0x11: {  	_ =	swait.ge [sflag:s6], $0x1400  }
0x12: {  	[sflag:s6] =	ssyncset.done $0x0  }
0x13: {  	[sflag:s6] =	ssyncadd.s32 $0xFFFFEC00  }
0x14: {  	[bflag:$0x0] =	sbarrier.arrive $0xFFFF  }
0x15: {  	s3 =	rddreg [dreg:$0x5]  }
0x16: {  	[tilespmem:s13], [sflag:$0x3] =	stream.linear.gather [hbm4b:s3+s13], $0x2800, $0x38;
	[tilespmem:$0x1F000] =	vst v63  }
0x17: {  	_ =	swait.ge [sflag:s6], $0x2800  }
0x18: {  	[sflag:s6] =	ssyncset.done $0x0  }
0x19: {  	s3 =	simm.s32 $0x2800;
	s5 =	rddreg [dreg:$0x6];
	[sflag:s6] =	ssyncadd.s32 $0xFFFFD800  }
0x1a: {  	[tilespmem:s3], [sflag:$0x3] =	stream.linear.gather [hbm4b:s5+s13], $0x2800, $0x38;
	[tilespmem:$0x1F000] =	vst v63  }
0x1b: {  	_ =	swait.ge [sflag:s6], $0x2800  }
0x1c: {  	[sflag:s6] =	ssyncset.done $0x0  }
0x1d: {  	s10 =	simm.s32 $0x5000;
	s9 =	simm.s32 $0x200;
	[sflag:s6] =	ssyncadd.s32 $0xFFFFD800  }
0x1e: {  	[tilespmem:s10], [sflag:$0x1] =	stream.indirect.gather [hbm4b:s4+s9], $0x40, s13, s9, $0xb8;
	[tilespmem:$0x1F000] =	vst v63  }
0x1f: {  	s11 =	simm.s32 $0xD000;
	s12 =	simm.s32 $0x1  }
0x20: {  	[tilespmem:s11], [sflag:$0x2] =	stream.indirect.gather [hbm4b:s4+s9], $0x40, s9, s9, $0xb8;
	[tilespmem:$0x1F000] =	vst v63  }
0x21: {  	_ =	swait.ge [sflag:s12], $0x8000  }
0x22: {  	[sflag:s12] =	ssyncset.done $0x0  }
0x23: {  	[sflag:s12] =	ssyncadd.s32 $0xFFFF8000  }
0x24: {  	[spmem:s2] =	stream.indirect.scatter.add.f32 [tilespmem:s10], [sflag:$0x3], $0x40, s3, s9, $0xb8;
	[tilespmem:$0x1F000] =	vst v63  }
0x25: {  	_ =	swait.ge [sflag:s6], $0x8000  }
0x26: {  	[sflag:s6] =	ssyncset.done $0x0  }
0x27: {  	s14 =	simm.s32 $0x2;
	s8 =	simm.s32 $0x400;
	[sflag:s6] =	ssyncadd.s32 $0xFFFF8000  }
0x28: {  	[tilespmem:s10], [sflag:$0x1] =	stream.indirect.gather [hbm4b:s4+s9], $0x40, s8, s9, $0xb8;
	[tilespmem:$0x1F000] =	vst v63  }
0x29: {  	_ =	swait.ge [sflag:s14], $0x8000  }
0x2a: {  	[sflag:s14] =	ssyncset.done $0x0  }
0x2b: {  	s15 =	simm.s32 $0x2A00;
	[sflag:s14] =	ssyncadd.s32 $0xFFFF8000  }
0x2c: {  	[spmem:s2] =	stream.indirect.scatter.add.f32 [tilespmem:s11], [sflag:$0x3], $0x40, s15, s9, $0xb8;
	[tilespmem:$0x1F000] =	vst v63  }
0x2d: {  	_ =	swait.ge [sflag:s6], $0x8000  }
0x2e: {  	[sflag:s6] =	ssyncset.done $0x0  }
0x2f: {  	s16 =	simm.s32 $0x600;
	[sflag:s6] =	ssyncadd.s32 $0xFFFF8000  }
0x30: {  	[tilespmem:s11], [sflag:$0x2] =	stream.indirect.gather [hbm4b:s4+s9], $0x40, s16, s9, $0xb8;
	[tilespmem:$0x1F000] =	vst v63  }
0x31: {  	_ =	swait.ge [sflag:s12], $0x8000  }
0x32: {  	[sflag:s12] =	ssyncset.done $0x0  }
0x33: {  	s17 =	simm.s32 $0x2C00;
	[sflag:s12] =	ssyncadd.s32 $0xFFFF8000  }
0x34: {  	[spmem:s2] =	stream.indirect.scatter.add.f32 [tilespmem:s10], [sflag:$0x3], $0x40, s17, s9, $0xb8;
	[tilespmem:$0x1F000] =	vst v63  }
0x35: {  	_ =	swait.ge [sflag:s6], $0x8000  }
0x36: {  	[sflag:s6] =	ssyncset.done $0x0  }
0x37: {  	s18 =	simm.s32 $0x800;
	[sflag:s6] =	ssyncadd.s32 $0xFFFF8000  }
0x38: {  	[tilespmem:s10], [sflag:$0x1] =	stream.indirect.gather [hbm4b:s4+s9], $0x40, s18, s9, $0xb8;
	[tilespmem:$0x1F000] =	vst v63  }
0x39: {  	_ =	swait.ge [sflag:s14], $0x8000  }
0x3a: {  	[sflag:s14] =	ssyncset.done $0x0  }
0x3b: {  	s19 =	simm.s32 $0x2E00;
	[sflag:s14] =	ssyncadd.s32 $0xFFFF8000  }
0x3c: {  	[spmem:s2] =	stream.indirect.scatter.add.f32 [tilespmem:s11], [sflag:$0x3], $0x40, s19, s9, $0xb8;
	[tilespmem:$0x1F000] =	vst v63  }
0x3d: {  	_ =	swait.ge [sflag:s6], $0x8000  }
0x3e: {  	[sflag:s6] =	ssyncset.done $0x0  }
0x3f: {  	s20 =	simm.s32 $0xA00;
	[sflag:s6] =	ssyncadd.s32 $0xFFFF8000  }
0x40: {  	[tilespmem:s11], [sflag:$0x2] =	stream.indirect.gather [hbm4b:s4+s9], $0x40, s20, s9, $0xb8;
	[tilespmem:$0x1F000] =	vst v63  }
0x41: {  	_ =	swait.ge [sflag:s12], $0x8000  }
0x42: {  	[sflag:s12] =	ssyncset.done $0x0  }
0x43: {  	s21 =	simm.s32 $0x3000;
	[sflag:s12] =	ssyncadd.s32 $0xFFFF8000  }
0x44: {  	[spmem:s2] =	stream.indirect.scatter.add.f32 [tilespmem:s10], [sflag:$0x3], $0x40, s21, s9, $0xb8;
	[tilespmem:$0x1F000] =	vst v63  }
0x45: {  	_ =	swait.ge [sflag:s6], $0x8000  }
0x46: {  	[sflag:s6] =	ssyncset.done $0x0  }
0x47: {  	s22 =	simm.s32 $0xC00;
	[sflag:s6] =	ssyncadd.s32 $0xFFFF8000  }
0x48: {  	[tilespmem:s10], [sflag:$0x1] =	stream.indirect.gather [hbm4b:s4+s9], $0x40, s22, s9, $0xb8;
	[tilespmem:$0x1F000] =	vst v63  }
0x49: {  	_ =	swait.ge [sflag:s14], $0x8000  }
0x4a: {  	[sflag:s14] =	ssyncset.done $0x0  }
0x4b: {  	s23 =	simm.s32 $0x3200;
	[sflag:s14] =	ssyncadd.s32 $0xFFFF8000  }
0x4c: {  	[spmem:s2] =	stream.indirect.scatter.add.f32 [tilespmem:s11], [sflag:$0x3], $0x40, s23, s9, $0xb8;
	[tilespmem:$0x1F000] =	vst v63  }
0x4d: {  	_ =	swait.ge [sflag:s6], $0x8000  }
0x4e: {  	[sflag:s6] =	ssyncset.done $0x0  }
0x4f: {  	s24 =	simm.s32 $0xE00;
	[sflag:s6] =	ssyncadd.s32 $0xFFFF8000  }
0x50: {  	[tilespmem:s11], [sflag:$0x2] =	stream.indirect.gather [hbm4b:s4+s9], $0x40, s24, s9, $0xb8;
	[tilespmem:$0x1F000] =	vst v63  }
0x51: {  	_ =	swait.ge [sflag:s12], $0x8000  }
0x52: {  	[sflag:s12] =	ssyncset.done $0x0  }
0x53: {  	s25 =	simm.s32 $0x3400;
	[sflag:s12] =	ssyncadd.s32 $0xFFFF8000  }
0x54: {  	[spmem:s2] =	stream.indirect.scatter.add.f32 [tilespmem:s10], [sflag:$0x3], $0x40, s25, s9, $0xb8;
	[tilespmem:$0x1F000] =	vst v63  }
0x55: {  	_ =	swait.ge [sflag:s6], $0x8000  }
0x56: {  	[sflag:s6] =	ssyncset.done $0x0  }
0x57: {  	s26 =	simm.s32 $0x1000;
	[sflag:s6] =	ssyncadd.s32 $0xFFFF8000  }
0x58: {  	[tilespmem:s10], [sflag:$0x1] =	stream.indirect.gather [hbm4b:s4+s9], $0x40, s26, s9, $0xb8;
	[tilespmem:$0x1F000] =	vst v63  }
0x59: {  	_ =	swait.ge [sflag:s14], $0x8000  }
0x5a: {  	[sflag:s14] =	ssyncset.done $0x0  }
0x5b: {  	s28 =	simm.s32 $0x3600;
	[sflag:s14] =	ssyncadd.s32 $0xFFFF8000  }
0x5c: {  	[spmem:s2] =	stream.indirect.scatter.add.f32 [tilespmem:s11], [sflag:$0x3], $0x40, s28, s9, $0xb8;
	[tilespmem:$0x1F000] =	vst v63  }
0x5d: {  	_ =	swait.ge [sflag:s6], $0x8000  }
0x5e: {  	[sflag:s6] =	ssyncset.done $0x0  }
0x5f: {  	s29 =	simm.s32 $0x1200;
	[sflag:s6] =	ssyncadd.s32 $0xFFFF8000  }
0x60: {  	[tilespmem:s11], [sflag:$0x2] =	stream.indirect.gather [hbm4b:s4+s9], $0x40, s29, s9, $0xb8;
	[tilespmem:$0x1F000] =	vst v63  }
0x61: {  	_ =	swait.ge [sflag:s12], $0x8000  }
0x62: {  	[sflag:s12] =	ssyncset.done $0x0  }
0x63: {  	s30 =	simm.s32 $0x3800;
	[sflag:s12] =	ssyncadd.s32 $0xFFFF8000  }
0x64: {  	[spmem:s2] =	stream.indirect.scatter.add.f32 [tilespmem:s10], [sflag:$0x3], $0x40, s30, s9, $0xb8;
	[tilespmem:$0x1F000] =	vst v63  }
0x65: {  	_ =	swait.ge [sflag:s6], $0x8000  }
0x66: {  	[sflag:s6] =	ssyncset.done $0x0  }
0x67: {  	s1 =	simm.s32 $0x1400;
	[sflag:s6] =	ssyncadd.s32 $0xFFFF8000  }
0x68: {  	[tilespmem:s10], [sflag:$0x1] =	stream.indirect.gather [hbm4b:s4+s9], $0x40, s1, s9, $0xb8;
	[tilespmem:$0x1F000] =	vst v63  }
0x69: {  	_ =	swait.ge [sflag:s14], $0x8000  }
0x6a: {  	[sflag:s14] =	ssyncset.done $0x0  }
0x6b: {  	s5 =	simm.s32 $0x3A00;
	[sflag:s14] =	ssyncadd.s32 $0xFFFF8000  }
0x6c: {  	[spmem:s2] =	stream.indirect.scatter.add.f32 [tilespmem:s11], [sflag:$0x3], $0x40, s5, s9, $0xb8;
	[tilespmem:$0x1F000] =	vst v63  }
0x6d: {  	_ =	swait.ge [sflag:s6], $0x8000  }
0x6e: {  	[sflag:s6] =	ssyncset.done $0x0  }
0x6f: {  	s8 =	simm.s32 $0x1600;
	[sflag:s6] =	ssyncadd.s32 $0xFFFF8000  }
0x70: {  	[tilespmem:s11], [sflag:$0x2] =	stream.indirect.gather [hbm4b:s4+s9], $0x40, s8, s9, $0xb8;
	[tilespmem:$0x1F000] =	vst v63  }
0x71: {  	_ =	swait.ge [sflag:s12], $0x8000  }
0x72: {  	[sflag:s12] =	ssyncset.done $0x0  }
0x73: {  	s30 =	simm.s32 $0x3C00;
	[sflag:s12] =	ssyncadd.s32 $0xFFFF8000  }
0x74: {  	[spmem:s2] =	stream.indirect.scatter.add.f32 [tilespmem:s10], [sflag:$0x3], $0x40, s30, s9, $0xb8;
	[tilespmem:$0x1F000] =	vst v63  }
0x75: {  	_ =	swait.ge [sflag:s6], $0x8000  }
0x76: {  	[sflag:s6] =	ssyncset.done $0x0  }
0x77: {  	s29 =	simm.s32 $0x1800;
	[sflag:s6] =	ssyncadd.s32 $0xFFFF8000  }
0x78: {  	[tilespmem:s10], [sflag:$0x1] =	stream.indirect.gather [hbm4b:s4+s9], $0x40, s29, s9, $0xb8;
	[tilespmem:$0x1F000] =	vst v63  }
0x79: {  	_ =	swait.ge [sflag:s14], $0x8000  }
0x7a: {  	[sflag:s14] =	ssyncset.done $0x0  }
0x7b: {  	s28 =	simm.s32 $0x3E00;
	[sflag:s14] =	ssyncadd.s32 $0xFFFF8000  }
0x7c: {  	[spmem:s2] =	stream.indirect.scatter.add.f32 [tilespmem:s11], [sflag:$0x3], $0x40, s28, s9, $0xb8;
	[tilespmem:$0x1F000] =	vst v63  }
0x7d: {  	_ =	swait.ge [sflag:s6], $0x8000  }
0x7e: {  	[sflag:s6] =	ssyncset.done $0x0  }
0x7f: {  	s26 =	simm.s32 $0x1A00;
	[sflag:s6] =	ssyncadd.s32 $0xFFFF8000  }
0x80: {  	[tilespmem:s11], [sflag:$0x2] =	stream.indirect.gather [hbm4b:s4+s9], $0x40, s26, s9, $0xb8;
	[tilespmem:$0x1F000] =	vst v63  }
0x81: {  	_ =	swait.ge [sflag:s12], $0x8000  }
0x82: {  	[sflag:s12] =	ssyncset.done $0x0  }
0x83: {  	s25 =	simm.s32 $0x4000;
	[sflag:s12] =	ssyncadd.s32 $0xFFFF8000  }
0x84: {  	[spmem:s2] =	stream.indirect.scatter.add.f32 [tilespmem:s10], [sflag:$0x3], $0x40, s25, s9, $0xb8;
	[tilespmem:$0x1F000] =	vst v63  }
0x85: {  	_ =	swait.ge [sflag:s6], $0x8000  }
0x86: {  	[sflag:s6] =	ssyncset.done $0x0  }
0x87: {  	s24 =	simm.s32 $0x1C00;
	[sflag:s6] =	ssyncadd.s32 $0xFFFF8000  }
0x88: {  	[tilespmem:s10], [sflag:$0x1] =	stream.indirect.gather [hbm4b:s4+s9], $0x40, s24, s9, $0xb8;
	[tilespmem:$0x1F000] =	vst v63  }
0x89: {  	_ =	swait.ge [sflag:s14], $0x8000  }
0x8a: {  	[sflag:s14] =	ssyncset.done $0x0  }
0x8b: {  	s23 =	simm.s32 $0x4200;
	[sflag:s14] =	ssyncadd.s32 $0xFFFF8000  }
0x8c: {  	[spmem:s2] =	stream.indirect.scatter.add.f32 [tilespmem:s11], [sflag:$0x3], $0x40, s23, s9, $0xb8;
	[tilespmem:$0x1F000] =	vst v63  }
0x8d: {  	_ =	swait.ge [sflag:s6], $0x8000  }
0x8e: {  	[sflag:s6] =	ssyncset.done $0x0  }
0x8f: {  	s22 =	simm.s32 $0x1E00;
	[sflag:s6] =	ssyncadd.s32 $0xFFFF8000  }
0x90: {  	[tilespmem:s11], [sflag:$0x2] =	stream.indirect.gather [hbm4b:s4+s9], $0x40, s22, s9, $0xb8;
	[tilespmem:$0x1F000] =	vst v63  }
0x91: {  	_ =	swait.ge [sflag:s12], $0x8000  }
0x92: {  	[sflag:s12] =	ssyncset.done $0x0  }
0x93: {  	s21 =	simm.s32 $0x4400;
	[sflag:s12] =	ssyncadd.s32 $0xFFFF8000  }
0x94: {  	[spmem:s2] =	stream.indirect.scatter.add.f32 [tilespmem:s10], [sflag:$0x3], $0x40, s21, s9, $0xb8;
	[tilespmem:$0x1F000] =	vst v63  }
0x95: {  	_ =	swait.ge [sflag:s6], $0x8000  }
0x96: {  	[sflag:s6] =	ssyncset.done $0x0  }
0x97: {  	s20 =	simm.s32 $0x2000;
	[sflag:s6] =	ssyncadd.s32 $0xFFFF8000  }
0x98: {  	[tilespmem:s10], [sflag:$0x1] =	stream.indirect.gather [hbm4b:s4+s9], $0x40, s20, s9, $0xb8;
	[tilespmem:$0x1F000] =	vst v63  }
0x99: {  	_ =	swait.ge [sflag:s14], $0x8000  }
0x9a: {  	[sflag:s14] =	ssyncset.done $0x0  }
0x9b: {  	s19 =	simm.s32 $0x4600;
	[sflag:s14] =	ssyncadd.s32 $0xFFFF8000  }
0x9c: {  	[spmem:s2] =	stream.indirect.scatter.add.f32 [tilespmem:s11], [sflag:$0x3], $0x40, s19, s9, $0xb8;
	[tilespmem:$0x1F000] =	vst v63  }
0x9d: {  	_ =	swait.ge [sflag:s6], $0x8000  }
0x9e: {  	[sflag:s6] =	ssyncset.done $0x0  }
0x9f: {  	s18 =	simm.s32 $0x2200;
	[sflag:s6] =	ssyncadd.s32 $0xFFFF8000  }
0xa0: {  	[tilespmem:s11], [sflag:$0x2] =	stream.indirect.gather [hbm4b:s4+s9], $0x40, s18, s9, $0xb8;
	[tilespmem:$0x1F000] =	vst v63  }
0xa1: {  	_ =	swait.ge [sflag:s12], $0x8000  }
0xa2: {  	[sflag:s12] =	ssyncset.done $0x0  }
0xa3: {  	s17 =	simm.s32 $0x4800;
	[sflag:s12] =	ssyncadd.s32 $0xFFFF8000  }
0xa4: {  	[spmem:s2] =	stream.indirect.scatter.add.f32 [tilespmem:s10], [sflag:$0x3], $0x40, s17, s9, $0xb8;
	[tilespmem:$0x1F000] =	vst v63  }
0xa5: {  	_ =	swait.ge [sflag:s6], $0x8000  }
0xa6: {  	[sflag:s6] =	ssyncset.done $0x0  }
0xa7: {  	s16 =	simm.s32 $0x2400;
	[sflag:s6] =	ssyncadd.s32 $0xFFFF8000  }
0xa8: {  	[tilespmem:s10], [sflag:$0x1] =	stream.indirect.gather [hbm4b:s4+s9], $0x40, s16, s9, $0xb8;
	[tilespmem:$0x1F000] =	vst v63  }
0xa9: {  	_ =	swait.ge [sflag:s14], $0x8000  }
0xaa: {  	[sflag:s14] =	ssyncset.done $0x0  }
0xab: {  	s15 =	simm.s32 $0x4A00;
	[sflag:s14] =	ssyncadd.s32 $0xFFFF8000  }
0xac: {  	[spmem:s2] =	stream.indirect.scatter.add.f32 [tilespmem:s11], [sflag:$0x3], $0x40, s15, s9, $0xb8;
	[tilespmem:$0x1F000] =	vst v63  }
0xad: {  	_ =	swait.ge [sflag:s6], $0x8000  }
0xae: {  	[sflag:s6] =	ssyncset.done $0x0  }
0xaf: {  	s8 =	simm.s32 $0x2600;
	[sflag:s6] =	ssyncadd.s32 $0xFFFF8000  }
0xb0: {  	[tilespmem:s11], [sflag:$0x2] =	stream.indirect.gather [hbm4b:s4+s9], $0x40, s8, s9, $0xb8;
	[tilespmem:$0x1F000] =	vst v63  }
0xb1: {  	_ =	swait.ge [sflag:s12], $0x8000  }
0xb2: {  	[sflag:s12] =	ssyncset.done $0x0  }
0xb3: {  	s5 =	simm.s32 $0x4C00;
	[sflag:s12] =	ssyncadd.s32 $0xFFFF8000  }
0xb4: {  	[spmem:s2] =	stream.indirect.scatter.add.f32 [tilespmem:s10], [sflag:$0x3], $0x40, s5, s9, $0xb8;
	[tilespmem:$0x1F000] =	vst v63  }
0xb5: {  	_ =	swait.ge [sflag:s6], $0x8000  }
0xb6: {  	[sflag:s6] =	ssyncset.done $0x0  }
0xb7: {  	[sflag:s6] =	ssyncadd.s32 $0xFFFF8000  }
0xb8: {  	_ =	swait.ge [sflag:s14], $0x8000  }
0xb9: {  	[sflag:s14] =	ssyncset.done $0x0  }
0xba: {  	s1 =	simm.s32 $0x4E00;
	[sflag:s14] =	ssyncadd.s32 $0xFFFF8000  }
0xbb: {  	[spmem:s2] =	stream.indirect.scatter.add.f32 [tilespmem:s11], [sflag:$0x3], $0x40, s1, s9, $0xb8;
	[tilespmem:$0x1F000] =	vst v63  }
0xbc: {  	_ =	swait.ge [sflag:s6], $0x8000  }
0xbd: {  	[sflag:s6] =	ssyncset.done $0x0  }
0xbe: {  	s0 =	rddreg [dreg:$0x7];
	[sflag:s6] =	ssyncadd.s32 $0xFFFF8000  }
0xbf: {  	[tilespmem:s13], [sflag:$0x3] =	stream.linear.gather [hbm4b:s0+s13], $0x2800, $0x38;
	[tilespmem:$0x1F000] =	vst v63  }
0xc0: {  	_ =	swait.ge [sflag:s6], $0x2800  }
0xc1: {  	[sflag:s6] =	ssyncset.done $0x0  }
0xc2: {  	s0 =	rddreg [dreg:$0x8];
	[sflag:s6] =	ssyncadd.s32 $0xFFFFD800  }
0xc3: {  	[tilespmem:s3], [sflag:$0x3] =	stream.linear.gather [hbm4b:s0+s13], $0x2800, $0x38;
	[tilespmem:$0x1F000] =	vst v63  }
0xc4: {  	_ =	swait.ge [sflag:s6], $0x2800  }
0xc5: {  	[sflag:s6] =	ssyncset.done $0x0  }
0xc6: {  	[sflag:s6] =	ssyncadd.s32 $0xFFFFD800  }
0xc7: {  	[tilespmem:s10], [sflag:$0x1] =	stream.indirect.gather [hbm4b:s4+s9], $0x40, s13, s9, $0xb8;
	[tilespmem:$0x1F000] =	vst v63  }
0xc8: {  	_ = 	snop  }
0xc9: {  	[tilespmem:s11], [sflag:$0x2] =	stream.indirect.gather [hbm4b:s4+s9], $0x40, s9, s9, $0xb8;
	[tilespmem:$0x1F000] =	vst v63  }
0xca: {  	_ =	swait.ge [sflag:s12], $0x8000  }
0xcb: {  	[sflag:s12] =	ssyncset.done $0x0  }
0xcc: {  	[sflag:s12] =	ssyncadd.s32 $0xFFFF8000  }
0xcd: {  	[spmem:s2] =	stream.indirect.scatter.add.f32 [tilespmem:s10], [sflag:$0x3], $0x40, s3, s9, $0xb8;
	[tilespmem:$0x1F000] =	vst v63  }
0xce: {  	_ =	swait.ge [sflag:s6], $0x8000  }
0xcf: {  	[sflag:s6] =	ssyncset.done $0x0  }
0xd0: {  	s13 =	simm.s32 $0x400;
	[sflag:s6] =	ssyncadd.s32 $0xFFFF8000  }
0xd1: {  	[tilespmem:s10], [sflag:$0x1] =	stream.indirect.gather [hbm4b:s4+s9], $0x40, s13, s9, $0xb8;
	[tilespmem:$0x1F000] =	vst v63  }
0xd2: {  	_ =	swait.ge [sflag:s14], $0x8000  }
0xd3: {  	[sflag:s14] =	ssyncset.done $0x0  }
0xd4: {  	s3 =	simm.s32 $0x2A00;
	[sflag:s14] =	ssyncadd.s32 $0xFFFF8000  }
0xd5: {  	[spmem:s2] =	stream.indirect.scatter.add.f32 [tilespmem:s11], [sflag:$0x3], $0x40, s3, s9, $0xb8;
	[tilespmem:$0x1F000] =	vst v63  }
0xd6: {  	_ =	swait.ge [sflag:s6], $0x8000  }
0xd7: {  	[sflag:s6] =	ssyncset.done $0x0  }
0xd8: {  	s13 =	simm.s32 $0x600;
	[sflag:s6] =	ssyncadd.s32 $0xFFFF8000  }
0xd9: {  	[tilespmem:s11], [sflag:$0x2] =	stream.indirect.gather [hbm4b:s4+s9], $0x40, s13, s9, $0xb8;
	[tilespmem:$0x1F000] =	vst v63  }
0xda: {  	_ =	swait.ge [sflag:s12], $0x8000  }
0xdb: {  	[sflag:s12] =	ssyncset.done $0x0  }
0xdc: {  	s3 =	simm.s32 $0x2C00;
	[sflag:s12] =	ssyncadd.s32 $0xFFFF8000  }
0xdd: {  	[spmem:s2] =	stream.indirect.scatter.add.f32 [tilespmem:s10], [sflag:$0x3], $0x40, s3, s9, $0xb8;
	[tilespmem:$0x1F000] =	vst v63  }
0xde: {  	_ =	swait.ge [sflag:s6], $0x8000  }
0xdf: {  	[sflag:s6] =	ssyncset.done $0x0  }
0xe0: {  	s13 =	simm.s32 $0x800;
	[sflag:s6] =	ssyncadd.s32 $0xFFFF8000  }
0xe1: {  	[tilespmem:s10], [sflag:$0x1] =	stream.indirect.gather [hbm4b:s4+s9], $0x40, s13, s9, $0xb8;
	[tilespmem:$0x1F000] =	vst v63  }
0xe2: {  	_ =	swait.ge [sflag:s14], $0x8000  }
0xe3: {  	[sflag:s14] =	ssyncset.done $0x0  }
0xe4: {  	s3 =	simm.s32 $0x2E00;
	[sflag:s14] =	ssyncadd.s32 $0xFFFF8000  }
0xe5: {  	[spmem:s2] =	stream.indirect.scatter.add.f32 [tilespmem:s11], [sflag:$0x3], $0x40, s3, s9, $0xb8;
	[tilespmem:$0x1F000] =	vst v63  }
0xe6: {  	_ =	swait.ge [sflag:s6], $0x8000  }
0xe7: {  	[sflag:s6] =	ssyncset.done $0x0  }
0xe8: {  	s13 =	simm.s32 $0xA00;
	[sflag:s6] =	ssyncadd.s32 $0xFFFF8000  }
0xe9: {  	[tilespmem:s11], [sflag:$0x2] =	stream.indirect.gather [hbm4b:s4+s9], $0x40, s13, s9, $0xb8;
	[tilespmem:$0x1F000] =	vst v63  }
0xea: {  	_ =	swait.ge [sflag:s12], $0x8000  }
0xeb: {  	[sflag:s12] =	ssyncset.done $0x0  }
0xec: {  	s3 =	simm.s32 $0x3000;
	[sflag:s12] =	ssyncadd.s32 $0xFFFF8000  }
0xed: {  	[spmem:s2] =	stream.indirect.scatter.add.f32 [tilespmem:s10], [sflag:$0x3], $0x40, s3, s9, $0xb8;
	[tilespmem:$0x1F000] =	vst v63  }
0xee: {  	_ =	swait.ge [sflag:s6], $0x8000  }
0xef: {  	[sflag:s6] =	ssyncset.done $0x0  }
0xf0: {  	s13 =	simm.s32 $0xC00;
	[sflag:s6] =	ssyncadd.s32 $0xFFFF8000  }
0xf1: {  	[tilespmem:s10], [sflag:$0x1] =	stream.indirect.gather [hbm4b:s4+s9], $0x40, s13, s9, $0xb8;
	[tilespmem:$0x1F000] =	vst v63  }
0xf2: {  	_ =	swait.ge [sflag:s14], $0x8000  }
0xf3: {  	[sflag:s14] =	ssyncset.done $0x0  }
0xf4: {  	s3 =	simm.s32 $0x3200;
	[sflag:s14] =	ssyncadd.s32 $0xFFFF8000  }
0xf5: {  	[spmem:s2] =	stream.indirect.scatter.add.f32 [tilespmem:s11], [sflag:$0x3], $0x40, s3, s9, $0xb8;
	[tilespmem:$0x1F000] =	vst v63  }
0xf6: {  	_ =	swait.ge [sflag:s6], $0x8000  }
0xf7: {  	[sflag:s6] =	ssyncset.done $0x0  }
0xf8: {  	s13 =	simm.s32 $0xE00;
	[sflag:s6] =	ssyncadd.s32 $0xFFFF8000  }
0xf9: {  	[tilespmem:s11], [sflag:$0x2] =	stream.indirect.gather [hbm4b:s4+s9], $0x40, s13, s9, $0xb8;
	[tilespmem:$0x1F000] =	vst v63  }
0xfa: {  	_ =	swait.ge [sflag:s12], $0x8000  }
0xfb: {  	[sflag:s12] =	ssyncset.done $0x0  }
0xfc: {  	s3 =	simm.s32 $0x3400;
	[sflag:s12] =	ssyncadd.s32 $0xFFFF8000  }
0xfd: {  	[spmem:s2] =	stream.indirect.scatter.add.f32 [tilespmem:s10], [sflag:$0x3], $0x40, s3, s9, $0xb8;
	[tilespmem:$0x1F000] =	vst v63  }
0xfe: {  	_ =	swait.ge [sflag:s6], $0x8000  }
0xff: {  	[sflag:s6] =	ssyncset.done $0x0  }
0x100: {  	s13 =	simm.s32 $0x1000;
	[sflag:s6] =	ssyncadd.s32 $0xFFFF8000  }
0x101: {  	[tilespmem:s10], [sflag:$0x1] =	stream.indirect.gather [hbm4b:s4+s9], $0x40, s13, s9, $0xb8;
	[tilespmem:$0x1F000] =	vst v63  }
0x102: {  	_ =	swait.ge [sflag:s14], $0x8000  }
0x103: {  	[sflag:s14] =	ssyncset.done $0x0  }
0x104: {  	s3 =	simm.s32 $0x3600;
	[sflag:s14] =	ssyncadd.s32 $0xFFFF8000  }
0x105: {  	[spmem:s2] =	stream.indirect.scatter.add.f32 [tilespmem:s11], [sflag:$0x3], $0x40, s3, s9, $0xb8;
	[tilespmem:$0x1F000] =	vst v63  }
0x106: {  	_ =	swait.ge [sflag:s6], $0x8000  }
0x107: {  	[sflag:s6] =	ssyncset.done $0x0  }
0x108: {  	s13 =	simm.s32 $0x1200;
	[sflag:s6] =	ssyncadd.s32 $0xFFFF8000  }
0x109: {  	[tilespmem:s11], [sflag:$0x2] =	stream.indirect.gather [hbm4b:s4+s9], $0x40, s13, s9, $0xb8;
	[tilespmem:$0x1F000] =	vst v63  }
0x10a: {  	_ =	swait.ge [sflag:s12], $0x8000  }
0x10b: {  	[sflag:s12] =	ssyncset.done $0x0  }
0x10c: {  	s3 =	simm.s32 $0x3800;
	[sflag:s12] =	ssyncadd.s32 $0xFFFF8000  }
0x10d: {  	[spmem:s2] =	stream.indirect.scatter.add.f32 [tilespmem:s10], [sflag:$0x3], $0x40, s3, s9, $0xb8;
	[tilespmem:$0x1F000] =	vst v63  }
0x10e: {  	_ =	swait.ge [sflag:s6], $0x8000  }
0x10f: {  	[sflag:s6] =	ssyncset.done $0x0  }
0x110: {  	s13 =	simm.s32 $0x1400;
	[sflag:s6] =	ssyncadd.s32 $0xFFFF8000  }
0x111: {  	[tilespmem:s10], [sflag:$0x1] =	stream.indirect.gather [hbm4b:s4+s9], $0x40, s13, s9, $0xb8;
	[tilespmem:$0x1F000] =	vst v63  }
0x112: {  	_ =	swait.ge [sflag:s14], $0x8000  }
0x113: {  	[sflag:s14] =	ssyncset.done $0x0  }
0x114: {  	s3 =	simm.s32 $0x3A00;
	[sflag:s14] =	ssyncadd.s32 $0xFFFF8000  }
0x115: {  	[spmem:s2] =	stream.indirect.scatter.add.f32 [tilespmem:s11], [sflag:$0x3], $0x40, s3, s9, $0xb8;
	[tilespmem:$0x1F000] =	vst v63  }
0x116: {  	_ =	swait.ge [sflag:s6], $0x8000  }
0x117: {  	[sflag:s6] =	ssyncset.done $0x0  }
0x118: {  	s13 =	simm.s32 $0x1600;
	[sflag:s6] =	ssyncadd.s32 $0xFFFF8000  }
0x119: {  	[tilespmem:s11], [sflag:$0x2] =	stream.indirect.gather [hbm4b:s4+s9], $0x40, s13, s9, $0xb8;
	[tilespmem:$0x1F000] =	vst v63  }
0x11a: {  	_ =	swait.ge [sflag:s12], $0x8000  }
0x11b: {  	[sflag:s12] =	ssyncset.done $0x0  }
0x11c: {  	[sflag:s12] =	ssyncadd.s32 $0xFFFF8000  }
0x11d: {  	[spmem:s2] =	stream.indirect.scatter.add.f32 [tilespmem:s10], [sflag:$0x3], $0x40, s30, s9, $0xb8;
	[tilespmem:$0x1F000] =	vst v63  }
0x11e: {  	_ =	swait.ge [sflag:s6], $0x8000  }
0x11f: {  	[sflag:s6] =	ssyncset.done $0x0  }
0x120: {  	[sflag:s6] =	ssyncadd.s32 $0xFFFF8000  }
0x121: {  	[tilespmem:s10], [sflag:$0x1] =	stream.indirect.gather [hbm4b:s4+s9], $0x40, s29, s9, $0xb8;
	[tilespmem:$0x1F000] =	vst v63  }
0x122: {  	_ =	swait.ge [sflag:s14], $0x8000  }
0x123: {  	[sflag:s14] =	ssyncset.done $0x0  }
0x124: {  	[sflag:s14] =	ssyncadd.s32 $0xFFFF8000  }
0x125: {  	[spmem:s2] =	stream.indirect.scatter.add.f32 [tilespmem:s11], [sflag:$0x3], $0x40, s28, s9, $0xb8;
	[tilespmem:$0x1F000] =	vst v63  }
0x126: {  	_ =	swait.ge [sflag:s6], $0x8000  }
0x127: {  	[sflag:s6] =	ssyncset.done $0x0  }
0x128: {  	[sflag:s6] =	ssyncadd.s32 $0xFFFF8000  }
0x129: {  	[tilespmem:s11], [sflag:$0x2] =	stream.indirect.gather [hbm4b:s4+s9], $0x40, s26, s9, $0xb8;
	[tilespmem:$0x1F000] =	vst v63  }
0x12a: {  	_ =	swait.ge [sflag:s12], $0x8000  }
0x12b: {  	[sflag:s12] =	ssyncset.done $0x0  }
0x12c: {  	[sflag:s12] =	ssyncadd.s32 $0xFFFF8000  }
0x12d: {  	[spmem:s2] =	stream.indirect.scatter.add.f32 [tilespmem:s10], [sflag:$0x3], $0x40, s25, s9, $0xb8;
	[tilespmem:$0x1F000] =	vst v63  }
0x12e: {  	_ =	swait.ge [sflag:s6], $0x8000  }
0x12f: {  	[sflag:s6] =	ssyncset.done $0x0  }
0x130: {  	[sflag:s6] =	ssyncadd.s32 $0xFFFF8000  }
0x131: {  	[tilespmem:s10], [sflag:$0x1] =	stream.indirect.gather [hbm4b:s4+s9], $0x40, s24, s9, $0xb8;
	[tilespmem:$0x1F000] =	vst v63  }
0x132: {  	_ =	swait.ge [sflag:s14], $0x8000  }
0x133: {  	[sflag:s14] =	ssyncset.done $0x0  }
0x134: {  	[sflag:s14] =	ssyncadd.s32 $0xFFFF8000  }
0x135: {  	[spmem:s2] =	stream.indirect.scatter.add.f32 [tilespmem:s11], [sflag:$0x3], $0x40, s23, s9, $0xb8;
	[tilespmem:$0x1F000] =	vst v63  }
0x136: {  	_ =	swait.ge [sflag:s6], $0x8000  }
0x137: {  	[sflag:s6] =	ssyncset.done $0x0  }
0x138: {  	[sflag:s6] =	ssyncadd.s32 $0xFFFF8000  }
0x139: {  	[tilespmem:s11], [sflag:$0x2] =	stream.indirect.gather [hbm4b:s4+s9], $0x40, s22, s9, $0xb8;
	[tilespmem:$0x1F000] =	vst v63  }
0x13a: {  	_ =	swait.ge [sflag:s12], $0x8000  }
0x13b: {  	[sflag:s12] =	ssyncset.done $0x0  }
0x13c: {  	[sflag:s12] =	ssyncadd.s32 $0xFFFF8000  }
0x13d: {  	[spmem:s2] =	stream.indirect.scatter.add.f32 [tilespmem:s10], [sflag:$0x3], $0x40, s21, s9, $0xb8;
	[tilespmem:$0x1F000] =	vst v63  }
0x13e: {  	_ =	swait.ge [sflag:s6], $0x8000  }
0x13f: {  	[sflag:s6] =	ssyncset.done $0x0  }
0x140: {  	[sflag:s6] =	ssyncadd.s32 $0xFFFF8000  }
0x141: {  	[tilespmem:s10], [sflag:$0x1] =	stream.indirect.gather [hbm4b:s4+s9], $0x40, s20, s9, $0xb8;
	[tilespmem:$0x1F000] =	vst v63  }
0x142: {  	_ =	swait.ge [sflag:s14], $0x8000  }
0x143: {  	[sflag:s14] =	ssyncset.done $0x0  }
0x144: {  	[sflag:s14] =	ssyncadd.s32 $0xFFFF8000  }
0x145: {  	[spmem:s2] =	stream.indirect.scatter.add.f32 [tilespmem:s11], [sflag:$0x3], $0x40, s19, s9, $0xb8;
	[tilespmem:$0x1F000] =	vst v63  }
0x146: {  	_ =	swait.ge [sflag:s6], $0x8000  }
0x147: {  	[sflag:s6] =	ssyncset.done $0x0  }
0x148: {  	[sflag:s6] =	ssyncadd.s32 $0xFFFF8000  }
0x149: {  	[tilespmem:s11], [sflag:$0x2] =	stream.indirect.gather [hbm4b:s4+s9], $0x40, s18, s9, $0xb8;
	[tilespmem:$0x1F000] =	vst v63  }
0x14a: {  	_ =	swait.ge [sflag:s12], $0x8000  }
0x14b: {  	[sflag:s12] =	ssyncset.done $0x0  }
0x14c: {  	[sflag:s12] =	ssyncadd.s32 $0xFFFF8000  }
0x14d: {  	[spmem:s2] =	stream.indirect.scatter.add.f32 [tilespmem:s10], [sflag:$0x3], $0x40, s17, s9, $0xb8;
	[tilespmem:$0x1F000] =	vst v63  }
0x14e: {  	_ =	swait.ge [sflag:s6], $0x8000  }
0x14f: {  	[sflag:s6] =	ssyncset.done $0x0  }
0x150: {  	[sflag:s6] =	ssyncadd.s32 $0xFFFF8000  }
0x151: {  	[tilespmem:s10], [sflag:$0x1] =	stream.indirect.gather [hbm4b:s4+s9], $0x40, s16, s9, $0xb8;
	[tilespmem:$0x1F000] =	vst v63  }
0x152: {  	_ =	swait.ge [sflag:s14], $0x8000  }
0x153: {  	[sflag:s14] =	ssyncset.done $0x0  }
0x154: {  	[sflag:s14] =	ssyncadd.s32 $0xFFFF8000  }
0x155: {  	[spmem:s2] =	stream.indirect.scatter.add.f32 [tilespmem:s11], [sflag:$0x3], $0x40, s15, s9, $0xb8;
	[tilespmem:$0x1F000] =	vst v63  }
0x156: {  	_ =	swait.ge [sflag:s6], $0x8000  }
0x157: {  	[sflag:s6] =	ssyncset.done $0x0  }
0x158: {  	[sflag:s6] =	ssyncadd.s32 $0xFFFF8000  }
0x159: {  	[tilespmem:s11], [sflag:$0x2] =	stream.indirect.gather [hbm4b:s4+s9], $0x40, s8, s9, $0xb8;
	[tilespmem:$0x1F000] =	vst v63  }
0x15a: {  	_ =	swait.ge [sflag:s12], $0x8000  }
0x15b: {  	[sflag:s12] =	ssyncset.done $0x0  }
0x15c: {  	[sflag:s12] =	ssyncadd.s32 $0xFFFF8000  }
0x15d: {  	[spmem:s2] =	stream.indirect.scatter.add.f32 [tilespmem:s10], [sflag:$0x3], $0x40, s5, s9, $0xb8;
	[tilespmem:$0x1F000] =	vst v63  }
0x15e: {  	_ =	swait.ge [sflag:s6], $0x8000  }
0x15f: {  	[sflag:s6] =	ssyncset.done $0x0  }
0x160: {  	[sflag:s6] =	ssyncadd.s32 $0xFFFF8000  }
0x161: {  	_ =	swait.ge [sflag:s14], $0x8000  }
0x162: {  	[sflag:s14] =	ssyncset.done $0x0  }
0x163: {  	[sflag:s14] =	ssyncadd.s32 $0xFFFF8000  }
0x164: {  	[spmem:s2] =	stream.indirect.scatter.add.f32 [tilespmem:s11], [sflag:$0x3], $0x40, s1, s9, $0xb8;
	[tilespmem:$0x1F000] =	vst v63  }
0x165: {  	_ =	swait.ge [sflag:s6], $0x8000  }
0x166: {  	[sflag:s6] =	ssyncset.done $0x0  }
0x167: {  	[sflag:s6] =	ssyncadd.s32 $0xFFFF8000  }
0x168: {  	[bflag:$0x0] =	sbarrier.arrive $0xFFFF  }
0x169: {  	s28 =	rddreg [dreg:$0xc]  }
0x16a: {  	s29 =	ssub.s32 $0x2, s28  }
0x16b: {  	s0 =	sshrl.u32 s29, $0x1  }
0x16c: {  	s0 =	ssub.s32 s29, s0  }
0x16d: {  	s0 =	smax.u32 s0, $0x1  }
0x16e: {  	p0 =	sne.s32 s0, $0x1  }
.Ltmp0:
0x16f: {  	s30 =	rddreg [dreg:$0x9];
	(pc) =	sbr.rel @!p0 .LBB2_3-.Ltmp0, $4  }
0x170: {  	[dreg:$0xa] =	wrdreg s31  }
0x171: {  	[dreg:$0xb] =	wrdreg s7  }
0x172: {  	[hbm:s30], [sflag:s31] =	dma.local [spmem:s7], $0x1400  }
0x173: {  	_ =	swait.ge [sflag:s6], $0x1400;
	s0 =	sadd.s32 $0xFFFFFFFF, s0  }
0x174: {  	s3 =	simm.s32 $0x2800;
	s15 =	simm.s32 $0x400  }
0x175: {  	s16 =	simm.s32 $0x2A00;
	s17 =	simm.s32 $0x600;
	s18 =	simm.s32 $0x2C00  }
0x176: {  	s19 =	simm.s32 $0x800;
	s20 =	simm.s32 $0x2E00;
	s21 =	simm.s32 $0xA00  }
0x177: {  	s22 =	simm.s32 $0x3000;
	s23 =	simm.s32 $0xC00;
	s24 =	simm.s32 $0x3200  }
0x178: {  	s25 =	simm.s32 $0xE00;
	s26 =	simm.s32 $0x3400;
	s28 =	simm.s32 $0x1000  }
0x179: {  	s29 =	simm.s32 $0x3600;
	s30 =	simm.s32 $0x1200;
	s31 =	simm.s32 $0x3800  }
.LBB2_2:
0x17a: {  	s13 =	rddreg [dreg:$0x4]  }
0x17b: {  	[sflag:s6] =	ssyncset.done $0x0;
	s7 =	rddreg [dreg:$0xa]  }
0x17c: {  	s8 =	rddreg [dreg:$0xb];
	[sflag:s6] =	ssyncadd.s32 $0xFFFFEC00  }
0x17d: {  	[spmem:s8], [sflag:s7] =	dma.local [hbm:s13], $0x1400  }
0x17e: {  	_ =	swait.ge [sflag:s6], $0x1400  }
0x17f: {  	[sflag:s6] =	ssyncset.done $0x0  }
0x180: {  	[sflag:s6] =	ssyncadd.s32 $0xFFFFEC00  }
0x181: {  	[bflag:$0x0] =	sbarrier.arrive $0xFFFF  }
0x182: {  	s1 =	simm.s32 $0x0;
	s5 =	rddreg [dreg:$0x5]  }
0x183: {  	[tilespmem:s1], [sflag:$0x3] =	stream.linear.gather [hbm4b:s5+s1], $0x2800, $0x38;
	[tilespmem:$0x1F000] =	vst v63  }
0x184: {  	_ =	swait.ge [sflag:s6], $0x2800  }
0x185: {  	[sflag:s6] =	ssyncset.done $0x0  }
0x186: {  	s5 =	rddreg [dreg:$0x6];
	[sflag:s6] =	ssyncadd.s32 $0xFFFFD800  }
0x187: {  	[tilespmem:s3], [sflag:$0x3] =	stream.linear.gather [hbm4b:s5+s1], $0x2800, $0x38;
	[tilespmem:$0x1F000] =	vst v63  }
0x188: {  	_ =	swait.ge [sflag:s6], $0x2800  }
0x189: {  	[sflag:s6] =	ssyncset.done $0x0  }
0x18a: {  	[sflag:s6] =	ssyncadd.s32 $0xFFFFD800  }
0x18b: {  	[tilespmem:s10], [sflag:$0x1] =	stream.indirect.gather [hbm4b:s4+s9], $0x40, s1, s9, $0xb8;
	[tilespmem:$0x1F000] =	vst v63  }
0x18c: {  	_ = 	snop  }
0x18d: {  	[tilespmem:s11], [sflag:$0x2] =	stream.indirect.gather [hbm4b:s4+s9], $0x40, s9, s9, $0xb8;
	[tilespmem:$0x1F000] =	vst v63  }
0x18e: {  	_ =	swait.ge [sflag:s12], $0x8000  }
0x18f: {  	[sflag:s12] =	ssyncset.done $0x0  }
0x190: {  	[sflag:s12] =	ssyncadd.s32 $0xFFFF8000  }
0x191: {  	[spmem:s2] =	stream.indirect.scatter.add.f32 [tilespmem:s10], [sflag:$0x3], $0x40, s3, s9, $0xb8;
	[tilespmem:$0x1F000] =	vst v63  }
0x192: {  	_ =	swait.ge [sflag:s6], $0x8000  }
0x193: {  	[sflag:s6] =	ssyncset.done $0x0  }
0x194: {  	[sflag:s6] =	ssyncadd.s32 $0xFFFF8000  }
0x195: {  	[tilespmem:s10], [sflag:$0x1] =	stream.indirect.gather [hbm4b:s4+s9], $0x40, s15, s9, $0xb8;
	[tilespmem:$0x1F000] =	vst v63  }
0x196: {  	_ =	swait.ge [sflag:s14], $0x8000  }
0x197: {  	[sflag:s14] =	ssyncset.done $0x0  }
0x198: {  	[sflag:s14] =	ssyncadd.s32 $0xFFFF8000  }
0x199: {  	[spmem:s2] =	stream.indirect.scatter.add.f32 [tilespmem:s11], [sflag:$0x3], $0x40, s16, s9, $0xb8;
	[tilespmem:$0x1F000] =	vst v63  }
0x19a: {  	_ =	swait.ge [sflag:s6], $0x8000  }
0x19b: {  	[sflag:s6] =	ssyncset.done $0x0  }
0x19c: {  	[sflag:s6] =	ssyncadd.s32 $0xFFFF8000  }
0x19d: {  	[tilespmem:s11], [sflag:$0x2] =	stream.indirect.gather [hbm4b:s4+s9], $0x40, s17, s9, $0xb8;
	[tilespmem:$0x1F000] =	vst v63  }
0x19e: {  	_ =	swait.ge [sflag:s12], $0x8000  }
0x19f: {  	[sflag:s12] =	ssyncset.done $0x0  }
0x1a0: {  	[sflag:s12] =	ssyncadd.s32 $0xFFFF8000  }
0x1a1: {  	[spmem:s2] =	stream.indirect.scatter.add.f32 [tilespmem:s10], [sflag:$0x3], $0x40, s18, s9, $0xb8;
	[tilespmem:$0x1F000] =	vst v63  }
0x1a2: {  	_ =	swait.ge [sflag:s6], $0x8000  }
0x1a3: {  	[sflag:s6] =	ssyncset.done $0x0  }
0x1a4: {  	[sflag:s6] =	ssyncadd.s32 $0xFFFF8000  }
0x1a5: {  	[tilespmem:s10], [sflag:$0x1] =	stream.indirect.gather [hbm4b:s4+s9], $0x40, s19, s9, $0xb8;
	[tilespmem:$0x1F000] =	vst v63  }
0x1a6: {  	_ =	swait.ge [sflag:s14], $0x8000  }
0x1a7: {  	[sflag:s14] =	ssyncset.done $0x0  }
0x1a8: {  	[sflag:s14] =	ssyncadd.s32 $0xFFFF8000  }
0x1a9: {  	[spmem:s2] =	stream.indirect.scatter.add.f32 [tilespmem:s11], [sflag:$0x3], $0x40, s20, s9, $0xb8;
	[tilespmem:$0x1F000] =	vst v63  }
0x1aa: {  	_ =	swait.ge [sflag:s6], $0x8000  }
0x1ab: {  	[sflag:s6] =	ssyncset.done $0x0  }
0x1ac: {  	[sflag:s6] =	ssyncadd.s32 $0xFFFF8000  }
0x1ad: {  	[tilespmem:s11], [sflag:$0x2] =	stream.indirect.gather [hbm4b:s4+s9], $0x40, s21, s9, $0xb8;
	[tilespmem:$0x1F000] =	vst v63  }
0x1ae: {  	_ =	swait.ge [sflag:s12], $0x8000  }
0x1af: {  	[sflag:s12] =	ssyncset.done $0x0  }
0x1b0: {  	[sflag:s12] =	ssyncadd.s32 $0xFFFF8000  }
0x1b1: {  	[spmem:s2] =	stream.indirect.scatter.add.f32 [tilespmem:s10], [sflag:$0x3], $0x40, s22, s9, $0xb8;
	[tilespmem:$0x1F000] =	vst v63  }
0x1b2: {  	_ =	swait.ge [sflag:s6], $0x8000  }
0x1b3: {  	[sflag:s6] =	ssyncset.done $0x0  }
0x1b4: {  	[sflag:s6] =	ssyncadd.s32 $0xFFFF8000  }
0x1b5: {  	[tilespmem:s10], [sflag:$0x1] =	stream.indirect.gather [hbm4b:s4+s9], $0x40, s23, s9, $0xb8;
	[tilespmem:$0x1F000] =	vst v63  }
0x1b6: {  	_ =	swait.ge [sflag:s14], $0x8000  }
0x1b7: {  	[sflag:s14] =	ssyncset.done $0x0  }
0x1b8: {  	[sflag:s14] =	ssyncadd.s32 $0xFFFF8000  }
0x1b9: {  	[spmem:s2] =	stream.indirect.scatter.add.f32 [tilespmem:s11], [sflag:$0x3], $0x40, s24, s9, $0xb8;
	[tilespmem:$0x1F000] =	vst v63  }
0x1ba: {  	_ =	swait.ge [sflag:s6], $0x8000  }
0x1bb: {  	[sflag:s6] =	ssyncset.done $0x0  }
0x1bc: {  	[sflag:s6] =	ssyncadd.s32 $0xFFFF8000  }
0x1bd: {  	[tilespmem:s11], [sflag:$0x2] =	stream.indirect.gather [hbm4b:s4+s9], $0x40, s25, s9, $0xb8;
	[tilespmem:$0x1F000] =	vst v63  }
0x1be: {  	_ =	swait.ge [sflag:s12], $0x8000  }
0x1bf: {  	[sflag:s12] =	ssyncset.done $0x0  }
0x1c0: {  	[sflag:s12] =	ssyncadd.s32 $0xFFFF8000  }
0x1c1: {  	[spmem:s2] =	stream.indirect.scatter.add.f32 [tilespmem:s10], [sflag:$0x3], $0x40, s26, s9, $0xb8;
	[tilespmem:$0x1F000] =	vst v63  }
0x1c2: {  	_ =	swait.ge [sflag:s6], $0x8000  }
0x1c3: {  	[sflag:s6] =	ssyncset.done $0x0  }
0x1c4: {  	[sflag:s6] =	ssyncadd.s32 $0xFFFF8000  }
0x1c5: {  	[tilespmem:s10], [sflag:$0x1] =	stream.indirect.gather [hbm4b:s4+s9], $0x40, s28, s9, $0xb8;
	[tilespmem:$0x1F000] =	vst v63  }
0x1c6: {  	_ =	swait.ge [sflag:s14], $0x8000  }
0x1c7: {  	[sflag:s14] =	ssyncset.done $0x0  }
0x1c8: {  	[sflag:s14] =	ssyncadd.s32 $0xFFFF8000  }
0x1c9: {  	[spmem:s2] =	stream.indirect.scatter.add.f32 [tilespmem:s11], [sflag:$0x3], $0x40, s29, s9, $0xb8;
	[tilespmem:$0x1F000] =	vst v63  }
0x1ca: {  	_ =	swait.ge [sflag:s6], $0x8000  }
0x1cb: {  	[sflag:s6] =	ssyncset.done $0x0  }
0x1cc: {  	[sflag:s6] =	ssyncadd.s32 $0xFFFF8000  }
0x1cd: {  	[tilespmem:s11], [sflag:$0x2] =	stream.indirect.gather [hbm4b:s4+s9], $0x40, s30, s9, $0xb8;
	[tilespmem:$0x1F000] =	vst v63  }
0x1ce: {  	_ =	swait.ge [sflag:s12], $0x8000  }
0x1cf: {  	[sflag:s12] =	ssyncset.done $0x0  }
0x1d0: {  	[sflag:s12] =	ssyncadd.s32 $0xFFFF8000  }
0x1d1: {  	[spmem:s2] =	stream.indirect.scatter.add.f32 [tilespmem:s10], [sflag:$0x3], $0x40, s31, s9, $0xb8;
	[tilespmem:$0x1F000] =	vst v63  }
0x1d2: {  	_ =	swait.ge [sflag:s6], $0x8000  }
0x1d3: {  	[sflag:s6] =	ssyncset.done $0x0  }
0x1d4: {  	s5 =	simm.s32 $0x1400;
	[sflag:s6] =	ssyncadd.s32 $0xFFFF8000  }
0x1d5: {  	[tilespmem:s10], [sflag:$0x1] =	stream.indirect.gather [hbm4b:s4+s9], $0x40, s5, s9, $0xb8;
	[tilespmem:$0x1F000] =	vst v63  }
0x1d6: {  	_ =	swait.ge [sflag:s14], $0x8000  }
0x1d7: {  	[sflag:s14] =	ssyncset.done $0x0  }
0x1d8: {  	s5 =	simm.s32 $0x3A00;
	[sflag:s14] =	ssyncadd.s32 $0xFFFF8000  }
0x1d9: {  	[spmem:s2] =	stream.indirect.scatter.add.f32 [tilespmem:s11], [sflag:$0x3], $0x40, s5, s9, $0xb8;
	[tilespmem:$0x1F000] =	vst v63  }
0x1da: {  	_ =	swait.ge [sflag:s6], $0x8000  }
0x1db: {  	[sflag:s6] =	ssyncset.done $0x0  }
0x1dc: {  	s13 =	simm.s32 $0x1600;
	[sflag:s6] =	ssyncadd.s32 $0xFFFF8000  }
0x1dd: {  	[tilespmem:s11], [sflag:$0x2] =	stream.indirect.gather [hbm4b:s4+s9], $0x40, s13, s9, $0xb8;
	[tilespmem:$0x1F000] =	vst v63  }
0x1de: {  	_ =	swait.ge [sflag:s12], $0x8000  }
0x1df: {  	[sflag:s12] =	ssyncset.done $0x0  }
0x1e0: {  	s13 =	simm.s32 $0x3C00;
	[sflag:s12] =	ssyncadd.s32 $0xFFFF8000  }
0x1e1: {  	[spmem:s2] =	stream.indirect.scatter.add.f32 [tilespmem:s10], [sflag:$0x3], $0x40, s13, s9, $0xb8;
	[tilespmem:$0x1F000] =	vst v63  }
0x1e2: {  	_ =	swait.ge [sflag:s6], $0x8000  }
0x1e3: {  	[sflag:s6] =	ssyncset.done $0x0  }
0x1e4: {  	s13 =	simm.s32 $0x1800;
	[sflag:s6] =	ssyncadd.s32 $0xFFFF8000  }
0x1e5: {  	[tilespmem:s10], [sflag:$0x1] =	stream.indirect.gather [hbm4b:s4+s9], $0x40, s13, s9, $0xb8;
	[tilespmem:$0x1F000] =	vst v63  }
0x1e6: {  	_ =	swait.ge [sflag:s14], $0x8000  }
0x1e7: {  	[sflag:s14] =	ssyncset.done $0x0  }
0x1e8: {  	s13 =	simm.s32 $0x3E00;
	[sflag:s14] =	ssyncadd.s32 $0xFFFF8000  }
0x1e9: {  	[spmem:s2] =	stream.indirect.scatter.add.f32 [tilespmem:s11], [sflag:$0x3], $0x40, s13, s9, $0xb8;
	[tilespmem:$0x1F000] =	vst v63  }
0x1ea: {  	_ =	swait.ge [sflag:s6], $0x8000  }
0x1eb: {  	[sflag:s6] =	ssyncset.done $0x0  }
0x1ec: {  	s13 =	simm.s32 $0x1A00;
	[sflag:s6] =	ssyncadd.s32 $0xFFFF8000  }
0x1ed: {  	[tilespmem:s11], [sflag:$0x2] =	stream.indirect.gather [hbm4b:s4+s9], $0x40, s13, s9, $0xb8;
	[tilespmem:$0x1F000] =	vst v63  }
0x1ee: {  	_ =	swait.ge [sflag:s12], $0x8000  }
0x1ef: {  	[sflag:s12] =	ssyncset.done $0x0  }
0x1f0: {  	s13 =	simm.s32 $0x4000;
	[sflag:s12] =	ssyncadd.s32 $0xFFFF8000  }
0x1f1: {  	[spmem:s2] =	stream.indirect.scatter.add.f32 [tilespmem:s10], [sflag:$0x3], $0x40, s13, s9, $0xb8;
	[tilespmem:$0x1F000] =	vst v63  }
0x1f2: {  	_ =	swait.ge [sflag:s6], $0x8000  }
0x1f3: {  	[sflag:s6] =	ssyncset.done $0x0  }
0x1f4: {  	s13 =	simm.s32 $0x1C00;
	[sflag:s6] =	ssyncadd.s32 $0xFFFF8000  }
0x1f5: {  	[tilespmem:s10], [sflag:$0x1] =	stream.indirect.gather [hbm4b:s4+s9], $0x40, s13, s9, $0xb8;
	[tilespmem:$0x1F000] =	vst v63  }
0x1f6: {  	_ =	swait.ge [sflag:s14], $0x8000  }
0x1f7: {  	[sflag:s14] =	ssyncset.done $0x0  }
0x1f8: {  	s13 =	simm.s32 $0x4200;
	[sflag:s14] =	ssyncadd.s32 $0xFFFF8000  }
0x1f9: {  	[spmem:s2] =	stream.indirect.scatter.add.f32 [tilespmem:s11], [sflag:$0x3], $0x40, s13, s9, $0xb8;
	[tilespmem:$0x1F000] =	vst v63  }
0x1fa: {  	_ =	swait.ge [sflag:s6], $0x8000  }
0x1fb: {  	[sflag:s6] =	ssyncset.done $0x0  }
0x1fc: {  	s13 =	simm.s32 $0x1E00;
	[sflag:s6] =	ssyncadd.s32 $0xFFFF8000  }
0x1fd: {  	[tilespmem:s11], [sflag:$0x2] =	stream.indirect.gather [hbm4b:s4+s9], $0x40, s13, s9, $0xb8;
	[tilespmem:$0x1F000] =	vst v63  }
0x1fe: {  	_ =	swait.ge [sflag:s12], $0x8000  }
0x1ff: {  	[sflag:s12] =	ssyncset.done $0x0  }
0x200: {  	s13 =	simm.s32 $0x4400;
	[sflag:s12] =	ssyncadd.s32 $0xFFFF8000  }
0x201: {  	[spmem:s2] =	stream.indirect.scatter.add.f32 [tilespmem:s10], [sflag:$0x3], $0x40, s13, s9, $0xb8;
	[tilespmem:$0x1F000] =	vst v63  }
0x202: {  	_ =	swait.ge [sflag:s6], $0x8000  }
0x203: {  	[sflag:s6] =	ssyncset.done $0x0  }
0x204: {  	s13 =	simm.s32 $0x2000;
	[sflag:s6] =	ssyncadd.s32 $0xFFFF8000  }
0x205: {  	[tilespmem:s10], [sflag:$0x1] =	stream.indirect.gather [hbm4b:s4+s9], $0x40, s13, s9, $0xb8;
	[tilespmem:$0x1F000] =	vst v63  }
0x206: {  	_ =	swait.ge [sflag:s14], $0x8000  }
0x207: {  	[sflag:s14] =	ssyncset.done $0x0  }
0x208: {  	s13 =	simm.s32 $0x4600;
	[sflag:s14] =	ssyncadd.s32 $0xFFFF8000  }
0x209: {  	[spmem:s2] =	stream.indirect.scatter.add.f32 [tilespmem:s11], [sflag:$0x3], $0x40, s13, s9, $0xb8;
	[tilespmem:$0x1F000] =	vst v63  }
0x20a: {  	_ =	swait.ge [sflag:s6], $0x8000  }
0x20b: {  	[sflag:s6] =	ssyncset.done $0x0  }
0x20c: {  	s13 =	simm.s32 $0x2200;
	[sflag:s6] =	ssyncadd.s32 $0xFFFF8000  }
0x20d: {  	[tilespmem:s11], [sflag:$0x2] =	stream.indirect.gather [hbm4b:s4+s9], $0x40, s13, s9, $0xb8;
	[tilespmem:$0x1F000] =	vst v63  }
0x20e: {  	_ =	swait.ge [sflag:s12], $0x8000  }
0x20f: {  	[sflag:s12] =	ssyncset.done $0x0  }
0x210: {  	s13 =	simm.s32 $0x4800;
	[sflag:s12] =	ssyncadd.s32 $0xFFFF8000  }
0x211: {  	[spmem:s2] =	stream.indirect.scatter.add.f32 [tilespmem:s10], [sflag:$0x3], $0x40, s13, s9, $0xb8;
	[tilespmem:$0x1F000] =	vst v63  }
0x212: {  	_ =	swait.ge [sflag:s6], $0x8000  }
0x213: {  	[sflag:s6] =	ssyncset.done $0x0  }
0x214: {  	s13 =	simm.s32 $0x2400;
	[sflag:s6] =	ssyncadd.s32 $0xFFFF8000  }
0x215: {  	[tilespmem:s10], [sflag:$0x1] =	stream.indirect.gather [hbm4b:s4+s9], $0x40, s13, s9, $0xb8;
	[tilespmem:$0x1F000] =	vst v63  }
0x216: {  	_ =	swait.ge [sflag:s14], $0x8000  }
0x217: {  	[sflag:s14] =	ssyncset.done $0x0  }
0x218: {  	s13 =	simm.s32 $0x4A00;
	[sflag:s14] =	ssyncadd.s32 $0xFFFF8000  }
0x219: {  	[spmem:s2] =	stream.indirect.scatter.add.f32 [tilespmem:s11], [sflag:$0x3], $0x40, s13, s9, $0xb8;
	[tilespmem:$0x1F000] =	vst v63  }
0x21a: {  	_ =	swait.ge [sflag:s6], $0x8000  }
0x21b: {  	[sflag:s6] =	ssyncset.done $0x0  }
0x21c: {  	s13 =	simm.s32 $0x2600;
	[sflag:s6] =	ssyncadd.s32 $0xFFFF8000  }
0x21d: {  	[tilespmem:s11], [sflag:$0x2] =	stream.indirect.gather [hbm4b:s4+s9], $0x40, s13, s9, $0xb8;
	[tilespmem:$0x1F000] =	vst v63  }
0x21e: {  	_ =	swait.ge [sflag:s12], $0x8000  }
0x21f: {  	[sflag:s12] =	ssyncset.done $0x0  }
0x220: {  	s13 =	simm.s32 $0x4C00;
	[sflag:s12] =	ssyncadd.s32 $0xFFFF8000  }
0x221: {  	[spmem:s2] =	stream.indirect.scatter.add.f32 [tilespmem:s10], [sflag:$0x3], $0x40, s13, s9, $0xb8;
	[tilespmem:$0x1F000] =	vst v63  }
0x222: {  	_ =	swait.ge [sflag:s6], $0x8000  }
0x223: {  	[sflag:s6] =	ssyncset.done $0x0  }
0x224: {  	[sflag:s6] =	ssyncadd.s32 $0xFFFF8000  }
0x225: {  	_ =	swait.ge [sflag:s14], $0x8000  }
0x226: {  	[sflag:s14] =	ssyncset.done $0x0  }
0x227: {  	s13 =	simm.s32 $0x4E00;
	[sflag:s14] =	ssyncadd.s32 $0xFFFF8000  }
0x228: {  	[spmem:s2] =	stream.indirect.scatter.add.f32 [tilespmem:s11], [sflag:$0x3], $0x40, s13, s9, $0xb8;
	[tilespmem:$0x1F000] =	vst v63  }
0x229: {  	_ =	swait.ge [sflag:s6], $0x8000  }
0x22a: {  	[sflag:s6] =	ssyncset.done $0x0  }
0x22b: {  	s13 =	rddreg [dreg:$0x7];
	[sflag:s6] =	ssyncadd.s32 $0xFFFF8000  }
0x22c: {  	[tilespmem:s1], [sflag:$0x3] =	stream.linear.gather [hbm4b:s13+s1], $0x2800, $0x38;
	[tilespmem:$0x1F000] =	vst v63  }
0x22d: {  	_ =	swait.ge [sflag:s6], $0x2800  }
0x22e: {  	[sflag:s6] =	ssyncset.done $0x0  }
0x22f: {  	s13 =	rddreg [dreg:$0x8];
	[sflag:s6] =	ssyncadd.s32 $0xFFFFD800  }
0x230: {  	[tilespmem:s3], [sflag:$0x3] =	stream.linear.gather [hbm4b:s13+s1], $0x2800, $0x38;
	[tilespmem:$0x1F000] =	vst v63  }
0x231: {  	_ =	swait.ge [sflag:s6], $0x2800  }
0x232: {  	[sflag:s6] =	ssyncset.done $0x0  }
0x233: {  	[sflag:s6] =	ssyncadd.s32 $0xFFFFD800  }
0x234: {  	[tilespmem:s10], [sflag:$0x1] =	stream.indirect.gather [hbm4b:s4+s9], $0x40, s1, s9, $0xb8;
	[tilespmem:$0x1F000] =	vst v63  }
0x235: {  	_ = 	snop  }
0x236: {  	[tilespmem:s11], [sflag:$0x2] =	stream.indirect.gather [hbm4b:s4+s9], $0x40, s9, s9, $0xb8;
	[tilespmem:$0x1F000] =	vst v63  }
0x237: {  	_ =	swait.ge [sflag:s12], $0x8000  }
0x238: {  	[sflag:s12] =	ssyncset.done $0x0  }
0x239: {  	[sflag:s12] =	ssyncadd.s32 $0xFFFF8000  }
0x23a: {  	[spmem:s2] =	stream.indirect.scatter.add.f32 [tilespmem:s10], [sflag:$0x3], $0x40, s3, s9, $0xb8;
	[tilespmem:$0x1F000] =	vst v63  }
0x23b: {  	_ =	swait.ge [sflag:s6], $0x8000  }
0x23c: {  	[sflag:s6] =	ssyncset.done $0x0  }
0x23d: {  	[sflag:s6] =	ssyncadd.s32 $0xFFFF8000  }
0x23e: {  	[tilespmem:s10], [sflag:$0x1] =	stream.indirect.gather [hbm4b:s4+s9], $0x40, s15, s9, $0xb8;
	[tilespmem:$0x1F000] =	vst v63  }
0x23f: {  	_ =	swait.ge [sflag:s14], $0x8000  }
0x240: {  	[sflag:s14] =	ssyncset.done $0x0  }
0x241: {  	[sflag:s14] =	ssyncadd.s32 $0xFFFF8000  }
0x242: {  	[spmem:s2] =	stream.indirect.scatter.add.f32 [tilespmem:s11], [sflag:$0x3], $0x40, s16, s9, $0xb8;
	[tilespmem:$0x1F000] =	vst v63  }
0x243: {  	_ =	swait.ge [sflag:s6], $0x8000  }
0x244: {  	[sflag:s6] =	ssyncset.done $0x0  }
0x245: {  	[sflag:s6] =	ssyncadd.s32 $0xFFFF8000  }
0x246: {  	[tilespmem:s11], [sflag:$0x2] =	stream.indirect.gather [hbm4b:s4+s9], $0x40, s17, s9, $0xb8;
	[tilespmem:$0x1F000] =	vst v63  }
0x247: {  	_ =	swait.ge [sflag:s12], $0x8000  }
0x248: {  	[sflag:s12] =	ssyncset.done $0x0  }
0x249: {  	[sflag:s12] =	ssyncadd.s32 $0xFFFF8000  }
0x24a: {  	[spmem:s2] =	stream.indirect.scatter.add.f32 [tilespmem:s10], [sflag:$0x3], $0x40, s18, s9, $0xb8;
	[tilespmem:$0x1F000] =	vst v63  }
0x24b: {  	_ =	swait.ge [sflag:s6], $0x8000  }
0x24c: {  	[sflag:s6] =	ssyncset.done $0x0  }
0x24d: {  	[sflag:s6] =	ssyncadd.s32 $0xFFFF8000  }
0x24e: {  	[tilespmem:s10], [sflag:$0x1] =	stream.indirect.gather [hbm4b:s4+s9], $0x40, s19, s9, $0xb8;
	[tilespmem:$0x1F000] =	vst v63  }
0x24f: {  	_ =	swait.ge [sflag:s14], $0x8000  }
0x250: {  	[sflag:s14] =	ssyncset.done $0x0  }
0x251: {  	[sflag:s14] =	ssyncadd.s32 $0xFFFF8000  }
0x252: {  	[spmem:s2] =	stream.indirect.scatter.add.f32 [tilespmem:s11], [sflag:$0x3], $0x40, s20, s9, $0xb8;
	[tilespmem:$0x1F000] =	vst v63  }
0x253: {  	_ =	swait.ge [sflag:s6], $0x8000  }
0x254: {  	[sflag:s6] =	ssyncset.done $0x0  }
0x255: {  	[sflag:s6] =	ssyncadd.s32 $0xFFFF8000  }
0x256: {  	[tilespmem:s11], [sflag:$0x2] =	stream.indirect.gather [hbm4b:s4+s9], $0x40, s21, s9, $0xb8;
	[tilespmem:$0x1F000] =	vst v63  }
0x257: {  	_ =	swait.ge [sflag:s12], $0x8000  }
0x258: {  	[sflag:s12] =	ssyncset.done $0x0  }
0x259: {  	[sflag:s12] =	ssyncadd.s32 $0xFFFF8000  }
0x25a: {  	[spmem:s2] =	stream.indirect.scatter.add.f32 [tilespmem:s10], [sflag:$0x3], $0x40, s22, s9, $0xb8;
	[tilespmem:$0x1F000] =	vst v63  }
0x25b: {  	_ =	swait.ge [sflag:s6], $0x8000  }
0x25c: {  	[sflag:s6] =	ssyncset.done $0x0  }
0x25d: {  	[sflag:s6] =	ssyncadd.s32 $0xFFFF8000  }
0x25e: {  	[tilespmem:s10], [sflag:$0x1] =	stream.indirect.gather [hbm4b:s4+s9], $0x40, s23, s9, $0xb8;
	[tilespmem:$0x1F000] =	vst v63  }
0x25f: {  	_ =	swait.ge [sflag:s14], $0x8000  }
0x260: {  	[sflag:s14] =	ssyncset.done $0x0  }
0x261: {  	[sflag:s14] =	ssyncadd.s32 $0xFFFF8000  }
0x262: {  	[spmem:s2] =	stream.indirect.scatter.add.f32 [tilespmem:s11], [sflag:$0x3], $0x40, s24, s9, $0xb8;
	[tilespmem:$0x1F000] =	vst v63  }
0x263: {  	_ =	swait.ge [sflag:s6], $0x8000  }
0x264: {  	[sflag:s6] =	ssyncset.done $0x0  }
0x265: {  	[sflag:s6] =	ssyncadd.s32 $0xFFFF8000  }
0x266: {  	[tilespmem:s11], [sflag:$0x2] =	stream.indirect.gather [hbm4b:s4+s9], $0x40, s25, s9, $0xb8;
	[tilespmem:$0x1F000] =	vst v63  }
0x267: {  	_ =	swait.ge [sflag:s12], $0x8000  }
0x268: {  	[sflag:s12] =	ssyncset.done $0x0  }
0x269: {  	[sflag:s12] =	ssyncadd.s32 $0xFFFF8000  }
0x26a: {  	[spmem:s2] =	stream.indirect.scatter.add.f32 [tilespmem:s10], [sflag:$0x3], $0x40, s26, s9, $0xb8;
	[tilespmem:$0x1F000] =	vst v63  }
0x26b: {  	_ =	swait.ge [sflag:s6], $0x8000  }
0x26c: {  	[sflag:s6] =	ssyncset.done $0x0  }
0x26d: {  	[sflag:s6] =	ssyncadd.s32 $0xFFFF8000  }
0x26e: {  	[tilespmem:s10], [sflag:$0x1] =	stream.indirect.gather [hbm4b:s4+s9], $0x40, s28, s9, $0xb8;
	[tilespmem:$0x1F000] =	vst v63  }
0x26f: {  	_ =	swait.ge [sflag:s14], $0x8000  }
0x270: {  	[sflag:s14] =	ssyncset.done $0x0  }
0x271: {  	[sflag:s14] =	ssyncadd.s32 $0xFFFF8000  }
0x272: {  	[spmem:s2] =	stream.indirect.scatter.add.f32 [tilespmem:s11], [sflag:$0x3], $0x40, s29, s9, $0xb8;
	[tilespmem:$0x1F000] =	vst v63  }
0x273: {  	_ =	swait.ge [sflag:s6], $0x8000  }
0x274: {  	[sflag:s6] =	ssyncset.done $0x0  }
0x275: {  	[sflag:s6] =	ssyncadd.s32 $0xFFFF8000  }
0x276: {  	[tilespmem:s11], [sflag:$0x2] =	stream.indirect.gather [hbm4b:s4+s9], $0x40, s30, s9, $0xb8;
	[tilespmem:$0x1F000] =	vst v63  }
0x277: {  	_ =	swait.ge [sflag:s12], $0x8000  }
0x278: {  	[sflag:s12] =	ssyncset.done $0x0  }
0x279: {  	[sflag:s12] =	ssyncadd.s32 $0xFFFF8000  }
0x27a: {  	[spmem:s2] =	stream.indirect.scatter.add.f32 [tilespmem:s10], [sflag:$0x3], $0x40, s31, s9, $0xb8;
	[tilespmem:$0x1F000] =	vst v63  }
0x27b: {  	_ =	swait.ge [sflag:s6], $0x8000  }
0x27c: {  	[sflag:s6] =	ssyncset.done $0x0  }
0x27d: {  	s13 =	simm.s32 $0x1400;
	[sflag:s6] =	ssyncadd.s32 $0xFFFF8000  }
0x27e: {  	[tilespmem:s10], [sflag:$0x1] =	stream.indirect.gather [hbm4b:s4+s9], $0x40, s13, s9, $0xb8;
	[tilespmem:$0x1F000] =	vst v63  }
0x27f: {  	_ =	swait.ge [sflag:s14], $0x8000  }
0x280: {  	[sflag:s14] =	ssyncset.done $0x0  }
0x281: {  	[sflag:s14] =	ssyncadd.s32 $0xFFFF8000  }
0x282: {  	[spmem:s2] =	stream.indirect.scatter.add.f32 [tilespmem:s11], [sflag:$0x3], $0x40, s5, s9, $0xb8;
	[tilespmem:$0x1F000] =	vst v63  }
0x283: {  	_ =	swait.ge [sflag:s6], $0x8000  }
0x284: {  	[sflag:s6] =	ssyncset.done $0x0  }
0x285: {  	s13 =	simm.s32 $0x1600;
	[sflag:s6] =	ssyncadd.s32 $0xFFFF8000  }
0x286: {  	[tilespmem:s11], [sflag:$0x2] =	stream.indirect.gather [hbm4b:s4+s9], $0x40, s13, s9, $0xb8;
	[tilespmem:$0x1F000] =	vst v63  }
0x287: {  	_ =	swait.ge [sflag:s12], $0x8000  }
0x288: {  	[sflag:s12] =	ssyncset.done $0x0  }
0x289: {  	s5 =	simm.s32 $0x3C00;
	[sflag:s12] =	ssyncadd.s32 $0xFFFF8000  }
0x28a: {  	[spmem:s2] =	stream.indirect.scatter.add.f32 [tilespmem:s10], [sflag:$0x3], $0x40, s5, s9, $0xb8;
	[tilespmem:$0x1F000] =	vst v63  }
0x28b: {  	_ =	swait.ge [sflag:s6], $0x8000  }
0x28c: {  	[sflag:s6] =	ssyncset.done $0x0  }
0x28d: {  	s13 =	simm.s32 $0x1800;
	[sflag:s6] =	ssyncadd.s32 $0xFFFF8000  }
0x28e: {  	[tilespmem:s10], [sflag:$0x1] =	stream.indirect.gather [hbm4b:s4+s9], $0x40, s13, s9, $0xb8;
	[tilespmem:$0x1F000] =	vst v63  }
0x28f: {  	_ =	swait.ge [sflag:s14], $0x8000  }
0x290: {  	[sflag:s14] =	ssyncset.done $0x0  }
0x291: {  	s5 =	simm.s32 $0x3E00;
	[sflag:s14] =	ssyncadd.s32 $0xFFFF8000  }
0x292: {  	[spmem:s2] =	stream.indirect.scatter.add.f32 [tilespmem:s11], [sflag:$0x3], $0x40, s5, s9, $0xb8;
	[tilespmem:$0x1F000] =	vst v63  }
0x293: {  	_ =	swait.ge [sflag:s6], $0x8000  }
0x294: {  	[sflag:s6] =	ssyncset.done $0x0  }
0x295: {  	s13 =	simm.s32 $0x1A00;
	[sflag:s6] =	ssyncadd.s32 $0xFFFF8000  }
0x296: {  	[tilespmem:s11], [sflag:$0x2] =	stream.indirect.gather [hbm4b:s4+s9], $0x40, s13, s9, $0xb8;
	[tilespmem:$0x1F000] =	vst v63  }
0x297: {  	_ =	swait.ge [sflag:s12], $0x8000  }
0x298: {  	[sflag:s12] =	ssyncset.done $0x0  }
0x299: {  	s5 =	simm.s32 $0x4000;
	[sflag:s12] =	ssyncadd.s32 $0xFFFF8000  }
0x29a: {  	[spmem:s2] =	stream.indirect.scatter.add.f32 [tilespmem:s10], [sflag:$0x3], $0x40, s5, s9, $0xb8;
	[tilespmem:$0x1F000] =	vst v63  }
0x29b: {  	_ =	swait.ge [sflag:s6], $0x8000  }
0x29c: {  	[sflag:s6] =	ssyncset.done $0x0  }
0x29d: {  	s13 =	simm.s32 $0x1C00;
	[sflag:s6] =	ssyncadd.s32 $0xFFFF8000  }
0x29e: {  	[tilespmem:s10], [sflag:$0x1] =	stream.indirect.gather [hbm4b:s4+s9], $0x40, s13, s9, $0xb8;
	[tilespmem:$0x1F000] =	vst v63  }
0x29f: {  	_ =	swait.ge [sflag:s14], $0x8000  }
0x2a0: {  	[sflag:s14] =	ssyncset.done $0x0  }
0x2a1: {  	s5 =	simm.s32 $0x4200;
	[sflag:s14] =	ssyncadd.s32 $0xFFFF8000  }
0x2a2: {  	[spmem:s2] =	stream.indirect.scatter.add.f32 [tilespmem:s11], [sflag:$0x3], $0x40, s5, s9, $0xb8;
	[tilespmem:$0x1F000] =	vst v63  }
0x2a3: {  	_ =	swait.ge [sflag:s6], $0x8000  }
0x2a4: {  	[sflag:s6] =	ssyncset.done $0x0  }
0x2a5: {  	s13 =	simm.s32 $0x1E00;
	[sflag:s6] =	ssyncadd.s32 $0xFFFF8000  }
0x2a6: {  	[tilespmem:s11], [sflag:$0x2] =	stream.indirect.gather [hbm4b:s4+s9], $0x40, s13, s9, $0xb8;
	[tilespmem:$0x1F000] =	vst v63  }
0x2a7: {  	_ =	swait.ge [sflag:s12], $0x8000  }
0x2a8: {  	[sflag:s12] =	ssyncset.done $0x0  }
0x2a9: {  	s5 =	simm.s32 $0x4400;
	[sflag:s12] =	ssyncadd.s32 $0xFFFF8000  }
0x2aa: {  	[spmem:s2] =	stream.indirect.scatter.add.f32 [tilespmem:s10], [sflag:$0x3], $0x40, s5, s9, $0xb8;
	[tilespmem:$0x1F000] =	vst v63  }
0x2ab: {  	_ =	swait.ge [sflag:s6], $0x8000  }
0x2ac: {  	[sflag:s6] =	ssyncset.done $0x0  }
0x2ad: {  	s13 =	simm.s32 $0x2000;
	[sflag:s6] =	ssyncadd.s32 $0xFFFF8000  }
0x2ae: {  	[tilespmem:s10], [sflag:$0x1] =	stream.indirect.gather [hbm4b:s4+s9], $0x40, s13, s9, $0xb8;
	[tilespmem:$0x1F000] =	vst v63  }
0x2af: {  	_ =	swait.ge [sflag:s14], $0x8000  }
0x2b0: {  	[sflag:s14] =	ssyncset.done $0x0  }
0x2b1: {  	s5 =	simm.s32 $0x4600;
	[sflag:s14] =	ssyncadd.s32 $0xFFFF8000  }
0x2b2: {  	[spmem:s2] =	stream.indirect.scatter.add.f32 [tilespmem:s11], [sflag:$0x3], $0x40, s5, s9, $0xb8;
	[tilespmem:$0x1F000] =	vst v63  }
0x2b3: {  	_ =	swait.ge [sflag:s6], $0x8000  }
0x2b4: {  	[sflag:s6] =	ssyncset.done $0x0  }
0x2b5: {  	s13 =	simm.s32 $0x2200;
	[sflag:s6] =	ssyncadd.s32 $0xFFFF8000  }
0x2b6: {  	[tilespmem:s11], [sflag:$0x2] =	stream.indirect.gather [hbm4b:s4+s9], $0x40, s13, s9, $0xb8;
	[tilespmem:$0x1F000] =	vst v63  }
0x2b7: {  	_ =	swait.ge [sflag:s12], $0x8000  }
0x2b8: {  	[sflag:s12] =	ssyncset.done $0x0  }
0x2b9: {  	s5 =	simm.s32 $0x4800;
	[sflag:s12] =	ssyncadd.s32 $0xFFFF8000  }
0x2ba: {  	[spmem:s2] =	stream.indirect.scatter.add.f32 [tilespmem:s10], [sflag:$0x3], $0x40, s5, s9, $0xb8;
	[tilespmem:$0x1F000] =	vst v63  }
0x2bb: {  	_ =	swait.ge [sflag:s6], $0x8000  }
0x2bc: {  	[sflag:s6] =	ssyncset.done $0x0  }
0x2bd: {  	s13 =	simm.s32 $0x2400;
	[sflag:s6] =	ssyncadd.s32 $0xFFFF8000  }
0x2be: {  	[tilespmem:s10], [sflag:$0x1] =	stream.indirect.gather [hbm4b:s4+s9], $0x40, s13, s9, $0xb8;
	[tilespmem:$0x1F000] =	vst v63  }
0x2bf: {  	_ =	swait.ge [sflag:s14], $0x8000  }
0x2c0: {  	[sflag:s14] =	ssyncset.done $0x0  }
0x2c1: {  	s5 =	simm.s32 $0x4A00;
	[sflag:s14] =	ssyncadd.s32 $0xFFFF8000  }
0x2c2: {  	[spmem:s2] =	stream.indirect.scatter.add.f32 [tilespmem:s11], [sflag:$0x3], $0x40, s5, s9, $0xb8;
	[tilespmem:$0x1F000] =	vst v63  }
0x2c3: {  	_ =	swait.ge [sflag:s6], $0x8000  }
0x2c4: {  	[sflag:s6] =	ssyncset.done $0x0  }
0x2c5: {  	s13 =	simm.s32 $0x2600;
	[sflag:s6] =	ssyncadd.s32 $0xFFFF8000  }
0x2c6: {  	[tilespmem:s11], [sflag:$0x2] =	stream.indirect.gather [hbm4b:s4+s9], $0x40, s13, s9, $0xb8;
	[tilespmem:$0x1F000] =	vst v63  }
0x2c7: {  	_ =	swait.ge [sflag:s12], $0x8000  }
0x2c8: {  	[sflag:s12] =	ssyncset.done $0x0  }
0x2c9: {  	s5 =	simm.s32 $0x4C00;
	[sflag:s12] =	ssyncadd.s32 $0xFFFF8000  }
0x2ca: {  	[spmem:s2] =	stream.indirect.scatter.add.f32 [tilespmem:s10], [sflag:$0x3], $0x40, s5, s9, $0xb8;
	[tilespmem:$0x1F000] =	vst v63  }
0x2cb: {  	_ =	swait.ge [sflag:s6], $0x8000  }
0x2cc: {  	[sflag:s6] =	ssyncset.done $0x0  }
0x2cd: {  	[sflag:s6] =	ssyncadd.s32 $0xFFFF8000  }
0x2ce: {  	_ =	swait.ge [sflag:s14], $0x8000  }
0x2cf: {  	[sflag:s14] =	ssyncset.done $0x0  }
0x2d0: {  	s13 =	simm.s32 $0x4E00;
	[sflag:s14] =	ssyncadd.s32 $0xFFFF8000  }
0x2d1: {  	[spmem:s2] =	stream.indirect.scatter.add.f32 [tilespmem:s11], [sflag:$0x3], $0x40, s13, s9, $0xb8;
	[tilespmem:$0x1F000] =	vst v63  }
0x2d2: {  	_ =	swait.ge [sflag:s6], $0x8000  }
0x2d3: {  	p0 =	sne.s32 s0, $0x1;
	[sflag:s6] =	ssyncset.done $0x0  }
.Ltmp1:
0x2d4: {  	[sflag:s6] =	ssyncadd.s32 $0xFFFF8000;
	(pc) =	sbr.rel @p0 .LBB2_2-.Ltmp1, $4  }
0x2d5: {  	[bflag:$0x0] =	sbarrier.arrive $0xFFFF  }
0x2d6: {  	s5 =	rddreg [dreg:$0x9]  }
0x2d7: {  	[hbm:s5], [sflag:s7] =	dma.local [spmem:s8], $0x1400  }
0x2d8: {  	s0 =	sadd.s32 $0xFFFFFFFF, s0;
	_ =	swait.ge [sflag:s6], $0x1400  }
.LBB2_3:
0x2d9: {  	[sflag:s6] =	ssyncset.done $0x0  }
0x2da: {  	[sflag:s6] =	ssyncadd.s32 $0xFFFFEC00  }
0x2db: {  	_ =	sfence.sel $0x180000  }
0x2dc: {  	[bflag:$0x0] =	sbarrier.arrive $0xFFFF  }
0x2dd: {  	_ =	strace $0x9000004A  }
0x2de: {  	s0 =	stileid.u32;
	[bflag:$0x2] =	sbarrier.arrive $0xFFFF  }
0x2df: {  	p0 =	sne.s32 s0, $0x0;
	s0 =	rddreg [dreg:$0x3]  }
0x2e0: {  	s0 =	sadd.s32 @!p0 $0x100000, s0  }
0x2e1: {  	[sflag:s0] =	ssyncadd.tile.s32 @!p0 $0x1;
	_ =	shalt  }
.Lfunc_end2:
_tile_overlayer_lowered:
.L_overlay_start_2:
0x2e2: {  	(tag) =	ssettag $0x2  }
0x2e3: {  	s0 =	rddreg [dreg:$0x0];
	s2 =	stileid.u32  }
0x2e4: {  	s1 =	rddreg [dreg:$0x1];
	p0 =	sne.s32 s2, $0x0  }
0x2e5: {  	s3 =	rddreg [dreg:$0x2];
	[bflag:$0x3] =	sbarrier.arrive $0xFFFF;
	s2 =	simm.s32 @!p0 $0x1C03  }
0x2e6: {  	[timem:s3], [sflag:s2] =	dma.local @!p0 [hbm:s0], s1  }
0x2e7: {  	s0 =	simm.s32 @!p0 $0x3  }
0x2e8: {  	_ =	swait.ge @!p0 [sflag:s0], s1  }
0x2e9: {  	s1 =	ssub.s32 @!p0 $0x0, s1;
	[sflag:s0] =	ssyncset.done @!p0 $0x0  }
0x2ea: {  	[sflag:s0] =	ssyncadd.s32 @!p0 s1  }
0x2eb: {  	[bflag:$0x3] =	sbarrier.arrive $0xFFFF  }
0x2ec: {  	_ =	shalt  }

// kernel: kernel.15.cloned.1.call-start
scs
__scs_entry_jumppad:
0x0: {  	(pc) =	sbr.rel $0x88, $3  }
0x1: {  	(tag) =	ssettag $0x0;
	lr =	simm.s32 $0x1  }
0x2: {  	[smem:$0x3F9B] =	sst lr;
	_ =	strace $0xD0000000  }
0x3: {  	_ = 	snop  }
0x4: {  	_ = 	snop  }
0x5: {  	_ = 	snop  }
0x6: {  	_ = 	snop  }
0x7: {  	_ = 	snop  }
__scs_overlays_trampoline_lowered:
0x8: {  	[smem:$0x3FAA] =	sst s0  }
0x9: {  	[smem:$0x3FAB] =	sst s1  }
0xa: {  	[smem:$0x3FAC] =	sst s2  }
0xb: {  	[smem:$0x3FAD] =	sst s3  }
0xc: {  	[smem:$0x3FAE] =	sst s4  }
0xd: {  	[smem:$0x3FAF] =	sst s5  }
0xe: {  	[smem:$0x3FB0] =	sst s6  }
0xf: {  	[smem:$0x3FB1] =	sst s7  }
0x10: {  	[smem:$0x3FB2] =	sst s8  }
0x11: {  	[smem:$0x3FB3] =	sst s9;
	s0 =	simm.s32 @!p0 $0x0  }
0x12: {  	s1 =	sld [smem:$0x3F99];
	s0 =	simm.s32 @p0 $0x1  }
0x13: {  	[smem:$0x3FB4] =	sst s0;
	s0 =	simm.s32 @!p1 $0x0  }
0x14: {  	s2 =	sld [smem:$0x3F98];
	s0 =	simm.s32 @p1 $0x1  }
0x15: {  	[smem:$0x3FB5] =	sst s0;
	s0 =	simm.s32 @!p2 $0x0  }
0x16: {  	s3 =	sld [smem:$0x3FDB];
	s0 =	simm.s32 @p2 $0x1  }
0x17: {  	s4 =	simm.s32 $0x1BF5;
	[smem:$0x3FB7] =	sst s0  }
0x18: {  	s0 =	sld [smem:$0x3F9A];
	_ =	swait.ge [sflag:s4], $0x0  }
0x19: {  	s7 =	sld [smem:$0x3F9B]  }
0x1a: {  	s8 =	sadd.s32 $0xFFFFE003, lr  }
0x1b: {  	s9 =	sadd.s32 $0xFFFFFEF7, lr;
	s5 =	simm.s32 $0xFFFFFFFF;
	p2 =	slt.u32 s8, $0xFFFFF086  }
0x1c: {  	p1 =	slt.u32 s9, $0xF7A;
	s5 =	simm.s32 @!p2 $0x0  }
0x1d: {  	s5 =	simm.s32 @p1 $0x1;
	p0 =	seq.s32 s7, s2  }
0x1e: {  	s7 =	smul.u32 @!p0 $0xF7A, s2;
	p2 =	seq.s32 @!p0 s5, $0x0  }
0x1f: {  	s9 =	smul.u32 $0xF7A, s1;
	s8 =	simm.s32 @!p0 $0x1BF5;
	p2 =	por !p2, p0  }
0x20: {  	[sflag:s8] =	ssyncset.s32 @!p0 $0xFFFFF086;
	s6 =	sadd.s32 @!p0 s3, s7;
	s7 =	simm.s32 @!p0 $0x108  }
0x21: {  	s3 =	sadd.s32 s3, s9;
	s6 =	sadd.s32 @!p0 $0x88, s6;
	s7 =	simm.s32 @p2 $0x1082  }
0x22: {  	[simem:s7], [sflag:s8] =	dma.local @!p0 [hbm:s6], $0xF7A  }
0x23: {  	s9 =	sor.u32 $0xD0000000, s2;
	s6 =	simm.s32 $0x108;
	_ =	swait.ge @!p0 [sflag:s8], $0x0  }
0x24: {  	s3 =	sadd.s32 $0x88, s3;
	s6 =	simm.s32 @!p1 $0x1082;
	[sflag:s4] =	ssyncset.s32 $0xFFFFF086  }
0x25: {  	[simem:s6], [sflag:s4] =	dma.local [hbm:s3], $0xF7A  }
0x26: {  	[smem:$0x3F9B] =	sst s1;
	(tag) =	ssettag s2;
	_ =	strace s9  }
0x27: {  	s1 =	sld [smem:$0x3FAB]  }
0x28: {  	s2 =	sld [smem:$0x3FAC]  }
0x29: {  	s4 =	sld [smem:$0x3FAE]  }
0x2a: {  	p0 =	seq.s32 s5, $0x0;
	s5 =	sld [smem:$0x3FAF]  }
0x2b: {  	s6 =	sld [smem:$0x3FB0]  }
0x2c: {  	s7 =	sld [smem:$0x3FB1]  }
0x2d: {  	s3 =	simm.s32 $0x108;
	s8 =	sld [smem:$0x3FB2]  }
0x2e: {  	s3 =	simm.s32 @!p0 $0x1082;
	s9 =	sld [smem:$0x3FB3]  }
0x2f: {  	lr =	sadd.s32 s0, s3;
	s0 =	sld [smem:$0x3FAA]  }
0x30: {  	s3 =	sld [smem:$0x3FAD]  }
0x31: {  	[smem:$0x3FB6] =	sst s10  }
0x32: {  	s10 =	sld [smem:$0x3FB4];
	_ =	sdelay $0x3  }
0x33: {  	p0 =	seq.s32 s10, $0x1;
	s10 =	sld [smem:$0x3FB6];
	_ =	sdelay $0x3  }
0x34: {  	[smem:$0x3FB6] =	sst s10  }
0x35: {  	s10 =	sld [smem:$0x3FB5];
	_ =	sdelay $0x3  }
0x36: {  	p1 =	seq.s32 s10, $0x1;
	s10 =	sld [smem:$0x3FB6];
	_ =	sdelay $0x3  }
0x37: {  	[smem:$0x3FB6] =	sst s10  }
0x38: {  	s10 =	sld [smem:$0x3FB7]  }
0x39: {  	_ = 	snop;
	(pc) =	sbr.ind lr, $3  }
0x3a: {  	_ = 	snop  }
0x3b: {  	_ = 	snop  }
0x3c: {  	p2 =	seq.s32 s10, $0x1;
	s10 =	sld [smem:$0x3FB6]  }
0x3d: {  	_ =	shalt  }
0x3e: {  	_ =	shalt  }
0x3f: {  	_ =	shalt  }
0x40: {  	_ =	shalt  }
0x41: {  	_ =	shalt  }
0x42: {  	_ =	shalt  }
0x43: {  	_ =	shalt  }
0x44: {  	_ =	shalt  }
0x45: {  	_ =	shalt  }
0x46: {  	_ =	shalt  }
0x47: {  	_ =	shalt  }
0x48: {  	_ =	shalt  }
0x49: {  	_ =	shalt  }
0x4a: {  	_ =	shalt  }
0x4b: {  	_ =	shalt  }
0x4c: {  	_ =	shalt  }
0x4d: {  	_ =	shalt  }
0x4e: {  	_ =	shalt  }
0x4f: {  	_ =	shalt  }
0x50: {  	_ =	shalt  }
0x51: {  	_ =	shalt  }
0x52: {  	_ =	shalt  }
0x53: {  	_ =	shalt  }
0x54: {  	_ =	shalt  }
0x55: {  	_ =	shalt  }
0x56: {  	_ =	shalt  }
0x57: {  	_ =	shalt  }
0x58: {  	_ =	shalt  }
0x59: {  	_ =	shalt  }
0x5a: {  	_ =	shalt  }
0x5b: {  	_ =	shalt  }
0x5c: {  	_ =	shalt  }
0x5d: {  	_ =	shalt  }
0x5e: {  	_ =	shalt  }
0x5f: {  	_ =	shalt  }
0x60: {  	_ =	shalt  }
0x61: {  	_ =	shalt  }
0x62: {  	_ =	shalt  }
0x63: {  	_ =	shalt  }
0x64: {  	_ =	shalt  }
0x65: {  	_ =	shalt  }
0x66: {  	_ =	shalt  }
0x67: {  	_ =	shalt  }
0x68: {  	_ =	shalt  }
0x69: {  	_ =	shalt  }
0x6a: {  	_ =	shalt  }
0x6b: {  	_ =	shalt  }
0x6c: {  	_ =	shalt  }
0x6d: {  	_ =	shalt  }
0x6e: {  	_ =	shalt  }
0x6f: {  	_ =	shalt  }
0x70: {  	_ =	shalt  }
0x71: {  	_ =	shalt  }
0x72: {  	_ =	shalt  }
0x73: {  	_ =	shalt  }
0x74: {  	_ =	shalt  }
0x75: {  	_ =	shalt  }
0x76: {  	_ =	shalt  }
0x77: {  	_ =	shalt  }
0x78: {  	_ =	shalt  }
0x79: {  	_ =	shalt  }
0x7a: {  	_ =	shalt  }
0x7b: {  	_ =	shalt  }
0x7c: {  	_ =	shalt  }
0x7d: {  	_ =	shalt  }
0x7e: {  	_ =	shalt  }
0x7f: {  	_ =	shalt  }
0x80: {  	_ =	shalt  }
0x81: {  	_ =	shalt  }
0x82: {  	_ =	shalt  }
0x83: {  	_ =	shalt  }
0x84: {  	_ =	shalt  }
0x85: {  	_ =	shalt  }
0x86: {  	_ =	shalt  }
0x87: {  	_ =	shalt  }
.Lfunc_end0:
.L_simem_size_0:
called_computation.2_lowered:
.L_overlay_start_0:
0x88: {  	s2 =	sld [smem:$0x3FD9]  }
0x89: {  	s3 =	sld [smem:$0x3FFE];
	_ =	sdelay $0x1  }
0x8a: {  	s1 =	srdreg.scid  }
0x8b: {  	s0 =	sand.u32 $0x1, s1  }
0x8c: {  	s17 =	sshll.u32 s0, $0xA;
	s2 =	sadd.s32 s3, s2  }
0x8d: {  	s2 =	sadd.s32 s2, s17  }
0x8e: {  	[smem:$0x3FC2] =	sst s2  }
0x8f: {  	_ = 	snop  }
0x90: {  	s2 =	sld [smem:$0x3FD0];
	(tm) =	ssettm $0x1  }
0x91: {  	s18 =	sld [smem:$0x3FFB];
	_ =	sdelay $0x3  }
0x92: {  	_ =	strace s18  }
0x93: {  	s3 =	sld [smem:$0x3FFC];
	_ =	sdelay $0x3  }
0x94: {  	_ =	strace s3  }
0x95: {  	s3 =	sld [smem:$0x3FFD];
	_ =	sdelay $0x3  }
0x96: {  	_ =	strace s3  }
0x97: {  	_ =	strace $0x8FFFFFFF  }
0x98: {  	s19 =	sld [smem:$0x3FDB];
	_ =	sdelay $0x1  }
0x99: {  	s4 =	simm.s32 $_scs_section_size  }
0x9a: {  	s5 =	simm.s32 $_size__tile_overlayer_lowered;
	s6 =	simm.s32 $_tile_overlayer_lowered  }
0x9b: {  	s22 =	simm.s32 $0x1BFF;
	s21 =	sshll.u32 s6, $0x1;
	s3 =	sadd.s32 s4, s19  }
0x9c: {  	s7 =	simm.s32 $0x0;
	s20 =	sshll.u32 s5, $0x1;
	s5 =	sadd.s32 s21, s3  }
0x9d: {  	[timem:s7], [sflag:s22] =	dma.local [hbm:s5], s20  }
0x9e: {  	_ =	swait.ge [sflag:s22], s20  }
0x9f: {  	s4 =	ssub.s32 $0x0, s20;
	[sflag:s22] =	ssyncset.done $0x0  }
0xa0: {  	[sflag:s22] =	ssyncadd.s32 s4;
	_ =	sdelay $0x1  }
0xa1: {  	s23 =	simm.s32 $0x1B8B  }
0xa2: {  	_ =	swait.ge [sflag:s23], $0x1  }
0xa3: {  	[sflag:s23] =	ssyncset.done $0x0  }
0xa4: {  	s25 =	simm.s32 $0x1B8E;
	s24 =	sld [smem:$0x3FFE];
	[sflag:s23] =	ssyncadd.s32 $0xFFFFFFFF  }
0xa5: {  	s26 =	simm.s32 $execute0_lowered;
	[smem:$0x3FD2] =	sst s25  }
0xa6: {  	s5 =	sshll.u32 s26, $0x1;
	_ =	strace $0x8000004C;
	[dreg:$0x1] =	wrdreg $0xFFFFFFFF  }
0xa7: {  	s28 =	simm.s32 $_size_execute0_lowered;
	s3 =	sadd.s32 s3, s5;
	[dreg:$0x0] =	wrdreg $0x0  }
0xa8: {  	s5 =	sshll.u32 s28, $0x1;
	[dreg:$0x2] =	wrdreg s3  }
0xa9: {  	[dreg:$0x3] =	wrdreg s5  }
0xaa: {  	[dreg:$0x4] =	wrdreg $0xC0  }
0xab: {  	_ =	task [dreg:s7], $0x5FFFF  }
0xac: {  	[dreg:$0x1] =	wrdreg $0xFFFFFFFF  }
0xad: {  	[dreg:$0x0] =	wrdreg $0x60  }
0xae: {  	[dreg:$0x2] =	wrdreg s24  }
0xaf: {  	[dreg:$0x3] =	wrdreg s2  }
0xb0: {  	[dreg:$0x4] =	wrdreg $0xD0000  }
0xb1: {  	[dreg:$0x5] =	wrdreg $0x9  }
0xb2: {  	_ =	task.clear_ibuf [dreg:s7], $0x6FFFF;
	_ =	strace $0x9000004C  }
0xb3: {  	s29 =	simm.s32 $0x9;
	_ =	strace $0x8000004E  }
0xb4: {  	_ =	swait.ge [sflag:s29], $0x1  }
0xb5: {  	[sflag:s29] =	ssyncadd.s32 $0xFFFFFFFF  }
0xb6: {  	_ =	strace $0x9000004E  }
0xb7: {  	_ =	sfence  }
0xb8: {  	s30 =	sld [smem:$0x0];
	_ =	sdelay $0x2  }
0xb9: {  	s31 =	sshll.u32 s1, $0xD;
	s1 =	sshrl.u32 s1, $0x2  }
0xba: {  	s3 =	sand.u32 $0x4000, s31;
	s1 =	sadd.s32 s1, s30  }
0xbb: {  	s0 =	sor.u32 s3, s0;
	s1 =	sshll.u32 s1, $0x11  }
0xbc: {  	s0 =	sor.u32 s1, s0  }
0xbd: {  	s0 =	sadd.s32 $0x8F2B, s0  }
0xbe: {  	[sflag:s0] =	ssyncadd.remote.s32 $0x1  }
0xbf: {  	_ =	sfence.sel $0xFFFF  }
0xc0: {  	[dreg:$0x0] =	wrdreg $0xFFFFFFFF;
	(pc) =	sbr.abs _section_cstart, $3  }
0xc1: {  	[dreg:$0x1] =	wrdreg $0xFFFFFFFF  }
0xc2: {  	_ =	task.clear_ibuf [dreg:s7], $0x2FFFF;
	_ =	strace $0x9FFFFFFF  }
0xc3: {  	(tm) =	ssettm $0x7FFFFFFF  }
tec
execute0_lowered:
.L_overlay_start_1:
0x0: {  	(tag) =	ssettag $0x1  }
0x1: {  	s0 =	rddreg [dreg:$0x0]  }
0x2: {  	s5 =	rddreg [dreg:$0x1]  }
0x3: {  	s1 =	srdreg.scid;
	s25 =	stileid.u32  }
0x4: {  	s2 =	rddreg [dreg:$0x2];
	s13 =	simm.s32 $0x0;
	s6 =	smul.u32 $0x5000, s25  }
0x5: {  	s3 =	sand.u32 $0x1, s1;
	[smem:$0x7FF] =	sst s13;
	s7 =	smul.u32 $0xA00, s25  }
0x6: {  	s9 =	sadd.s32 $0x3200, s0;
	s29 =	sshll.u32 s25, $0x6;
	s4 =	smul.u32 $0xA000, s3  }
0x7: {  	[dreg:$0xc] =	wrdreg s3;
	s8 =	smul.u32 $0x50000, s3;
	s10 =	sshrl.u32 s6, $0x3  }
0x8: {  	_ =	strace $0x8000004D;
	s4 =	sadd.s32 s4, s0;
	s26 =	sadd.s32 s5, s10  }
0x9: {  	s28 =	sadd.s32 s9, s10;
	s10 =	sadd.s32 $0x500, s10;
	[dreg:$0x5] =	wrdreg s26  }
0xa: {  	s8 =	sadd.s32 s6, s8;
	[dreg:$0x6] =	wrdreg s28;
	s5 =	sadd.s32 s5, s10  }
0xb: {  	s4 =	sadd.s32 $0xD200, s4;
	s30 =	sadd.s32 s9, s10;
	[dreg:$0x7] =	wrdreg s5  }
0xc: {  	s8 =	sshrl.u32 s8, $0x3;
	s7 =	sadd.s32 s7, s4;
	[dreg:$0x8] =	wrdreg s30  }
0xd: {  	s31 =	sor.u32 $0x1C03, s29;
	s0 =	sadd.s32 s8, s0;
	[dreg:$0x4] =	wrdreg s7  }
0xe: {  	s6 =	sadd.s32 s6, s2;
	s0 =	sadd.s32 $0x21200, s0;
	s1 =	rddreg [dreg:$0x4]  }
0xf: {  	s7 =	sshrl.u32 s6, $0x3;
	s6 =	simm.s32 $0x3;
	[dreg:$0x9] =	wrdreg s0  }
0x10: {  	[spmem:s7], [sflag:s31] =	dma.local [hbm:s1], $0xA00  }
0x11: {  	_ =	swait.ge [sflag:s6], $0xA00  }
0x12: {  	[sflag:s6] =	ssyncset.done $0x0  }
0x13: {  	[sflag:s6] =	ssyncadd.s32 $0xFFFFF600  }
0x14: {  	[bflag:$0x0] =	sbarrier.arrive $0xFFFF  }
0x15: {  	s3 =	rddreg [dreg:$0x5]  }
0x16: {  	[tilespmem:s13], [sflag:$0x3] =	stream.linear.gather [hbm4b:s3+s13], $0x2800, $0x38;
	[tilespmem:$0x12000] =	vst v63  }
0x17: {  	_ =	swait.ge [sflag:s6], $0x2800  }
0x18: {  	[sflag:s6] =	ssyncset.done $0x0  }
0x19: {  	s3 =	simm.s32 $0x2800;
	s5 =	rddreg [dreg:$0x6];
	[sflag:s6] =	ssyncadd.s32 $0xFFFFD800  }
0x1a: {  	[tilespmem:s3], [sflag:$0x3] =	stream.linear.gather [hbm4b:s5+s13], $0x2800, $0x38;
	[tilespmem:$0x12000] =	vst v63  }
0x1b: {  	_ =	swait.ge [sflag:s6], $0x2800  }
0x1c: {  	[sflag:s6] =	ssyncset.done $0x0  }
0x1d: {  	s9 =	simm.s32 $0x200;
	s10 =	simm.s32 $0x5000;
	[sflag:s6] =	ssyncadd.s32 $0xFFFFD800  }
0x1e: {  	[tilespmem:s10], [sflag:$0x1] =	stream.indirect.gather [hbm4b:s4+s9], $0x20, s13, s9, $0xb8;
	[tilespmem:$0x12000] =	vst v63  }
0x1f: {  	s11 =	simm.s32 $0x9000;
	s12 =	simm.s32 $0x1  }
0x20: {  	[tilespmem:s11], [sflag:$0x2] =	stream.indirect.gather [hbm4b:s4+s9], $0x20, s9, s9, $0xb8;
	[tilespmem:$0x12000] =	vst v63  }
0x21: {  	_ =	swait.ge [sflag:s12], $0x4000  }
0x22: {  	[sflag:s12] =	ssyncset.done $0x0  }
0x23: {  	[sflag:s12] =	ssyncadd.s32 $0xFFFFC000  }
0x24: {  	[spmem:s2] =	stream.indirect.scatter.add.f32 [tilespmem:s10], [sflag:$0x3], $0x20, s3, s9, $0xb8;
	[tilespmem:$0x12000] =	vst v63  }
0x25: {  	_ =	swait.ge [sflag:s6], $0x4000  }
0x26: {  	[sflag:s6] =	ssyncset.done $0x0  }
0x27: {  	s14 =	simm.s32 $0x2;
	s8 =	simm.s32 $0x400;
	[sflag:s6] =	ssyncadd.s32 $0xFFFFC000  }
0x28: {  	[tilespmem:s10], [sflag:$0x1] =	stream.indirect.gather [hbm4b:s4+s9], $0x20, s8, s9, $0xb8;
	[tilespmem:$0x12000] =	vst v63  }
0x29: {  	_ =	swait.ge [sflag:s14], $0x4000  }
0x2a: {  	[sflag:s14] =	ssyncset.done $0x0  }
0x2b: {  	s15 =	simm.s32 $0x2A00;
	[sflag:s14] =	ssyncadd.s32 $0xFFFFC000  }
0x2c: {  	[spmem:s2] =	stream.indirect.scatter.add.f32 [tilespmem:s11], [sflag:$0x3], $0x20, s15, s9, $0xb8;
	[tilespmem:$0x12000] =	vst v63  }
0x2d: {  	_ =	swait.ge [sflag:s6], $0x4000  }
0x2e: {  	[sflag:s6] =	ssyncset.done $0x0  }
0x2f: {  	s16 =	simm.s32 $0x600;
	[sflag:s6] =	ssyncadd.s32 $0xFFFFC000  }
0x30: {  	[tilespmem:s11], [sflag:$0x2] =	stream.indirect.gather [hbm4b:s4+s9], $0x20, s16, s9, $0xb8;
	[tilespmem:$0x12000] =	vst v63  }
0x31: {  	_ =	swait.ge [sflag:s12], $0x4000  }
0x32: {  	[sflag:s12] =	ssyncset.done $0x0  }
0x33: {  	s17 =	simm.s32 $0x2C00;
	[sflag:s12] =	ssyncadd.s32 $0xFFFFC000  }
0x34: {  	[spmem:s2] =	stream.indirect.scatter.add.f32 [tilespmem:s10], [sflag:$0x3], $0x20, s17, s9, $0xb8;
	[tilespmem:$0x12000] =	vst v63  }
0x35: {  	_ =	swait.ge [sflag:s6], $0x4000  }
0x36: {  	[sflag:s6] =	ssyncset.done $0x0  }
0x37: {  	s18 =	simm.s32 $0x800;
	[sflag:s6] =	ssyncadd.s32 $0xFFFFC000  }
0x38: {  	[tilespmem:s10], [sflag:$0x1] =	stream.indirect.gather [hbm4b:s4+s9], $0x20, s18, s9, $0xb8;
	[tilespmem:$0x12000] =	vst v63  }
0x39: {  	_ =	swait.ge [sflag:s14], $0x4000  }
0x3a: {  	[sflag:s14] =	ssyncset.done $0x0  }
0x3b: {  	s19 =	simm.s32 $0x2E00;
	[sflag:s14] =	ssyncadd.s32 $0xFFFFC000  }
0x3c: {  	[spmem:s2] =	stream.indirect.scatter.add.f32 [tilespmem:s11], [sflag:$0x3], $0x20, s19, s9, $0xb8;
	[tilespmem:$0x12000] =	vst v63  }
0x3d: {  	_ =	swait.ge [sflag:s6], $0x4000  }
0x3e: {  	[sflag:s6] =	ssyncset.done $0x0  }
0x3f: {  	s20 =	simm.s32 $0xA00;
	[sflag:s6] =	ssyncadd.s32 $0xFFFFC000  }
0x40: {  	[tilespmem:s11], [sflag:$0x2] =	stream.indirect.gather [hbm4b:s4+s9], $0x20, s20, s9, $0xb8;
	[tilespmem:$0x12000] =	vst v63  }
0x41: {  	_ =	swait.ge [sflag:s12], $0x4000  }
0x42: {  	[sflag:s12] =	ssyncset.done $0x0  }
0x43: {  	s21 =	simm.s32 $0x3000;
	[sflag:s12] =	ssyncadd.s32 $0xFFFFC000  }
0x44: {  	[spmem:s2] =	stream.indirect.scatter.add.f32 [tilespmem:s10], [sflag:$0x3], $0x20, s21, s9, $0xb8;
	[tilespmem:$0x12000] =	vst v63  }
0x45: {  	_ =	swait.ge [sflag:s6], $0x4000  }
0x46: {  	[sflag:s6] =	ssyncset.done $0x0  }
0x47: {  	s22 =	simm.s32 $0xC00;
	[sflag:s6] =	ssyncadd.s32 $0xFFFFC000  }
0x48: {  	[tilespmem:s10], [sflag:$0x1] =	stream.indirect.gather [hbm4b:s4+s9], $0x20, s22, s9, $0xb8;
	[tilespmem:$0x12000] =	vst v63  }
0x49: {  	_ =	swait.ge [sflag:s14], $0x4000  }
0x4a: {  	[sflag:s14] =	ssyncset.done $0x0  }
0x4b: {  	s23 =	simm.s32 $0x3200;
	[sflag:s14] =	ssyncadd.s32 $0xFFFFC000  }
0x4c: {  	[spmem:s2] =	stream.indirect.scatter.add.f32 [tilespmem:s11], [sflag:$0x3], $0x20, s23, s9, $0xb8;
	[tilespmem:$0x12000] =	vst v63  }
0x4d: {  	_ =	swait.ge [sflag:s6], $0x4000  }
0x4e: {  	[sflag:s6] =	ssyncset.done $0x0  }
0x4f: {  	s24 =	simm.s32 $0xE00;
	[sflag:s6] =	ssyncadd.s32 $0xFFFFC000  }
0x50: {  	[tilespmem:s11], [sflag:$0x2] =	stream.indirect.gather [hbm4b:s4+s9], $0x20, s24, s9, $0xb8;
	[tilespmem:$0x12000] =	vst v63  }
0x51: {  	_ =	swait.ge [sflag:s12], $0x4000  }
0x52: {  	[sflag:s12] =	ssyncset.done $0x0  }
0x53: {  	s25 =	simm.s32 $0x3400;
	[sflag:s12] =	ssyncadd.s32 $0xFFFFC000  }
0x54: {  	[spmem:s2] =	stream.indirect.scatter.add.f32 [tilespmem:s10], [sflag:$0x3], $0x20, s25, s9, $0xb8;
	[tilespmem:$0x12000] =	vst v63  }
0x55: {  	_ =	swait.ge [sflag:s6], $0x4000  }
0x56: {  	[sflag:s6] =	ssyncset.done $0x0  }
0x57: {  	s26 =	simm.s32 $0x1000;
	[sflag:s6] =	ssyncadd.s32 $0xFFFFC000  }
0x58: {  	[tilespmem:s10], [sflag:$0x1] =	stream.indirect.gather [hbm4b:s4+s9], $0x20, s26, s9, $0xb8;
	[tilespmem:$0x12000] =	vst v63  }
0x59: {  	_ =	swait.ge [sflag:s14], $0x4000  }
0x5a: {  	[sflag:s14] =	ssyncset.done $0x0  }
0x5b: {  	s28 =	simm.s32 $0x3600;
	[sflag:s14] =	ssyncadd.s32 $0xFFFFC000  }
0x5c: {  	[spmem:s2] =	stream.indirect.scatter.add.f32 [tilespmem:s11], [sflag:$0x3], $0x20, s28, s9, $0xb8;
	[tilespmem:$0x12000] =	vst v63  }
0x5d: {  	_ =	swait.ge [sflag:s6], $0x4000  }
0x5e: {  	[sflag:s6] =	ssyncset.done $0x0  }
0x5f: {  	s29 =	simm.s32 $0x1200;
	[sflag:s6] =	ssyncadd.s32 $0xFFFFC000  }
0x60: {  	[tilespmem:s11], [sflag:$0x2] =	stream.indirect.gather [hbm4b:s4+s9], $0x20, s29, s9, $0xb8;
	[tilespmem:$0x12000] =	vst v63  }
0x61: {  	_ =	swait.ge [sflag:s12], $0x4000  }
0x62: {  	[sflag:s12] =	ssyncset.done $0x0  }
0x63: {  	s30 =	simm.s32 $0x3800;
	[sflag:s12] =	ssyncadd.s32 $0xFFFFC000  }
0x64: {  	[spmem:s2] =	stream.indirect.scatter.add.f32 [tilespmem:s10], [sflag:$0x3], $0x20, s30, s9, $0xb8;
	[tilespmem:$0x12000] =	vst v63  }
0x65: {  	_ =	swait.ge [sflag:s6], $0x4000  }
0x66: {  	[sflag:s6] =	ssyncset.done $0x0  }
0x67: {  	s1 =	simm.s32 $0x1400;
	[sflag:s6] =	ssyncadd.s32 $0xFFFFC000  }
0x68: {  	[tilespmem:s10], [sflag:$0x1] =	stream.indirect.gather [hbm4b:s4+s9], $0x20, s1, s9, $0xb8;
	[tilespmem:$0x12000] =	vst v63  }
0x69: {  	_ =	swait.ge [sflag:s14], $0x4000  }
0x6a: {  	[sflag:s14] =	ssyncset.done $0x0  }
0x6b: {  	s5 =	simm.s32 $0x3A00;
	[sflag:s14] =	ssyncadd.s32 $0xFFFFC000  }
0x6c: {  	[spmem:s2] =	stream.indirect.scatter.add.f32 [tilespmem:s11], [sflag:$0x3], $0x20, s5, s9, $0xb8;
	[tilespmem:$0x12000] =	vst v63  }
0x6d: {  	_ =	swait.ge [sflag:s6], $0x4000  }
0x6e: {  	[sflag:s6] =	ssyncset.done $0x0  }
0x6f: {  	s8 =	simm.s32 $0x1600;
	[sflag:s6] =	ssyncadd.s32 $0xFFFFC000  }
0x70: {  	[tilespmem:s11], [sflag:$0x2] =	stream.indirect.gather [hbm4b:s4+s9], $0x20, s8, s9, $0xb8;
	[tilespmem:$0x12000] =	vst v63  }
0x71: {  	_ =	swait.ge [sflag:s12], $0x4000  }
0x72: {  	[sflag:s12] =	ssyncset.done $0x0  }
0x73: {  	s30 =	simm.s32 $0x3C00;
	[sflag:s12] =	ssyncadd.s32 $0xFFFFC000  }
0x74: {  	[spmem:s2] =	stream.indirect.scatter.add.f32 [tilespmem:s10], [sflag:$0x3], $0x20, s30, s9, $0xb8;
	[tilespmem:$0x12000] =	vst v63  }
0x75: {  	_ =	swait.ge [sflag:s6], $0x4000  }
0x76: {  	[sflag:s6] =	ssyncset.done $0x0  }
0x77: {  	s29 =	simm.s32 $0x1800;
	[sflag:s6] =	ssyncadd.s32 $0xFFFFC000  }
0x78: {  	[tilespmem:s10], [sflag:$0x1] =	stream.indirect.gather [hbm4b:s4+s9], $0x20, s29, s9, $0xb8;
	[tilespmem:$0x12000] =	vst v63  }
0x79: {  	_ =	swait.ge [sflag:s14], $0x4000  }
0x7a: {  	[sflag:s14] =	ssyncset.done $0x0  }
0x7b: {  	s28 =	simm.s32 $0x3E00;
	[sflag:s14] =	ssyncadd.s32 $0xFFFFC000  }
0x7c: {  	[spmem:s2] =	stream.indirect.scatter.add.f32 [tilespmem:s11], [sflag:$0x3], $0x20, s28, s9, $0xb8;
	[tilespmem:$0x12000] =	vst v63  }
0x7d: {  	_ =	swait.ge [sflag:s6], $0x4000  }
0x7e: {  	[sflag:s6] =	ssyncset.done $0x0  }
0x7f: {  	s26 =	simm.s32 $0x1A00;
	[sflag:s6] =	ssyncadd.s32 $0xFFFFC000  }
0x80: {  	[tilespmem:s11], [sflag:$0x2] =	stream.indirect.gather [hbm4b:s4+s9], $0x20, s26, s9, $0xb8;
	[tilespmem:$0x12000] =	vst v63  }
0x81: {  	_ =	swait.ge [sflag:s12], $0x4000  }
0x82: {  	[sflag:s12] =	ssyncset.done $0x0  }
0x83: {  	s25 =	simm.s32 $0x4000;
	[sflag:s12] =	ssyncadd.s32 $0xFFFFC000  }
0x84: {  	[spmem:s2] =	stream.indirect.scatter.add.f32 [tilespmem:s10], [sflag:$0x3], $0x20, s25, s9, $0xb8;
	[tilespmem:$0x12000] =	vst v63  }
0x85: {  	_ =	swait.ge [sflag:s6], $0x4000  }
0x86: {  	[sflag:s6] =	ssyncset.done $0x0  }
0x87: {  	s24 =	simm.s32 $0x1C00;
	[sflag:s6] =	ssyncadd.s32 $0xFFFFC000  }
0x88: {  	[tilespmem:s10], [sflag:$0x1] =	stream.indirect.gather [hbm4b:s4+s9], $0x20, s24, s9, $0xb8;
	[tilespmem:$0x12000] =	vst v63  }
0x89: {  	_ =	swait.ge [sflag:s14], $0x4000  }
0x8a: {  	[sflag:s14] =	ssyncset.done $0x0  }
0x8b: {  	s23 =	simm.s32 $0x4200;
	[sflag:s14] =	ssyncadd.s32 $0xFFFFC000  }
0x8c: {  	[spmem:s2] =	stream.indirect.scatter.add.f32 [tilespmem:s11], [sflag:$0x3], $0x20, s23, s9, $0xb8;
	[tilespmem:$0x12000] =	vst v63  }
0x8d: {  	_ =	swait.ge [sflag:s6], $0x4000  }
0x8e: {  	[sflag:s6] =	ssyncset.done $0x0  }
0x8f: {  	s22 =	simm.s32 $0x1E00;
	[sflag:s6] =	ssyncadd.s32 $0xFFFFC000  }
0x90: {  	[tilespmem:s11], [sflag:$0x2] =	stream.indirect.gather [hbm4b:s4+s9], $0x20, s22, s9, $0xb8;
	[tilespmem:$0x12000] =	vst v63  }
0x91: {  	_ =	swait.ge [sflag:s12], $0x4000  }
0x92: {  	[sflag:s12] =	ssyncset.done $0x0  }
0x93: {  	s21 =	simm.s32 $0x4400;
	[sflag:s12] =	ssyncadd.s32 $0xFFFFC000  }
0x94: {  	[spmem:s2] =	stream.indirect.scatter.add.f32 [tilespmem:s10], [sflag:$0x3], $0x20, s21, s9, $0xb8;
	[tilespmem:$0x12000] =	vst v63  }
0x95: {  	_ =	swait.ge [sflag:s6], $0x4000  }
0x96: {  	[sflag:s6] =	ssyncset.done $0x0  }
0x97: {  	s20 =	simm.s32 $0x2000;
	[sflag:s6] =	ssyncadd.s32 $0xFFFFC000  }
0x98: {  	[tilespmem:s10], [sflag:$0x1] =	stream.indirect.gather [hbm4b:s4+s9], $0x20, s20, s9, $0xb8;
	[tilespmem:$0x12000] =	vst v63  }
0x99: {  	_ =	swait.ge [sflag:s14], $0x4000  }
0x9a: {  	[sflag:s14] =	ssyncset.done $0x0  }
0x9b: {  	s19 =	simm.s32 $0x4600;
	[sflag:s14] =	ssyncadd.s32 $0xFFFFC000  }
0x9c: {  	[spmem:s2] =	stream.indirect.scatter.add.f32 [tilespmem:s11], [sflag:$0x3], $0x20, s19, s9, $0xb8;
	[tilespmem:$0x12000] =	vst v63  }
0x9d: {  	_ =	swait.ge [sflag:s6], $0x4000  }
0x9e: {  	[sflag:s6] =	ssyncset.done $0x0  }
0x9f: {  	s18 =	simm.s32 $0x2200;
	[sflag:s6] =	ssyncadd.s32 $0xFFFFC000  }
0xa0: {  	[tilespmem:s11], [sflag:$0x2] =	stream.indirect.gather [hbm4b:s4+s9], $0x20, s18, s9, $0xb8;
	[tilespmem:$0x12000] =	vst v63  }
0xa1: {  	_ =	swait.ge [sflag:s12], $0x4000  }
0xa2: {  	[sflag:s12] =	ssyncset.done $0x0  }
0xa3: {  	s17 =	simm.s32 $0x4800;
	[sflag:s12] =	ssyncadd.s32 $0xFFFFC000  }
0xa4: {  	[spmem:s2] =	stream.indirect.scatter.add.f32 [tilespmem:s10], [sflag:$0x3], $0x20, s17, s9, $0xb8;
	[tilespmem:$0x12000] =	vst v63  }
0xa5: {  	_ =	swait.ge [sflag:s6], $0x4000  }
0xa6: {  	[sflag:s6] =	ssyncset.done $0x0  }
0xa7: {  	s16 =	simm.s32 $0x2400;
	[sflag:s6] =	ssyncadd.s32 $0xFFFFC000  }
0xa8: {  	[tilespmem:s10], [sflag:$0x1] =	stream.indirect.gather [hbm4b:s4+s9], $0x20, s16, s9, $0xb8;
	[tilespmem:$0x12000] =	vst v63  }
0xa9: {  	_ =	swait.ge [sflag:s14], $0x4000  }
0xaa: {  	[sflag:s14] =	ssyncset.done $0x0  }
0xab: {  	s15 =	simm.s32 $0x4A00;
	[sflag:s14] =	ssyncadd.s32 $0xFFFFC000  }
0xac: {  	[spmem:s2] =	stream.indirect.scatter.add.f32 [tilespmem:s11], [sflag:$0x3], $0x20, s15, s9, $0xb8;
	[tilespmem:$0x12000] =	vst v63  }
0xad: {  	_ =	swait.ge [sflag:s6], $0x4000  }
0xae: {  	[sflag:s6] =	ssyncset.done $0x0  }
0xaf: {  	s8 =	simm.s32 $0x2600;
	[sflag:s6] =	ssyncadd.s32 $0xFFFFC000  }
0xb0: {  	[tilespmem:s11], [sflag:$0x2] =	stream.indirect.gather [hbm4b:s4+s9], $0x20, s8, s9, $0xb8;
	[tilespmem:$0x12000] =	vst v63  }
0xb1: {  	_ =	swait.ge [sflag:s12], $0x4000  }
0xb2: {  	[sflag:s12] =	ssyncset.done $0x0  }
0xb3: {  	s5 =	simm.s32 $0x4C00;
	[sflag:s12] =	ssyncadd.s32 $0xFFFFC000  }
0xb4: {  	[spmem:s2] =	stream.indirect.scatter.add.f32 [tilespmem:s10], [sflag:$0x3], $0x20, s5, s9, $0xb8;
	[tilespmem:$0x12000] =	vst v63  }
0xb5: {  	_ =	swait.ge [sflag:s6], $0x4000  }
0xb6: {  	[sflag:s6] =	ssyncset.done $0x0  }
0xb7: {  	[sflag:s6] =	ssyncadd.s32 $0xFFFFC000  }
0xb8: {  	_ =	swait.ge [sflag:s14], $0x4000  }
0xb9: {  	[sflag:s14] =	ssyncset.done $0x0  }
0xba: {  	s0 =	simm.s32 $0x4E00;
	[sflag:s14] =	ssyncadd.s32 $0xFFFFC000  }
0xbb: {  	[spmem:s2] =	stream.indirect.scatter.add.f32 [tilespmem:s11], [sflag:$0x3], $0x20, s0, s9, $0xb8;
	[tilespmem:$0x12000] =	vst v63  }
0xbc: {  	_ =	swait.ge [sflag:s6], $0x4000  }
0xbd: {  	[sflag:s6] =	ssyncset.done $0x0  }
0xbe: {  	s1 =	rddreg [dreg:$0x7];
	[sflag:s6] =	ssyncadd.s32 $0xFFFFC000  }
0xbf: {  	[tilespmem:s13], [sflag:$0x3] =	stream.linear.gather [hbm4b:s1+s13], $0x2800, $0x38;
	[tilespmem:$0x12000] =	vst v63  }
0xc0: {  	_ =	swait.ge [sflag:s6], $0x2800  }
0xc1: {  	[sflag:s6] =	ssyncset.done $0x0  }
0xc2: {  	s1 =	rddreg [dreg:$0x8];
	[sflag:s6] =	ssyncadd.s32 $0xFFFFD800  }
0xc3: {  	[tilespmem:s3], [sflag:$0x3] =	stream.linear.gather [hbm4b:s1+s13], $0x2800, $0x38;
	[tilespmem:$0x12000] =	vst v63  }
0xc4: {  	_ =	swait.ge [sflag:s6], $0x2800  }
0xc5: {  	[sflag:s6] =	ssyncset.done $0x0  }
0xc6: {  	[sflag:s6] =	ssyncadd.s32 $0xFFFFD800  }
0xc7: {  	[tilespmem:s10], [sflag:$0x1] =	stream.indirect.gather [hbm4b:s4+s9], $0x20, s13, s9, $0xb8;
	[tilespmem:$0x12000] =	vst v63  }
0xc8: {  	_ = 	snop  }
0xc9: {  	[tilespmem:s11], [sflag:$0x2] =	stream.indirect.gather [hbm4b:s4+s9], $0x20, s9, s9, $0xb8;
	[tilespmem:$0x12000] =	vst v63  }
0xca: {  	_ =	swait.ge [sflag:s12], $0x4000  }
0xcb: {  	[sflag:s12] =	ssyncset.done $0x0  }
0xcc: {  	[sflag:s12] =	ssyncadd.s32 $0xFFFFC000  }
0xcd: {  	[spmem:s2] =	stream.indirect.scatter.add.f32 [tilespmem:s10], [sflag:$0x3], $0x20, s3, s9, $0xb8;
	[tilespmem:$0x12000] =	vst v63  }
0xce: {  	_ =	swait.ge [sflag:s6], $0x4000  }
0xcf: {  	[sflag:s6] =	ssyncset.done $0x0  }
0xd0: {  	s13 =	simm.s32 $0x400;
	[sflag:s6] =	ssyncadd.s32 $0xFFFFC000  }
0xd1: {  	[tilespmem:s10], [sflag:$0x1] =	stream.indirect.gather [hbm4b:s4+s9], $0x20, s13, s9, $0xb8;
	[tilespmem:$0x12000] =	vst v63  }
0xd2: {  	_ =	swait.ge [sflag:s14], $0x4000  }
0xd3: {  	[sflag:s14] =	ssyncset.done $0x0  }
0xd4: {  	s3 =	simm.s32 $0x2A00;
	[sflag:s14] =	ssyncadd.s32 $0xFFFFC000  }
0xd5: {  	[spmem:s2] =	stream.indirect.scatter.add.f32 [tilespmem:s11], [sflag:$0x3], $0x20, s3, s9, $0xb8;
	[tilespmem:$0x12000] =	vst v63  }
0xd6: {  	_ =	swait.ge [sflag:s6], $0x4000  }
0xd7: {  	[sflag:s6] =	ssyncset.done $0x0  }
0xd8: {  	s13 =	simm.s32 $0x600;
	[sflag:s6] =	ssyncadd.s32 $0xFFFFC000  }
0xd9: {  	[tilespmem:s11], [sflag:$0x2] =	stream.indirect.gather [hbm4b:s4+s9], $0x20, s13, s9, $0xb8;
	[tilespmem:$0x12000] =	vst v63  }
0xda: {  	_ =	swait.ge [sflag:s12], $0x4000  }
0xdb: {  	[sflag:s12] =	ssyncset.done $0x0  }
0xdc: {  	s3 =	simm.s32 $0x2C00;
	[sflag:s12] =	ssyncadd.s32 $0xFFFFC000  }
0xdd: {  	[spmem:s2] =	stream.indirect.scatter.add.f32 [tilespmem:s10], [sflag:$0x3], $0x20, s3, s9, $0xb8;
	[tilespmem:$0x12000] =	vst v63  }
0xde: {  	_ =	swait.ge [sflag:s6], $0x4000  }
0xdf: {  	[sflag:s6] =	ssyncset.done $0x0  }
0xe0: {  	s13 =	simm.s32 $0x800;
	[sflag:s6] =	ssyncadd.s32 $0xFFFFC000  }
0xe1: {  	[tilespmem:s10], [sflag:$0x1] =	stream.indirect.gather [hbm4b:s4+s9], $0x20, s13, s9, $0xb8;
	[tilespmem:$0x12000] =	vst v63  }
0xe2: {  	_ =	swait.ge [sflag:s14], $0x4000  }
0xe3: {  	[sflag:s14] =	ssyncset.done $0x0  }
0xe4: {  	s3 =	simm.s32 $0x2E00;
	[sflag:s14] =	ssyncadd.s32 $0xFFFFC000  }
0xe5: {  	[spmem:s2] =	stream.indirect.scatter.add.f32 [tilespmem:s11], [sflag:$0x3], $0x20, s3, s9, $0xb8;
	[tilespmem:$0x12000] =	vst v63  }
0xe6: {  	_ =	swait.ge [sflag:s6], $0x4000  }
0xe7: {  	[sflag:s6] =	ssyncset.done $0x0  }
0xe8: {  	s13 =	simm.s32 $0xA00;
	[sflag:s6] =	ssyncadd.s32 $0xFFFFC000  }
0xe9: {  	[tilespmem:s11], [sflag:$0x2] =	stream.indirect.gather [hbm4b:s4+s9], $0x20, s13, s9, $0xb8;
	[tilespmem:$0x12000] =	vst v63  }
0xea: {  	_ =	swait.ge [sflag:s12], $0x4000  }
0xeb: {  	[sflag:s12] =	ssyncset.done $0x0  }
0xec: {  	s3 =	simm.s32 $0x3000;
	[sflag:s12] =	ssyncadd.s32 $0xFFFFC000  }
0xed: {  	[spmem:s2] =	stream.indirect.scatter.add.f32 [tilespmem:s10], [sflag:$0x3], $0x20, s3, s9, $0xb8;
	[tilespmem:$0x12000] =	vst v63  }
0xee: {  	_ =	swait.ge [sflag:s6], $0x4000  }
0xef: {  	[sflag:s6] =	ssyncset.done $0x0  }
0xf0: {  	s13 =	simm.s32 $0xC00;
	[sflag:s6] =	ssyncadd.s32 $0xFFFFC000  }
0xf1: {  	[tilespmem:s10], [sflag:$0x1] =	stream.indirect.gather [hbm4b:s4+s9], $0x20, s13, s9, $0xb8;
	[tilespmem:$0x12000] =	vst v63  }
0xf2: {  	_ =	swait.ge [sflag:s14], $0x4000  }
0xf3: {  	[sflag:s14] =	ssyncset.done $0x0  }
0xf4: {  	s3 =	simm.s32 $0x3200;
	[sflag:s14] =	ssyncadd.s32 $0xFFFFC000  }
0xf5: {  	[spmem:s2] =	stream.indirect.scatter.add.f32 [tilespmem:s11], [sflag:$0x3], $0x20, s3, s9, $0xb8;
	[tilespmem:$0x12000] =	vst v63  }
0xf6: {  	_ =	swait.ge [sflag:s6], $0x4000  }
0xf7: {  	[sflag:s6] =	ssyncset.done $0x0  }
0xf8: {  	s13 =	simm.s32 $0xE00;
	[sflag:s6] =	ssyncadd.s32 $0xFFFFC000  }
0xf9: {  	[tilespmem:s11], [sflag:$0x2] =	stream.indirect.gather [hbm4b:s4+s9], $0x20, s13, s9, $0xb8;
	[tilespmem:$0x12000] =	vst v63  }
0xfa: {  	_ =	swait.ge [sflag:s12], $0x4000  }
0xfb: {  	[sflag:s12] =	ssyncset.done $0x0  }
0xfc: {  	s3 =	simm.s32 $0x3400;
	[sflag:s12] =	ssyncadd.s32 $0xFFFFC000  }
0xfd: {  	[spmem:s2] =	stream.indirect.scatter.add.f32 [tilespmem:s10], [sflag:$0x3], $0x20, s3, s9, $0xb8;
	[tilespmem:$0x12000] =	vst v63  }
0xfe: {  	_ =	swait.ge [sflag:s6], $0x4000  }
0xff: {  	[sflag:s6] =	ssyncset.done $0x0  }
0x100: {  	s13 =	simm.s32 $0x1000;
	[sflag:s6] =	ssyncadd.s32 $0xFFFFC000  }
0x101: {  	[tilespmem:s10], [sflag:$0x1] =	stream.indirect.gather [hbm4b:s4+s9], $0x20, s13, s9, $0xb8;
	[tilespmem:$0x12000] =	vst v63  }
0x102: {  	_ =	swait.ge [sflag:s14], $0x4000  }
0x103: {  	[sflag:s14] =	ssyncset.done $0x0  }
0x104: {  	s3 =	simm.s32 $0x3600;
	[sflag:s14] =	ssyncadd.s32 $0xFFFFC000  }
0x105: {  	[spmem:s2] =	stream.indirect.scatter.add.f32 [tilespmem:s11], [sflag:$0x3], $0x20, s3, s9, $0xb8;
	[tilespmem:$0x12000] =	vst v63  }
0x106: {  	_ =	swait.ge [sflag:s6], $0x4000  }
0x107: {  	[sflag:s6] =	ssyncset.done $0x0  }
0x108: {  	s13 =	simm.s32 $0x1200;
	[sflag:s6] =	ssyncadd.s32 $0xFFFFC000  }
0x109: {  	[tilespmem:s11], [sflag:$0x2] =	stream.indirect.gather [hbm4b:s4+s9], $0x20, s13, s9, $0xb8;
	[tilespmem:$0x12000] =	vst v63  }
0x10a: {  	_ =	swait.ge [sflag:s12], $0x4000  }
0x10b: {  	[sflag:s12] =	ssyncset.done $0x0  }
0x10c: {  	s3 =	simm.s32 $0x3800;
	[sflag:s12] =	ssyncadd.s32 $0xFFFFC000  }
0x10d: {  	[spmem:s2] =	stream.indirect.scatter.add.f32 [tilespmem:s10], [sflag:$0x3], $0x20, s3, s9, $0xb8;
	[tilespmem:$0x12000] =	vst v63  }
0x10e: {  	_ =	swait.ge [sflag:s6], $0x4000  }
0x10f: {  	[sflag:s6] =	ssyncset.done $0x0  }
0x110: {  	s13 =	simm.s32 $0x1400;
	[sflag:s6] =	ssyncadd.s32 $0xFFFFC000  }
0x111: {  	[tilespmem:s10], [sflag:$0x1] =	stream.indirect.gather [hbm4b:s4+s9], $0x20, s13, s9, $0xb8;
	[tilespmem:$0x12000] =	vst v63  }
0x112: {  	_ =	swait.ge [sflag:s14], $0x4000  }
0x113: {  	[sflag:s14] =	ssyncset.done $0x0  }
0x114: {  	s3 =	simm.s32 $0x3A00;
	[sflag:s14] =	ssyncadd.s32 $0xFFFFC000  }
0x115: {  	[spmem:s2] =	stream.indirect.scatter.add.f32 [tilespmem:s11], [sflag:$0x3], $0x20, s3, s9, $0xb8;
	[tilespmem:$0x12000] =	vst v63  }
0x116: {  	_ =	swait.ge [sflag:s6], $0x4000  }
0x117: {  	[sflag:s6] =	ssyncset.done $0x0  }
0x118: {  	s13 =	simm.s32 $0x1600;
	[sflag:s6] =	ssyncadd.s32 $0xFFFFC000  }
0x119: {  	[tilespmem:s11], [sflag:$0x2] =	stream.indirect.gather [hbm4b:s4+s9], $0x20, s13, s9, $0xb8;
	[tilespmem:$0x12000] =	vst v63  }
0x11a: {  	_ =	swait.ge [sflag:s12], $0x4000  }
0x11b: {  	[sflag:s12] =	ssyncset.done $0x0  }
0x11c: {  	[sflag:s12] =	ssyncadd.s32 $0xFFFFC000  }
0x11d: {  	[spmem:s2] =	stream.indirect.scatter.add.f32 [tilespmem:s10], [sflag:$0x3], $0x20, s30, s9, $0xb8;
	[tilespmem:$0x12000] =	vst v63  }
0x11e: {  	_ =	swait.ge [sflag:s6], $0x4000  }
0x11f: {  	[sflag:s6] =	ssyncset.done $0x0  }
0x120: {  	[sflag:s6] =	ssyncadd.s32 $0xFFFFC000  }
0x121: {  	[tilespmem:s10], [sflag:$0x1] =	stream.indirect.gather [hbm4b:s4+s9], $0x20, s29, s9, $0xb8;
	[tilespmem:$0x12000] =	vst v63  }
0x122: {  	_ =	swait.ge [sflag:s14], $0x4000  }
0x123: {  	[sflag:s14] =	ssyncset.done $0x0  }
0x124: {  	[sflag:s14] =	ssyncadd.s32 $0xFFFFC000  }
0x125: {  	[spmem:s2] =	stream.indirect.scatter.add.f32 [tilespmem:s11], [sflag:$0x3], $0x20, s28, s9, $0xb8;
	[tilespmem:$0x12000] =	vst v63  }
0x126: {  	_ =	swait.ge [sflag:s6], $0x4000  }
0x127: {  	[sflag:s6] =	ssyncset.done $0x0  }
0x128: {  	[sflag:s6] =	ssyncadd.s32 $0xFFFFC000  }
0x129: {  	[tilespmem:s11], [sflag:$0x2] =	stream.indirect.gather [hbm4b:s4+s9], $0x20, s26, s9, $0xb8;
	[tilespmem:$0x12000] =	vst v63  }
0x12a: {  	_ =	swait.ge [sflag:s12], $0x4000  }
0x12b: {  	[sflag:s12] =	ssyncset.done $0x0  }
0x12c: {  	[sflag:s12] =	ssyncadd.s32 $0xFFFFC000  }
0x12d: {  	[spmem:s2] =	stream.indirect.scatter.add.f32 [tilespmem:s10], [sflag:$0x3], $0x20, s25, s9, $0xb8;
	[tilespmem:$0x12000] =	vst v63  }
0x12e: {  	_ =	swait.ge [sflag:s6], $0x4000  }
0x12f: {  	[sflag:s6] =	ssyncset.done $0x0  }
0x130: {  	[sflag:s6] =	ssyncadd.s32 $0xFFFFC000  }
0x131: {  	[tilespmem:s10], [sflag:$0x1] =	stream.indirect.gather [hbm4b:s4+s9], $0x20, s24, s9, $0xb8;
	[tilespmem:$0x12000] =	vst v63  }
0x132: {  	_ =	swait.ge [sflag:s14], $0x4000  }
0x133: {  	[sflag:s14] =	ssyncset.done $0x0  }
0x134: {  	[sflag:s14] =	ssyncadd.s32 $0xFFFFC000  }
0x135: {  	[spmem:s2] =	stream.indirect.scatter.add.f32 [tilespmem:s11], [sflag:$0x3], $0x20, s23, s9, $0xb8;
	[tilespmem:$0x12000] =	vst v63  }
0x136: {  	_ =	swait.ge [sflag:s6], $0x4000  }
0x137: {  	[sflag:s6] =	ssyncset.done $0x0  }
0x138: {  	[sflag:s6] =	ssyncadd.s32 $0xFFFFC000  }
0x139: {  	[tilespmem:s11], [sflag:$0x2] =	stream.indirect.gather [hbm4b:s4+s9], $0x20, s22, s9, $0xb8;
	[tilespmem:$0x12000] =	vst v63  }
0x13a: {  	_ =	swait.ge [sflag:s12], $0x4000  }
0x13b: {  	[sflag:s12] =	ssyncset.done $0x0  }
0x13c: {  	[sflag:s12] =	ssyncadd.s32 $0xFFFFC000  }
0x13d: {  	[spmem:s2] =	stream.indirect.scatter.add.f32 [tilespmem:s10], [sflag:$0x3], $0x20, s21, s9, $0xb8;
	[tilespmem:$0x12000] =	vst v63  }
0x13e: {  	_ =	swait.ge [sflag:s6], $0x4000  }
0x13f: {  	[sflag:s6] =	ssyncset.done $0x0  }
0x140: {  	[sflag:s6] =	ssyncadd.s32 $0xFFFFC000  }
0x141: {  	[tilespmem:s10], [sflag:$0x1] =	stream.indirect.gather [hbm4b:s4+s9], $0x20, s20, s9, $0xb8;
	[tilespmem:$0x12000] =	vst v63  }
0x142: {  	_ =	swait.ge [sflag:s14], $0x4000  }
0x143: {  	[sflag:s14] =	ssyncset.done $0x0  }
0x144: {  	[sflag:s14] =	ssyncadd.s32 $0xFFFFC000  }
0x145: {  	[spmem:s2] =	stream.indirect.scatter.add.f32 [tilespmem:s11], [sflag:$0x3], $0x20, s19, s9, $0xb8;
	[tilespmem:$0x12000] =	vst v63  }
0x146: {  	_ =	swait.ge [sflag:s6], $0x4000  }
0x147: {  	[sflag:s6] =	ssyncset.done $0x0  }
0x148: {  	[sflag:s6] =	ssyncadd.s32 $0xFFFFC000  }
0x149: {  	[tilespmem:s11], [sflag:$0x2] =	stream.indirect.gather [hbm4b:s4+s9], $0x20, s18, s9, $0xb8;
	[tilespmem:$0x12000] =	vst v63  }
0x14a: {  	_ =	swait.ge [sflag:s12], $0x4000  }
0x14b: {  	[sflag:s12] =	ssyncset.done $0x0  }
0x14c: {  	[sflag:s12] =	ssyncadd.s32 $0xFFFFC000  }
0x14d: {  	[spmem:s2] =	stream.indirect.scatter.add.f32 [tilespmem:s10], [sflag:$0x3], $0x20, s17, s9, $0xb8;
	[tilespmem:$0x12000] =	vst v63  }
0x14e: {  	_ =	swait.ge [sflag:s6], $0x4000  }
0x14f: {  	[sflag:s6] =	ssyncset.done $0x0  }
0x150: {  	[sflag:s6] =	ssyncadd.s32 $0xFFFFC000  }
0x151: {  	[tilespmem:s10], [sflag:$0x1] =	stream.indirect.gather [hbm4b:s4+s9], $0x20, s16, s9, $0xb8;
	[tilespmem:$0x12000] =	vst v63  }
0x152: {  	_ =	swait.ge [sflag:s14], $0x4000  }
0x153: {  	[sflag:s14] =	ssyncset.done $0x0  }
0x154: {  	[sflag:s14] =	ssyncadd.s32 $0xFFFFC000  }
0x155: {  	[spmem:s2] =	stream.indirect.scatter.add.f32 [tilespmem:s11], [sflag:$0x3], $0x20, s15, s9, $0xb8;
	[tilespmem:$0x12000] =	vst v63  }
0x156: {  	_ =	swait.ge [sflag:s6], $0x4000  }
0x157: {  	[sflag:s6] =	ssyncset.done $0x0  }
0x158: {  	[sflag:s6] =	ssyncadd.s32 $0xFFFFC000  }
0x159: {  	[tilespmem:s11], [sflag:$0x2] =	stream.indirect.gather [hbm4b:s4+s9], $0x20, s8, s9, $0xb8;
	[tilespmem:$0x12000] =	vst v63  }
0x15a: {  	_ =	swait.ge [sflag:s12], $0x4000  }
0x15b: {  	[sflag:s12] =	ssyncset.done $0x0  }
0x15c: {  	[sflag:s12] =	ssyncadd.s32 $0xFFFFC000  }
0x15d: {  	[spmem:s2] =	stream.indirect.scatter.add.f32 [tilespmem:s10], [sflag:$0x3], $0x20, s5, s9, $0xb8;
	[tilespmem:$0x12000] =	vst v63  }
0x15e: {  	_ =	swait.ge [sflag:s6], $0x4000  }
0x15f: {  	[sflag:s6] =	ssyncset.done $0x0  }
0x160: {  	[sflag:s6] =	ssyncadd.s32 $0xFFFFC000  }
0x161: {  	_ =	swait.ge [sflag:s14], $0x4000  }
0x162: {  	[sflag:s14] =	ssyncset.done $0x0  }
0x163: {  	[sflag:s14] =	ssyncadd.s32 $0xFFFFC000  }
0x164: {  	[spmem:s2] =	stream.indirect.scatter.add.f32 [tilespmem:s11], [sflag:$0x3], $0x20, s0, s9, $0xb8;
	[tilespmem:$0x12000] =	vst v63  }
0x165: {  	_ =	swait.ge [sflag:s6], $0x4000  }
0x166: {  	[sflag:s6] =	ssyncset.done $0x0  }
0x167: {  	[sflag:s6] =	ssyncadd.s32 $0xFFFFC000  }
0x168: {  	[bflag:$0x0] =	sbarrier.arrive $0xFFFF  }
0x169: {  	s28 =	rddreg [dreg:$0xc]  }
0x16a: {  	s0 =	ssub.s32 $0x2, s28  }
0x16b: {  	s30 =	sshrl.u32 s0, $0x1  }
0x16c: {  	s1 =	ssub.s32 s0, s30  }
0x16d: {  	s1 =	smax.u32 s1, $0x1  }
0x16e: {  	p0 =	sne.s32 s1, $0x1  }
.Ltmp0:
0x16f: {  	s29 =	rddreg [dreg:$0x9];
	(pc) =	sbr.rel @!p0 .LBB2_3-.Ltmp0, $4  }
0x170: {  	[dreg:$0xa] =	wrdreg s31  }
0x171: {  	[dreg:$0xb] =	wrdreg s7  }
0x172: {  	[hbm:s29], [sflag:s31] =	dma.local [spmem:s7], $0xA00  }
0x173: {  	_ =	swait.ge [sflag:s6], $0xA00;
	s1 =	sadd.s32 $0xFFFFFFFF, s1  }
0x174: {  	s3 =	simm.s32 $0x2800;
	s15 =	simm.s32 $0x400  }
0x175: {  	s16 =	simm.s32 $0x2A00;
	s17 =	simm.s32 $0x600;
	s18 =	simm.s32 $0x2C00  }
0x176: {  	s19 =	simm.s32 $0x800;
	s20 =	simm.s32 $0x2E00;
	s21 =	simm.s32 $0xA00  }
0x177: {  	s22 =	simm.s32 $0x3000;
	s23 =	simm.s32 $0xC00;
	s24 =	simm.s32 $0x3200  }
0x178: {  	s25 =	simm.s32 $0xE00;
	s26 =	simm.s32 $0x3400;
	s28 =	simm.s32 $0x1000  }
0x179: {  	s29 =	simm.s32 $0x3600;
	s30 =	simm.s32 $0x1200;
	s31 =	simm.s32 $0x3800  }
.LBB2_2:
0x17a: {  	s13 =	rddreg [dreg:$0x4]  }
0x17b: {  	[sflag:s6] =	ssyncset.done $0x0;
	s7 =	rddreg [dreg:$0xa]  }
0x17c: {  	s8 =	rddreg [dreg:$0xb];
	[sflag:s6] =	ssyncadd.s32 $0xFFFFF600  }
0x17d: {  	[spmem:s8], [sflag:s7] =	dma.local [hbm:s13], $0xA00  }
0x17e: {  	_ =	swait.ge [sflag:s6], $0xA00  }
0x17f: {  	[sflag:s6] =	ssyncset.done $0x0  }
0x180: {  	[sflag:s6] =	ssyncadd.s32 $0xFFFFF600  }
0x181: {  	[bflag:$0x0] =	sbarrier.arrive $0xFFFF  }
0x182: {  	s0 =	simm.s32 $0x0;
	s5 =	rddreg [dreg:$0x5]  }
0x183: {  	[tilespmem:s0], [sflag:$0x3] =	stream.linear.gather [hbm4b:s5+s0], $0x2800, $0x38;
	[tilespmem:$0x12000] =	vst v63  }
0x184: {  	_ =	swait.ge [sflag:s6], $0x2800  }
0x185: {  	[sflag:s6] =	ssyncset.done $0x0  }
0x186: {  	s5 =	rddreg [dreg:$0x6];
	[sflag:s6] =	ssyncadd.s32 $0xFFFFD800  }
0x187: {  	[tilespmem:s3], [sflag:$0x3] =	stream.linear.gather [hbm4b:s5+s0], $0x2800, $0x38;
	[tilespmem:$0x12000] =	vst v63  }
0x188: {  	_ =	swait.ge [sflag:s6], $0x2800  }
0x189: {  	[sflag:s6] =	ssyncset.done $0x0  }
0x18a: {  	[sflag:s6] =	ssyncadd.s32 $0xFFFFD800  }
0x18b: {  	[tilespmem:s10], [sflag:$0x1] =	stream.indirect.gather [hbm4b:s4+s9], $0x20, s0, s9, $0xb8;
	[tilespmem:$0x12000] =	vst v63  }
0x18c: {  	_ = 	snop  }
0x18d: {  	[tilespmem:s11], [sflag:$0x2] =	stream.indirect.gather [hbm4b:s4+s9], $0x20, s9, s9, $0xb8;
	[tilespmem:$0x12000] =	vst v63  }
0x18e: {  	_ =	swait.ge [sflag:s12], $0x4000  }
0x18f: {  	[sflag:s12] =	ssyncset.done $0x0  }
0x190: {  	[sflag:s12] =	ssyncadd.s32 $0xFFFFC000  }
0x191: {  	[spmem:s2] =	stream.indirect.scatter.add.f32 [tilespmem:s10], [sflag:$0x3], $0x20, s3, s9, $0xb8;
	[tilespmem:$0x12000] =	vst v63  }
0x192: {  	_ =	swait.ge [sflag:s6], $0x4000  }
0x193: {  	[sflag:s6] =	ssyncset.done $0x0  }
0x194: {  	[sflag:s6] =	ssyncadd.s32 $0xFFFFC000  }
0x195: {  	[tilespmem:s10], [sflag:$0x1] =	stream.indirect.gather [hbm4b:s4+s9], $0x20, s15, s9, $0xb8;
	[tilespmem:$0x12000] =	vst v63  }
0x196: {  	_ =	swait.ge [sflag:s14], $0x4000  }
0x197: {  	[sflag:s14] =	ssyncset.done $0x0  }
0x198: {  	[sflag:s14] =	ssyncadd.s32 $0xFFFFC000  }
0x199: {  	[spmem:s2] =	stream.indirect.scatter.add.f32 [tilespmem:s11], [sflag:$0x3], $0x20, s16, s9, $0xb8;
	[tilespmem:$0x12000] =	vst v63  }
0x19a: {  	_ =	swait.ge [sflag:s6], $0x4000  }
0x19b: {  	[sflag:s6] =	ssyncset.done $0x0  }
0x19c: {  	[sflag:s6] =	ssyncadd.s32 $0xFFFFC000  }
0x19d: {  	[tilespmem:s11], [sflag:$0x2] =	stream.indirect.gather [hbm4b:s4+s9], $0x20, s17, s9, $0xb8;
	[tilespmem:$0x12000] =	vst v63  }
0x19e: {  	_ =	swait.ge [sflag:s12], $0x4000  }
0x19f: {  	[sflag:s12] =	ssyncset.done $0x0  }
0x1a0: {  	[sflag:s12] =	ssyncadd.s32 $0xFFFFC000  }
0x1a1: {  	[spmem:s2] =	stream.indirect.scatter.add.f32 [tilespmem:s10], [sflag:$0x3], $0x20, s18, s9, $0xb8;
	[tilespmem:$0x12000] =	vst v63  }
0x1a2: {  	_ =	swait.ge [sflag:s6], $0x4000  }
0x1a3: {  	[sflag:s6] =	ssyncset.done $0x0  }
0x1a4: {  	[sflag:s6] =	ssyncadd.s32 $0xFFFFC000  }
0x1a5: {  	[tilespmem:s10], [sflag:$0x1] =	stream.indirect.gather [hbm4b:s4+s9], $0x20, s19, s9, $0xb8;
	[tilespmem:$0x12000] =	vst v63  }
0x1a6: {  	_ =	swait.ge [sflag:s14], $0x4000  }
0x1a7: {  	[sflag:s14] =	ssyncset.done $0x0  }
0x1a8: {  	[sflag:s14] =	ssyncadd.s32 $0xFFFFC000  }
0x1a9: {  	[spmem:s2] =	stream.indirect.scatter.add.f32 [tilespmem:s11], [sflag:$0x3], $0x20, s20, s9, $0xb8;
	[tilespmem:$0x12000] =	vst v63  }
0x1aa: {  	_ =	swait.ge [sflag:s6], $0x4000  }
0x1ab: {  	[sflag:s6] =	ssyncset.done $0x0  }
0x1ac: {  	[sflag:s6] =	ssyncadd.s32 $0xFFFFC000  }
0x1ad: {  	[tilespmem:s11], [sflag:$0x2] =	stream.indirect.gather [hbm4b:s4+s9], $0x20, s21, s9, $0xb8;
	[tilespmem:$0x12000] =	vst v63  }
0x1ae: {  	_ =	swait.ge [sflag:s12], $0x4000  }
0x1af: {  	[sflag:s12] =	ssyncset.done $0x0  }
0x1b0: {  	[sflag:s12] =	ssyncadd.s32 $0xFFFFC000  }
0x1b1: {  	[spmem:s2] =	stream.indirect.scatter.add.f32 [tilespmem:s10], [sflag:$0x3], $0x20, s22, s9, $0xb8;
	[tilespmem:$0x12000] =	vst v63  }
0x1b2: {  	_ =	swait.ge [sflag:s6], $0x4000  }
0x1b3: {  	[sflag:s6] =	ssyncset.done $0x0  }
0x1b4: {  	[sflag:s6] =	ssyncadd.s32 $0xFFFFC000  }
0x1b5: {  	[tilespmem:s10], [sflag:$0x1] =	stream.indirect.gather [hbm4b:s4+s9], $0x20, s23, s9, $0xb8;
	[tilespmem:$0x12000] =	vst v63  }
0x1b6: {  	_ =	swait.ge [sflag:s14], $0x4000  }
0x1b7: {  	[sflag:s14] =	ssyncset.done $0x0  }
0x1b8: {  	[sflag:s14] =	ssyncadd.s32 $0xFFFFC000  }
0x1b9: {  	[spmem:s2] =	stream.indirect.scatter.add.f32 [tilespmem:s11], [sflag:$0x3], $0x20, s24, s9, $0xb8;
	[tilespmem:$0x12000] =	vst v63  }
0x1ba: {  	_ =	swait.ge [sflag:s6], $0x4000  }
0x1bb: {  	[sflag:s6] =	ssyncset.done $0x0  }
0x1bc: {  	[sflag:s6] =	ssyncadd.s32 $0xFFFFC000  }
0x1bd: {  	[tilespmem:s11], [sflag:$0x2] =	stream.indirect.gather [hbm4b:s4+s9], $0x20, s25, s9, $0xb8;
	[tilespmem:$0x12000] =	vst v63  }
0x1be: {  	_ =	swait.ge [sflag:s12], $0x4000  }
0x1bf: {  	[sflag:s12] =	ssyncset.done $0x0  }
0x1c0: {  	[sflag:s12] =	ssyncadd.s32 $0xFFFFC000  }
0x1c1: {  	[spmem:s2] =	stream.indirect.scatter.add.f32 [tilespmem:s10], [sflag:$0x3], $0x20, s26, s9, $0xb8;
	[tilespmem:$0x12000] =	vst v63  }
0x1c2: {  	_ =	swait.ge [sflag:s6], $0x4000  }
0x1c3: {  	[sflag:s6] =	ssyncset.done $0x0  }
0x1c4: {  	[sflag:s6] =	ssyncadd.s32 $0xFFFFC000  }
0x1c5: {  	[tilespmem:s10], [sflag:$0x1] =	stream.indirect.gather [hbm4b:s4+s9], $0x20, s28, s9, $0xb8;
	[tilespmem:$0x12000] =	vst v63  }
0x1c6: {  	_ =	swait.ge [sflag:s14], $0x4000  }
0x1c7: {  	[sflag:s14] =	ssyncset.done $0x0  }
0x1c8: {  	[sflag:s14] =	ssyncadd.s32 $0xFFFFC000  }
0x1c9: {  	[spmem:s2] =	stream.indirect.scatter.add.f32 [tilespmem:s11], [sflag:$0x3], $0x20, s29, s9, $0xb8;
	[tilespmem:$0x12000] =	vst v63  }
0x1ca: {  	_ =	swait.ge [sflag:s6], $0x4000  }
0x1cb: {  	[sflag:s6] =	ssyncset.done $0x0  }
0x1cc: {  	[sflag:s6] =	ssyncadd.s32 $0xFFFFC000  }
0x1cd: {  	[tilespmem:s11], [sflag:$0x2] =	stream.indirect.gather [hbm4b:s4+s9], $0x20, s30, s9, $0xb8;
	[tilespmem:$0x12000] =	vst v63  }
0x1ce: {  	_ =	swait.ge [sflag:s12], $0x4000  }
0x1cf: {  	[sflag:s12] =	ssyncset.done $0x0  }
0x1d0: {  	[sflag:s12] =	ssyncadd.s32 $0xFFFFC000  }
0x1d1: {  	[spmem:s2] =	stream.indirect.scatter.add.f32 [tilespmem:s10], [sflag:$0x3], $0x20, s31, s9, $0xb8;
	[tilespmem:$0x12000] =	vst v63  }
0x1d2: {  	_ =	swait.ge [sflag:s6], $0x4000  }
0x1d3: {  	[sflag:s6] =	ssyncset.done $0x0  }
0x1d4: {  	s5 =	simm.s32 $0x1400;
	[sflag:s6] =	ssyncadd.s32 $0xFFFFC000  }
0x1d5: {  	[tilespmem:s10], [sflag:$0x1] =	stream.indirect.gather [hbm4b:s4+s9], $0x20, s5, s9, $0xb8;
	[tilespmem:$0x12000] =	vst v63  }
0x1d6: {  	_ =	swait.ge [sflag:s14], $0x4000  }
0x1d7: {  	[sflag:s14] =	ssyncset.done $0x0  }
0x1d8: {  	s5 =	simm.s32 $0x3A00;
	[sflag:s14] =	ssyncadd.s32 $0xFFFFC000  }
0x1d9: {  	[spmem:s2] =	stream.indirect.scatter.add.f32 [tilespmem:s11], [sflag:$0x3], $0x20, s5, s9, $0xb8;
	[tilespmem:$0x12000] =	vst v63  }
0x1da: {  	_ =	swait.ge [sflag:s6], $0x4000  }
0x1db: {  	[sflag:s6] =	ssyncset.done $0x0  }
0x1dc: {  	s13 =	simm.s32 $0x1600;
	[sflag:s6] =	ssyncadd.s32 $0xFFFFC000  }
0x1dd: {  	[tilespmem:s11], [sflag:$0x2] =	stream.indirect.gather [hbm4b:s4+s9], $0x20, s13, s9, $0xb8;
	[tilespmem:$0x12000] =	vst v63  }
0x1de: {  	_ =	swait.ge [sflag:s12], $0x4000  }
0x1df: {  	[sflag:s12] =	ssyncset.done $0x0  }
0x1e0: {  	s13 =	simm.s32 $0x3C00;
	[sflag:s12] =	ssyncadd.s32 $0xFFFFC000  }
0x1e1: {  	[spmem:s2] =	stream.indirect.scatter.add.f32 [tilespmem:s10], [sflag:$0x3], $0x20, s13, s9, $0xb8;
	[tilespmem:$0x12000] =	vst v63  }
0x1e2: {  	_ =	swait.ge [sflag:s6], $0x4000  }
0x1e3: {  	[sflag:s6] =	ssyncset.done $0x0  }
0x1e4: {  	s13 =	simm.s32 $0x1800;
	[sflag:s6] =	ssyncadd.s32 $0xFFFFC000  }
0x1e5: {  	[tilespmem:s10], [sflag:$0x1] =	stream.indirect.gather [hbm4b:s4+s9], $0x20, s13, s9, $0xb8;
	[tilespmem:$0x12000] =	vst v63  }
0x1e6: {  	_ =	swait.ge [sflag:s14], $0x4000  }
0x1e7: {  	[sflag:s14] =	ssyncset.done $0x0  }
0x1e8: {  	s13 =	simm.s32 $0x3E00;
	[sflag:s14] =	ssyncadd.s32 $0xFFFFC000  }
0x1e9: {  	[spmem:s2] =	stream.indirect.scatter.add.f32 [tilespmem:s11], [sflag:$0x3], $0x20, s13, s9, $0xb8;
	[tilespmem:$0x12000] =	vst v63  }
0x1ea: {  	_ =	swait.ge [sflag:s6], $0x4000  }
0x1eb: {  	[sflag:s6] =	ssyncset.done $0x0  }
0x1ec: {  	s13 =	simm.s32 $0x1A00;
	[sflag:s6] =	ssyncadd.s32 $0xFFFFC000  }
0x1ed: {  	[tilespmem:s11], [sflag:$0x2] =	stream.indirect.gather [hbm4b:s4+s9], $0x20, s13, s9, $0xb8;
	[tilespmem:$0x12000] =	vst v63  }
0x1ee: {  	_ =	swait.ge [sflag:s12], $0x4000  }
0x1ef: {  	[sflag:s12] =	ssyncset.done $0x0  }
0x1f0: {  	s13 =	simm.s32 $0x4000;
	[sflag:s12] =	ssyncadd.s32 $0xFFFFC000  }
0x1f1: {  	[spmem:s2] =	stream.indirect.scatter.add.f32 [tilespmem:s10], [sflag:$0x3], $0x20, s13, s9, $0xb8;
	[tilespmem:$0x12000] =	vst v63  }
0x1f2: {  	_ =	swait.ge [sflag:s6], $0x4000  }
0x1f3: {  	[sflag:s6] =	ssyncset.done $0x0  }
0x1f4: {  	s13 =	simm.s32 $0x1C00;
	[sflag:s6] =	ssyncadd.s32 $0xFFFFC000  }
0x1f5: {  	[tilespmem:s10], [sflag:$0x1] =	stream.indirect.gather [hbm4b:s4+s9], $0x20, s13, s9, $0xb8;
	[tilespmem:$0x12000] =	vst v63  }
0x1f6: {  	_ =	swait.ge [sflag:s14], $0x4000  }
0x1f7: {  	[sflag:s14] =	ssyncset.done $0x0  }
0x1f8: {  	s13 =	simm.s32 $0x4200;
	[sflag:s14] =	ssyncadd.s32 $0xFFFFC000  }
0x1f9: {  	[spmem:s2] =	stream.indirect.scatter.add.f32 [tilespmem:s11], [sflag:$0x3], $0x20, s13, s9, $0xb8;
	[tilespmem:$0x12000] =	vst v63  }
0x1fa: {  	_ =	swait.ge [sflag:s6], $0x4000  }
0x1fb: {  	[sflag:s6] =	ssyncset.done $0x0  }
0x1fc: {  	s13 =	simm.s32 $0x1E00;
	[sflag:s6] =	ssyncadd.s32 $0xFFFFC000  }
0x1fd: {  	[tilespmem:s11], [sflag:$0x2] =	stream.indirect.gather [hbm4b:s4+s9], $0x20, s13, s9, $0xb8;
	[tilespmem:$0x12000] =	vst v63  }
0x1fe: {  	_ =	swait.ge [sflag:s12], $0x4000  }
0x1ff: {  	[sflag:s12] =	ssyncset.done $0x0  }
0x200: {  	s13 =	simm.s32 $0x4400;
	[sflag:s12] =	ssyncadd.s32 $0xFFFFC000  }
0x201: {  	[spmem:s2] =	stream.indirect.scatter.add.f32 [tilespmem:s10], [sflag:$0x3], $0x20, s13, s9, $0xb8;
	[tilespmem:$0x12000] =	vst v63  }
0x202: {  	_ =	swait.ge [sflag:s6], $0x4000  }
0x203: {  	[sflag:s6] =	ssyncset.done $0x0  }
0x204: {  	s13 =	simm.s32 $0x2000;
	[sflag:s6] =	ssyncadd.s32 $0xFFFFC000  }
0x205: {  	[tilespmem:s10], [sflag:$0x1] =	stream.indirect.gather [hbm4b:s4+s9], $0x20, s13, s9, $0xb8;
	[tilespmem:$0x12000] =	vst v63  }
0x206: {  	_ =	swait.ge [sflag:s14], $0x4000  }
0x207: {  	[sflag:s14] =	ssyncset.done $0x0  }
0x208: {  	s13 =	simm.s32 $0x4600;
	[sflag:s14] =	ssyncadd.s32 $0xFFFFC000  }
0x209: {  	[spmem:s2] =	stream.indirect.scatter.add.f32 [tilespmem:s11], [sflag:$0x3], $0x20, s13, s9, $0xb8;
	[tilespmem:$0x12000] =	vst v63  }
0x20a: {  	_ =	swait.ge [sflag:s6], $0x4000  }
0x20b: {  	[sflag:s6] =	ssyncset.done $0x0  }
0x20c: {  	s13 =	simm.s32 $0x2200;
	[sflag:s6] =	ssyncadd.s32 $0xFFFFC000  }
0x20d: {  	[tilespmem:s11], [sflag:$0x2] =	stream.indirect.gather [hbm4b:s4+s9], $0x20, s13, s9, $0xb8;
	[tilespmem:$0x12000] =	vst v63  }
0x20e: {  	_ =	swait.ge [sflag:s12], $0x4000  }
0x20f: {  	[sflag:s12] =	ssyncset.done $0x0  }
0x210: {  	s13 =	simm.s32 $0x4800;
	[sflag:s12] =	ssyncadd.s32 $0xFFFFC000  }
0x211: {  	[spmem:s2] =	stream.indirect.scatter.add.f32 [tilespmem:s10], [sflag:$0x3], $0x20, s13, s9, $0xb8;
	[tilespmem:$0x12000] =	vst v63  }
0x212: {  	_ =	swait.ge [sflag:s6], $0x4000  }
0x213: {  	[sflag:s6] =	ssyncset.done $0x0  }
0x214: {  	s13 =	simm.s32 $0x2400;
	[sflag:s6] =	ssyncadd.s32 $0xFFFFC000  }
0x215: {  	[tilespmem:s10], [sflag:$0x1] =	stream.indirect.gather [hbm4b:s4+s9], $0x20, s13, s9, $0xb8;
	[tilespmem:$0x12000] =	vst v63  }
0x216: {  	_ =	swait.ge [sflag:s14], $0x4000  }
0x217: {  	[sflag:s14] =	ssyncset.done $0x0  }
0x218: {  	s13 =	simm.s32 $0x4A00;
	[sflag:s14] =	ssyncadd.s32 $0xFFFFC000  }
0x219: {  	[spmem:s2] =	stream.indirect.scatter.add.f32 [tilespmem:s11], [sflag:$0x3], $0x20, s13, s9, $0xb8;
	[tilespmem:$0x12000] =	vst v63  }
0x21a: {  	_ =	swait.ge [sflag:s6], $0x4000  }
0x21b: {  	[sflag:s6] =	ssyncset.done $0x0  }
0x21c: {  	s13 =	simm.s32 $0x2600;
	[sflag:s6] =	ssyncadd.s32 $0xFFFFC000  }
0x21d: {  	[tilespmem:s11], [sflag:$0x2] =	stream.indirect.gather [hbm4b:s4+s9], $0x20, s13, s9, $0xb8;
	[tilespmem:$0x12000] =	vst v63  }
0x21e: {  	_ =	swait.ge [sflag:s12], $0x4000  }
0x21f: {  	[sflag:s12] =	ssyncset.done $0x0  }
0x220: {  	s13 =	simm.s32 $0x4C00;
	[sflag:s12] =	ssyncadd.s32 $0xFFFFC000  }
0x221: {  	[spmem:s2] =	stream.indirect.scatter.add.f32 [tilespmem:s10], [sflag:$0x3], $0x20, s13, s9, $0xb8;
	[tilespmem:$0x12000] =	vst v63  }
0x222: {  	_ =	swait.ge [sflag:s6], $0x4000  }
0x223: {  	[sflag:s6] =	ssyncset.done $0x0  }
0x224: {  	[sflag:s6] =	ssyncadd.s32 $0xFFFFC000  }
0x225: {  	_ =	swait.ge [sflag:s14], $0x4000  }
0x226: {  	[sflag:s14] =	ssyncset.done $0x0  }
0x227: {  	s13 =	simm.s32 $0x4E00;
	[sflag:s14] =	ssyncadd.s32 $0xFFFFC000  }
0x228: {  	[spmem:s2] =	stream.indirect.scatter.add.f32 [tilespmem:s11], [sflag:$0x3], $0x20, s13, s9, $0xb8;
	[tilespmem:$0x12000] =	vst v63  }
0x229: {  	_ =	swait.ge [sflag:s6], $0x4000  }
0x22a: {  	[sflag:s6] =	ssyncset.done $0x0  }
0x22b: {  	s13 =	rddreg [dreg:$0x7];
	[sflag:s6] =	ssyncadd.s32 $0xFFFFC000  }
0x22c: {  	[tilespmem:s0], [sflag:$0x3] =	stream.linear.gather [hbm4b:s13+s0], $0x2800, $0x38;
	[tilespmem:$0x12000] =	vst v63  }
0x22d: {  	_ =	swait.ge [sflag:s6], $0x2800  }
0x22e: {  	[sflag:s6] =	ssyncset.done $0x0  }
0x22f: {  	s13 =	rddreg [dreg:$0x8];
	[sflag:s6] =	ssyncadd.s32 $0xFFFFD800  }
0x230: {  	[tilespmem:s3], [sflag:$0x3] =	stream.linear.gather [hbm4b:s13+s0], $0x2800, $0x38;
	[tilespmem:$0x12000] =	vst v63  }
0x231: {  	_ =	swait.ge [sflag:s6], $0x2800  }
0x232: {  	[sflag:s6] =	ssyncset.done $0x0  }
0x233: {  	[sflag:s6] =	ssyncadd.s32 $0xFFFFD800  }
0x234: {  	[tilespmem:s10], [sflag:$0x1] =	stream.indirect.gather [hbm4b:s4+s9], $0x20, s0, s9, $0xb8;
	[tilespmem:$0x12000] =	vst v63  }
0x235: {  	_ = 	snop  }
0x236: {  	[tilespmem:s11], [sflag:$0x2] =	stream.indirect.gather [hbm4b:s4+s9], $0x20, s9, s9, $0xb8;
	[tilespmem:$0x12000] =	vst v63  }
0x237: {  	_ =	swait.ge [sflag:s12], $0x4000  }
0x238: {  	[sflag:s12] =	ssyncset.done $0x0  }
0x239: {  	[sflag:s12] =	ssyncadd.s32 $0xFFFFC000  }
0x23a: {  	[spmem:s2] =	stream.indirect.scatter.add.f32 [tilespmem:s10], [sflag:$0x3], $0x20, s3, s9, $0xb8;
	[tilespmem:$0x12000] =	vst v63  }
0x23b: {  	_ =	swait.ge [sflag:s6], $0x4000  }
0x23c: {  	[sflag:s6] =	ssyncset.done $0x0  }
0x23d: {  	[sflag:s6] =	ssyncadd.s32 $0xFFFFC000  }
0x23e: {  	[tilespmem:s10], [sflag:$0x1] =	stream.indirect.gather [hbm4b:s4+s9], $0x20, s15, s9, $0xb8;
	[tilespmem:$0x12000] =	vst v63  }
0x23f: {  	_ =	swait.ge [sflag:s14], $0x4000  }
0x240: {  	[sflag:s14] =	ssyncset.done $0x0  }
0x241: {  	[sflag:s14] =	ssyncadd.s32 $0xFFFFC000  }
0x242: {  	[spmem:s2] =	stream.indirect.scatter.add.f32 [tilespmem:s11], [sflag:$0x3], $0x20, s16, s9, $0xb8;
	[tilespmem:$0x12000] =	vst v63  }
0x243: {  	_ =	swait.ge [sflag:s6], $0x4000  }
0x244: {  	[sflag:s6] =	ssyncset.done $0x0  }
0x245: {  	[sflag:s6] =	ssyncadd.s32 $0xFFFFC000  }
0x246: {  	[tilespmem:s11], [sflag:$0x2] =	stream.indirect.gather [hbm4b:s4+s9], $0x20, s17, s9, $0xb8;
	[tilespmem:$0x12000] =	vst v63  }
0x247: {  	_ =	swait.ge [sflag:s12], $0x4000  }
0x248: {  	[sflag:s12] =	ssyncset.done $0x0  }
0x249: {  	[sflag:s12] =	ssyncadd.s32 $0xFFFFC000  }
0x24a: {  	[spmem:s2] =	stream.indirect.scatter.add.f32 [tilespmem:s10], [sflag:$0x3], $0x20, s18, s9, $0xb8;
	[tilespmem:$0x12000] =	vst v63  }
0x24b: {  	_ =	swait.ge [sflag:s6], $0x4000  }
0x24c: {  	[sflag:s6] =	ssyncset.done $0x0  }
0x24d: {  	[sflag:s6] =	ssyncadd.s32 $0xFFFFC000  }
0x24e: {  	[tilespmem:s10], [sflag:$0x1] =	stream.indirect.gather [hbm4b:s4+s9], $0x20, s19, s9, $0xb8;
	[tilespmem:$0x12000] =	vst v63  }
0x24f: {  	_ =	swait.ge [sflag:s14], $0x4000  }
0x250: {  	[sflag:s14] =	ssyncset.done $0x0  }
0x251: {  	[sflag:s14] =	ssyncadd.s32 $0xFFFFC000  }
0x252: {  	[spmem:s2] =	stream.indirect.scatter.add.f32 [tilespmem:s11], [sflag:$0x3], $0x20, s20, s9, $0xb8;
	[tilespmem:$0x12000] =	vst v63  }
0x253: {  	_ =	swait.ge [sflag:s6], $0x4000  }
0x254: {  	[sflag:s6] =	ssyncset.done $0x0  }
0x255: {  	[sflag:s6] =	ssyncadd.s32 $0xFFFFC000  }
0x256: {  	[tilespmem:s11], [sflag:$0x2] =	stream.indirect.gather [hbm4b:s4+s9], $0x20, s21, s9, $0xb8;
	[tilespmem:$0x12000] =	vst v63  }
0x257: {  	_ =	swait.ge [sflag:s12], $0x4000  }
0x258: {  	[sflag:s12] =	ssyncset.done $0x0  }
0x259: {  	[sflag:s12] =	ssyncadd.s32 $0xFFFFC000  }
0x25a: {  	[spmem:s2] =	stream.indirect.scatter.add.f32 [tilespmem:s10], [sflag:$0x3], $0x20, s22, s9, $0xb8;
	[tilespmem:$0x12000] =	vst v63  }
0x25b: {  	_ =	swait.ge [sflag:s6], $0x4000  }
0x25c: {  	[sflag:s6] =	ssyncset.done $0x0  }
0x25d: {  	[sflag:s6] =	ssyncadd.s32 $0xFFFFC000  }
0x25e: {  	[tilespmem:s10], [sflag:$0x1] =	stream.indirect.gather [hbm4b:s4+s9], $0x20, s23, s9, $0xb8;
	[tilespmem:$0x12000] =	vst v63  }
0x25f: {  	_ =	swait.ge [sflag:s14], $0x4000  }
0x260: {  	[sflag:s14] =	ssyncset.done $0x0  }
0x261: {  	[sflag:s14] =	ssyncadd.s32 $0xFFFFC000  }
0x262: {  	[spmem:s2] =	stream.indirect.scatter.add.f32 [tilespmem:s11], [sflag:$0x3], $0x20, s24, s9, $0xb8;
	[tilespmem:$0x12000] =	vst v63  }
0x263: {  	_ =	swait.ge [sflag:s6], $0x4000  }
0x264: {  	[sflag:s6] =	ssyncset.done $0x0  }
0x265: {  	[sflag:s6] =	ssyncadd.s32 $0xFFFFC000  }
0x266: {  	[tilespmem:s11], [sflag:$0x2] =	stream.indirect.gather [hbm4b:s4+s9], $0x20, s25, s9, $0xb8;
	[tilespmem:$0x12000] =	vst v63  }
0x267: {  	_ =	swait.ge [sflag:s12], $0x4000  }
0x268: {  	[sflag:s12] =	ssyncset.done $0x0  }
0x269: {  	[sflag:s12] =	ssyncadd.s32 $0xFFFFC000  }
0x26a: {  	[spmem:s2] =	stream.indirect.scatter.add.f32 [tilespmem:s10], [sflag:$0x3], $0x20, s26, s9, $0xb8;
	[tilespmem:$0x12000] =	vst v63  }
0x26b: {  	_ =	swait.ge [sflag:s6], $0x4000  }
0x26c: {  	[sflag:s6] =	ssyncset.done $0x0  }
0x26d: {  	[sflag:s6] =	ssyncadd.s32 $0xFFFFC000  }
0x26e: {  	[tilespmem:s10], [sflag:$0x1] =	stream.indirect.gather [hbm4b:s4+s9], $0x20, s28, s9, $0xb8;
	[tilespmem:$0x12000] =	vst v63  }
0x26f: {  	_ =	swait.ge [sflag:s14], $0x4000  }
0x270: {  	[sflag:s14] =	ssyncset.done $0x0  }
0x271: {  	[sflag:s14] =	ssyncadd.s32 $0xFFFFC000  }
0x272: {  	[spmem:s2] =	stream.indirect.scatter.add.f32 [tilespmem:s11], [sflag:$0x3], $0x20, s29, s9, $0xb8;
	[tilespmem:$0x12000] =	vst v63  }
0x273: {  	_ =	swait.ge [sflag:s6], $0x4000  }
0x274: {  	[sflag:s6] =	ssyncset.done $0x0  }
0x275: {  	[sflag:s6] =	ssyncadd.s32 $0xFFFFC000  }
0x276: {  	[tilespmem:s11], [sflag:$0x2] =	stream.indirect.gather [hbm4b:s4+s9], $0x20, s30, s9, $0xb8;
	[tilespmem:$0x12000] =	vst v63  }
0x277: {  	_ =	swait.ge [sflag:s12], $0x4000  }
0x278: {  	[sflag:s12] =	ssyncset.done $0x0  }
0x279: {  	[sflag:s12] =	ssyncadd.s32 $0xFFFFC000  }
0x27a: {  	[spmem:s2] =	stream.indirect.scatter.add.f32 [tilespmem:s10], [sflag:$0x3], $0x20, s31, s9, $0xb8;
	[tilespmem:$0x12000] =	vst v63  }
0x27b: {  	_ =	swait.ge [sflag:s6], $0x4000  }
0x27c: {  	[sflag:s6] =	ssyncset.done $0x0  }
0x27d: {  	s13 =	simm.s32 $0x1400;
	[sflag:s6] =	ssyncadd.s32 $0xFFFFC000  }
0x27e: {  	[tilespmem:s10], [sflag:$0x1] =	stream.indirect.gather [hbm4b:s4+s9], $0x20, s13, s9, $0xb8;
	[tilespmem:$0x12000] =	vst v63  }
0x27f: {  	_ =	swait.ge [sflag:s14], $0x4000  }
0x280: {  	[sflag:s14] =	ssyncset.done $0x0  }
0x281: {  	[sflag:s14] =	ssyncadd.s32 $0xFFFFC000  }
0x282: {  	[spmem:s2] =	stream.indirect.scatter.add.f32 [tilespmem:s11], [sflag:$0x3], $0x20, s5, s9, $0xb8;
	[tilespmem:$0x12000] =	vst v63  }
0x283: {  	_ =	swait.ge [sflag:s6], $0x4000  }
0x284: {  	[sflag:s6] =	ssyncset.done $0x0  }
0x285: {  	s13 =	simm.s32 $0x1600;
	[sflag:s6] =	ssyncadd.s32 $0xFFFFC000  }
0x286: {  	[tilespmem:s11], [sflag:$0x2] =	stream.indirect.gather [hbm4b:s4+s9], $0x20, s13, s9, $0xb8;
	[tilespmem:$0x12000] =	vst v63  }
0x287: {  	_ =	swait.ge [sflag:s12], $0x4000  }
0x288: {  	[sflag:s12] =	ssyncset.done $0x0  }
0x289: {  	s5 =	simm.s32 $0x3C00;
	[sflag:s12] =	ssyncadd.s32 $0xFFFFC000  }
0x28a: {  	[spmem:s2] =	stream.indirect.scatter.add.f32 [tilespmem:s10], [sflag:$0x3], $0x20, s5, s9, $0xb8;
	[tilespmem:$0x12000] =	vst v63  }
0x28b: {  	_ =	swait.ge [sflag:s6], $0x4000  }
0x28c: {  	[sflag:s6] =	ssyncset.done $0x0  }
0x28d: {  	s13 =	simm.s32 $0x1800;
	[sflag:s6] =	ssyncadd.s32 $0xFFFFC000  }
0x28e: {  	[tilespmem:s10], [sflag:$0x1] =	stream.indirect.gather [hbm4b:s4+s9], $0x20, s13, s9, $0xb8;
	[tilespmem:$0x12000] =	vst v63  }
0x28f: {  	_ =	swait.ge [sflag:s14], $0x4000  }
0x290: {  	[sflag:s14] =	ssyncset.done $0x0  }
0x291: {  	s5 =	simm.s32 $0x3E00;
	[sflag:s14] =	ssyncadd.s32 $0xFFFFC000  }
0x292: {  	[spmem:s2] =	stream.indirect.scatter.add.f32 [tilespmem:s11], [sflag:$0x3], $0x20, s5, s9, $0xb8;
	[tilespmem:$0x12000] =	vst v63  }
0x293: {  	_ =	swait.ge [sflag:s6], $0x4000  }
0x294: {  	[sflag:s6] =	ssyncset.done $0x0  }
0x295: {  	s13 =	simm.s32 $0x1A00;
	[sflag:s6] =	ssyncadd.s32 $0xFFFFC000  }
0x296: {  	[tilespmem:s11], [sflag:$0x2] =	stream.indirect.gather [hbm4b:s4+s9], $0x20, s13, s9, $0xb8;
	[tilespmem:$0x12000] =	vst v63  }
0x297: {  	_ =	swait.ge [sflag:s12], $0x4000  }
0x298: {  	[sflag:s12] =	ssyncset.done $0x0  }
0x299: {  	s5 =	simm.s32 $0x4000;
	[sflag:s12] =	ssyncadd.s32 $0xFFFFC000  }
0x29a: {  	[spmem:s2] =	stream.indirect.scatter.add.f32 [tilespmem:s10], [sflag:$0x3], $0x20, s5, s9, $0xb8;
	[tilespmem:$0x12000] =	vst v63  }
0x29b: {  	_ =	swait.ge [sflag:s6], $0x4000  }
0x29c: {  	[sflag:s6] =	ssyncset.done $0x0  }
0x29d: {  	s13 =	simm.s32 $0x1C00;
	[sflag:s6] =	ssyncadd.s32 $0xFFFFC000  }
0x29e: {  	[tilespmem:s10], [sflag:$0x1] =	stream.indirect.gather [hbm4b:s4+s9], $0x20, s13, s9, $0xb8;
	[tilespmem:$0x12000] =	vst v63  }
0x29f: {  	_ =	swait.ge [sflag:s14], $0x4000  }
0x2a0: {  	[sflag:s14] =	ssyncset.done $0x0  }
0x2a1: {  	s5 =	simm.s32 $0x4200;
	[sflag:s14] =	ssyncadd.s32 $0xFFFFC000  }
0x2a2: {  	[spmem:s2] =	stream.indirect.scatter.add.f32 [tilespmem:s11], [sflag:$0x3], $0x20, s5, s9, $0xb8;
	[tilespmem:$0x12000] =	vst v63  }
0x2a3: {  	_ =	swait.ge [sflag:s6], $0x4000  }
0x2a4: {  	[sflag:s6] =	ssyncset.done $0x0  }
0x2a5: {  	s13 =	simm.s32 $0x1E00;
	[sflag:s6] =	ssyncadd.s32 $0xFFFFC000  }
0x2a6: {  	[tilespmem:s11], [sflag:$0x2] =	stream.indirect.gather [hbm4b:s4+s9], $0x20, s13, s9, $0xb8;
	[tilespmem:$0x12000] =	vst v63  }
0x2a7: {  	_ =	swait.ge [sflag:s12], $0x4000  }
0x2a8: {  	[sflag:s12] =	ssyncset.done $0x0  }
0x2a9: {  	s5 =	simm.s32 $0x4400;
	[sflag:s12] =	ssyncadd.s32 $0xFFFFC000  }
0x2aa: {  	[spmem:s2] =	stream.indirect.scatter.add.f32 [tilespmem:s10], [sflag:$0x3], $0x20, s5, s9, $0xb8;
	[tilespmem:$0x12000] =	vst v63  }
0x2ab: {  	_ =	swait.ge [sflag:s6], $0x4000  }
0x2ac: {  	[sflag:s6] =	ssyncset.done $0x0  }
0x2ad: {  	s13 =	simm.s32 $0x2000;
	[sflag:s6] =	ssyncadd.s32 $0xFFFFC000  }
0x2ae: {  	[tilespmem:s10], [sflag:$0x1] =	stream.indirect.gather [hbm4b:s4+s9], $0x20, s13, s9, $0xb8;
	[tilespmem:$0x12000] =	vst v63  }
0x2af: {  	_ =	swait.ge [sflag:s14], $0x4000  }
0x2b0: {  	[sflag:s14] =	ssyncset.done $0x0  }
0x2b1: {  	s5 =	simm.s32 $0x4600;
	[sflag:s14] =	ssyncadd.s32 $0xFFFFC000  }
0x2b2: {  	[spmem:s2] =	stream.indirect.scatter.add.f32 [tilespmem:s11], [sflag:$0x3], $0x20, s5, s9, $0xb8;
	[tilespmem:$0x12000] =	vst v63  }
0x2b3: {  	_ =	swait.ge [sflag:s6], $0x4000  }
0x2b4: {  	[sflag:s6] =	ssyncset.done $0x0  }
0x2b5: {  	s13 =	simm.s32 $0x2200;
	[sflag:s6] =	ssyncadd.s32 $0xFFFFC000  }
0x2b6: {  	[tilespmem:s11], [sflag:$0x2] =	stream.indirect.gather [hbm4b:s4+s9], $0x20, s13, s9, $0xb8;
	[tilespmem:$0x12000] =	vst v63  }
0x2b7: {  	_ =	swait.ge [sflag:s12], $0x4000  }
0x2b8: {  	[sflag:s12] =	ssyncset.done $0x0  }
0x2b9: {  	s5 =	simm.s32 $0x4800;
	[sflag:s12] =	ssyncadd.s32 $0xFFFFC000  }
0x2ba: {  	[spmem:s2] =	stream.indirect.scatter.add.f32 [tilespmem:s10], [sflag:$0x3], $0x20, s5, s9, $0xb8;
	[tilespmem:$0x12000] =	vst v63  }
0x2bb: {  	_ =	swait.ge [sflag:s6], $0x4000  }
0x2bc: {  	[sflag:s6] =	ssyncset.done $0x0  }
0x2bd: {  	s13 =	simm.s32 $0x2400;
	[sflag:s6] =	ssyncadd.s32 $0xFFFFC000  }
0x2be: {  	[tilespmem:s10], [sflag:$0x1] =	stream.indirect.gather [hbm4b:s4+s9], $0x20, s13, s9, $0xb8;
	[tilespmem:$0x12000] =	vst v63  }
0x2bf: {  	_ =	swait.ge [sflag:s14], $0x4000  }
0x2c0: {  	[sflag:s14] =	ssyncset.done $0x0  }
0x2c1: {  	s5 =	simm.s32 $0x4A00;
	[sflag:s14] =	ssyncadd.s32 $0xFFFFC000  }
0x2c2: {  	[spmem:s2] =	stream.indirect.scatter.add.f32 [tilespmem:s11], [sflag:$0x3], $0x20, s5, s9, $0xb8;
	[tilespmem:$0x12000] =	vst v63  }
0x2c3: {  	_ =	swait.ge [sflag:s6], $0x4000  }
0x2c4: {  	[sflag:s6] =	ssyncset.done $0x0  }
0x2c5: {  	s13 =	simm.s32 $0x2600;
	[sflag:s6] =	ssyncadd.s32 $0xFFFFC000  }
0x2c6: {  	[tilespmem:s11], [sflag:$0x2] =	stream.indirect.gather [hbm4b:s4+s9], $0x20, s13, s9, $0xb8;
	[tilespmem:$0x12000] =	vst v63  }
0x2c7: {  	_ =	swait.ge [sflag:s12], $0x4000  }
0x2c8: {  	[sflag:s12] =	ssyncset.done $0x0  }
0x2c9: {  	s5 =	simm.s32 $0x4C00;
	[sflag:s12] =	ssyncadd.s32 $0xFFFFC000  }
0x2ca: {  	[spmem:s2] =	stream.indirect.scatter.add.f32 [tilespmem:s10], [sflag:$0x3], $0x20, s5, s9, $0xb8;
	[tilespmem:$0x12000] =	vst v63  }
0x2cb: {  	_ =	swait.ge [sflag:s6], $0x4000  }
0x2cc: {  	[sflag:s6] =	ssyncset.done $0x0  }
0x2cd: {  	[sflag:s6] =	ssyncadd.s32 $0xFFFFC000  }
0x2ce: {  	_ =	swait.ge [sflag:s14], $0x4000  }
0x2cf: {  	[sflag:s14] =	ssyncset.done $0x0  }
0x2d0: {  	s13 =	simm.s32 $0x4E00;
	[sflag:s14] =	ssyncadd.s32 $0xFFFFC000  }
0x2d1: {  	[spmem:s2] =	stream.indirect.scatter.add.f32 [tilespmem:s11], [sflag:$0x3], $0x20, s13, s9, $0xb8;
	[tilespmem:$0x12000] =	vst v63  }
0x2d2: {  	_ =	swait.ge [sflag:s6], $0x4000  }
0x2d3: {  	p0 =	sne.s32 s1, $0x1;
	[sflag:s6] =	ssyncset.done $0x0  }
.Ltmp1:
0x2d4: {  	[sflag:s6] =	ssyncadd.s32 $0xFFFFC000;
	(pc) =	sbr.rel @p0 .LBB2_2-.Ltmp1, $4  }
0x2d5: {  	[bflag:$0x0] =	sbarrier.arrive $0xFFFF  }
0x2d6: {  	s5 =	rddreg [dreg:$0x9]  }
0x2d7: {  	[hbm:s5], [sflag:s7] =	dma.local [spmem:s8], $0xA00  }
0x2d8: {  	s1 =	sadd.s32 $0xFFFFFFFF, s1;
	_ =	swait.ge [sflag:s6], $0xA00  }
.LBB2_3:
0x2d9: {  	[sflag:s6] =	ssyncset.done $0x0  }
0x2da: {  	[sflag:s6] =	ssyncadd.s32 $0xFFFFF600  }
0x2db: {  	_ =	sfence.sel $0x180000  }
0x2dc: {  	[bflag:$0x0] =	sbarrier.arrive $0xFFFF  }
0x2dd: {  	_ =	strace $0x9000004D  }
0x2de: {  	s0 =	stileid.u32;
	[bflag:$0x2] =	sbarrier.arrive $0xFFFF  }
0x2df: {  	p0 =	sne.s32 s0, $0x0;
	s0 =	rddreg [dreg:$0x3]  }
0x2e0: {  	s0 =	sadd.s32 @!p0 $0x100000, s0  }
0x2e1: {  	[sflag:s0] =	ssyncadd.tile.s32 @!p0 $0x1;
	_ =	shalt  }
.Lfunc_end2:
_tile_overlayer_lowered:
.L_overlay_start_2:
0x2e2: {  	(tag) =	ssettag $0x2  }
0x2e3: {  	s0 =	rddreg [dreg:$0x0];
	s2 =	stileid.u32  }
0x2e4: {  	s1 =	rddreg [dreg:$0x1];
	p0 =	sne.s32 s2, $0x0  }
0x2e5: {  	s3 =	rddreg [dreg:$0x2];
	[bflag:$0x3] =	sbarrier.arrive $0xFFFF;
	s2 =	simm.s32 @!p0 $0x1C03  }
0x2e6: {  	[timem:s3], [sflag:s2] =	dma.local @!p0 [hbm:s0], s1  }
0x2e7: {  	s0 =	simm.s32 @!p0 $0x3  }
0x2e8: {  	_ =	swait.ge @!p0 [sflag:s0], s1  }
0x2e9: {  	s1 =	ssub.s32 @!p0 $0x0, s1;
	[sflag:s0] =	ssyncset.done @!p0 $0x0  }
0x2ea: {  	[sflag:s0] =	ssyncadd.s32 @!p0 s1  }
0x2eb: {  	[bflag:$0x3] =	sbarrier.arrive $0xFFFF  }
0x2ec: {  	_ =	shalt  }

// kernel: kernel.9.cloned.1.call-start
scs
__scs_entry_jumppad:
0x0: {  	(pc) =	sbr.rel $0x88, $3  }
0x1: {  	(tag) =	ssettag $0x0;
	lr =	simm.s32 $0x1  }
0x2: {  	[smem:$0x3F9B] =	sst lr;
	_ =	strace $0xD0000000  }
0x3: {  	_ = 	snop  }
0x4: {  	_ = 	snop  }
0x5: {  	_ = 	snop  }
0x6: {  	_ = 	snop  }
0x7: {  	_ = 	snop  }
__scs_overlays_trampoline_lowered:
0x8: {  	[smem:$0x3FAA] =	sst s0  }
0x9: {  	[smem:$0x3FAB] =	sst s1  }
0xa: {  	[smem:$0x3FAC] =	sst s2  }
0xb: {  	[smem:$0x3FAD] =	sst s3  }
0xc: {  	[smem:$0x3FAE] =	sst s4  }
0xd: {  	[smem:$0x3FAF] =	sst s5  }
0xe: {  	[smem:$0x3FB0] =	sst s6  }
0xf: {  	[smem:$0x3FB1] =	sst s7  }
0x10: {  	[smem:$0x3FB2] =	sst s8  }
0x11: {  	[smem:$0x3FB3] =	sst s9;
	s0 =	simm.s32 @!p0 $0x0  }
0x12: {  	s1 =	sld [smem:$0x3F99];
	s0 =	simm.s32 @p0 $0x1  }
0x13: {  	[smem:$0x3FB4] =	sst s0;
	s0 =	simm.s32 @!p1 $0x0  }
0x14: {  	s2 =	sld [smem:$0x3F98];
	s0 =	simm.s32 @p1 $0x1  }
0x15: {  	[smem:$0x3FB5] =	sst s0;
	s0 =	simm.s32 @!p2 $0x0  }
0x16: {  	s3 =	sld [smem:$0x3FDB];
	s0 =	simm.s32 @p2 $0x1  }
0x17: {  	s4 =	simm.s32 $0x1BF5;
	[smem:$0x3FB7] =	sst s0  }
0x18: {  	s0 =	sld [smem:$0x3F9A];
	_ =	swait.ge [sflag:s4], $0x0  }
0x19: {  	s7 =	sld [smem:$0x3F9B]  }
0x1a: {  	s8 =	sadd.s32 $0xFFFFE003, lr  }
0x1b: {  	s9 =	sadd.s32 $0xFFFFFEF7, lr;
	s5 =	simm.s32 $0xFFFFFFFF;
	p2 =	slt.u32 s8, $0xFFFFF086  }
0x1c: {  	p1 =	slt.u32 s9, $0xF7A;
	s5 =	simm.s32 @!p2 $0x0  }
0x1d: {  	s5 =	simm.s32 @p1 $0x1;
	p0 =	seq.s32 s7, s2  }
0x1e: {  	s7 =	smul.u32 @!p0 $0xF7A, s2;
	p2 =	seq.s32 @!p0 s5, $0x0  }
0x1f: {  	s9 =	smul.u32 $0xF7A, s1;
	s8 =	simm.s32 @!p0 $0x1BF5;
	p2 =	por !p2, p0  }
0x20: {  	[sflag:s8] =	ssyncset.s32 @!p0 $0xFFFFF086;
	s6 =	sadd.s32 @!p0 s3, s7;
	s7 =	simm.s32 @!p0 $0x108  }
0x21: {  	s3 =	sadd.s32 s3, s9;
	s6 =	sadd.s32 @!p0 $0x88, s6;
	s7 =	simm.s32 @p2 $0x1082  }
0x22: {  	[simem:s7], [sflag:s8] =	dma.local @!p0 [hbm:s6], $0xF7A  }
0x23: {  	s9 =	sor.u32 $0xD0000000, s2;
	s6 =	simm.s32 $0x108;
	_ =	swait.ge @!p0 [sflag:s8], $0x0  }
0x24: {  	s3 =	sadd.s32 $0x88, s3;
	s6 =	simm.s32 @!p1 $0x1082;
	[sflag:s4] =	ssyncset.s32 $0xFFFFF086  }
0x25: {  	[simem:s6], [sflag:s4] =	dma.local [hbm:s3], $0xF7A  }
0x26: {  	[smem:$0x3F9B] =	sst s1;
	(tag) =	ssettag s2;
	_ =	strace s9  }
0x27: {  	s1 =	sld [smem:$0x3FAB]  }
0x28: {  	s2 =	sld [smem:$0x3FAC]  }
0x29: {  	s4 =	sld [smem:$0x3FAE]  }
0x2a: {  	p0 =	seq.s32 s5, $0x0;
	s5 =	sld [smem:$0x3FAF]  }
0x2b: {  	s6 =	sld [smem:$0x3FB0]  }
0x2c: {  	s7 =	sld [smem:$0x3FB1]  }
0x2d: {  	s3 =	simm.s32 $0x108;
	s8 =	sld [smem:$0x3FB2]  }
0x2e: {  	s3 =	simm.s32 @!p0 $0x1082;
	s9 =	sld [smem:$0x3FB3]  }
0x2f: {  	lr =	sadd.s32 s0, s3;
	s0 =	sld [smem:$0x3FAA]  }
0x30: {  	s3 =	sld [smem:$0x3FAD]  }
0x31: {  	[smem:$0x3FB6] =	sst s10  }
0x32: {  	s10 =	sld [smem:$0x3FB4];
	_ =	sdelay $0x3  }
0x33: {  	p0 =	seq.s32 s10, $0x1;
	s10 =	sld [smem:$0x3FB6];
	_ =	sdelay $0x3  }
0x34: {  	[smem:$0x3FB6] =	sst s10  }
0x35: {  	s10 =	sld [smem:$0x3FB5];
	_ =	sdelay $0x3  }
0x36: {  	p1 =	seq.s32 s10, $0x1;
	s10 =	sld [smem:$0x3FB6];
	_ =	sdelay $0x3  }
0x37: {  	[smem:$0x3FB6] =	sst s10  }
0x38: {  	s10 =	sld [smem:$0x3FB7]  }
0x39: {  	_ = 	snop;
	(pc) =	sbr.ind lr, $3  }
0x3a: {  	_ = 	snop  }
0x3b: {  	_ = 	snop  }
0x3c: {  	p2 =	seq.s32 s10, $0x1;
	s10 =	sld [smem:$0x3FB6]  }
0x3d: {  	_ =	shalt  }
0x3e: {  	_ =	shalt  }
0x3f: {  	_ =	shalt  }
0x40: {  	_ =	shalt  }
0x41: {  	_ =	shalt  }
0x42: {  	_ =	shalt  }
0x43: {  	_ =	shalt  }
0x44: {  	_ =	shalt  }
0x45: {  	_ =	shalt  }
0x46: {  	_ =	shalt  }
0x47: {  	_ =	shalt  }
0x48: {  	_ =	shalt  }
0x49: {  	_ =	shalt  }
0x4a: {  	_ =	shalt  }
0x4b: {  	_ =	shalt  }
0x4c: {  	_ =	shalt  }
0x4d: {  	_ =	shalt  }
0x4e: {  	_ =	shalt  }
0x4f: {  	_ =	shalt  }
0x50: {  	_ =	shalt  }
0x51: {  	_ =	shalt  }
0x52: {  	_ =	shalt  }
0x53: {  	_ =	shalt  }
0x54: {  	_ =	shalt  }
0x55: {  	_ =	shalt  }
0x56: {  	_ =	shalt  }
0x57: {  	_ =	shalt  }
0x58: {  	_ =	shalt  }
0x59: {  	_ =	shalt  }
0x5a: {  	_ =	shalt  }
0x5b: {  	_ =	shalt  }
0x5c: {  	_ =	shalt  }
0x5d: {  	_ =	shalt  }
0x5e: {  	_ =	shalt  }
0x5f: {  	_ =	shalt  }
0x60: {  	_ =	shalt  }
0x61: {  	_ =	shalt  }
0x62: {  	_ =	shalt  }
0x63: {  	_ =	shalt  }
0x64: {  	_ =	shalt  }
0x65: {  	_ =	shalt  }
0x66: {  	_ =	shalt  }
0x67: {  	_ =	shalt  }
0x68: {  	_ =	shalt  }
0x69: {  	_ =	shalt  }
0x6a: {  	_ =	shalt  }
0x6b: {  	_ =	shalt  }
0x6c: {  	_ =	shalt  }
0x6d: {  	_ =	shalt  }
0x6e: {  	_ =	shalt  }
0x6f: {  	_ =	shalt  }
0x70: {  	_ =	shalt  }
0x71: {  	_ =	shalt  }
0x72: {  	_ =	shalt  }
0x73: {  	_ =	shalt  }
0x74: {  	_ =	shalt  }
0x75: {  	_ =	shalt  }
0x76: {  	_ =	shalt  }
0x77: {  	_ =	shalt  }
0x78: {  	_ =	shalt  }
0x79: {  	_ =	shalt  }
0x7a: {  	_ =	shalt  }
0x7b: {  	_ =	shalt  }
0x7c: {  	_ =	shalt  }
0x7d: {  	_ =	shalt  }
0x7e: {  	_ =	shalt  }
0x7f: {  	_ =	shalt  }
0x80: {  	_ =	shalt  }
0x81: {  	_ =	shalt  }
0x82: {  	_ =	shalt  }
0x83: {  	_ =	shalt  }
0x84: {  	_ =	shalt  }
0x85: {  	_ =	shalt  }
0x86: {  	_ =	shalt  }
0x87: {  	_ =	shalt  }
.Lfunc_end0:
.L_simem_size_0:
called_computation_lowered:
.L_overlay_start_0:
0x88: {  	s2 =	sld [smem:$0x3FD9]  }
0x89: {  	s3 =	sld [smem:$0x3FFE];
	_ =	sdelay $0x1  }
0x8a: {  	s1 =	srdreg.scid  }
0x8b: {  	s0 =	sand.u32 $0x1, s1  }
0x8c: {  	s16 =	sshll.u32 s0, $0xA;
	s2 =	sadd.s32 s3, s2  }
0x8d: {  	s2 =	sadd.s32 s2, s16  }
0x8e: {  	[smem:$0x3FC2] =	sst s2  }
0x8f: {  	_ = 	snop  }
0x90: {  	(tm) =	ssettm $0x1  }
0x91: {  	s17 =	sld [smem:$0x3FFB];
	_ =	sdelay $0x3  }
0x92: {  	_ =	strace s17  }
0x93: {  	s2 =	sld [smem:$0x3FFC];
	_ =	sdelay $0x3  }
0x94: {  	_ =	strace s2  }
0x95: {  	s2 =	sld [smem:$0x3FFD];
	_ =	sdelay $0x3  }
0x96: {  	_ =	strace s2  }
0x97: {  	_ =	strace $0x8FFFFFFF  }
0x98: {  	s18 =	sld [smem:$0x3FDB];
	_ =	sdelay $0x1  }
0x99: {  	s19 =	simm.s32 $_scs_section_size  }
0x9a: {  	s4 =	simm.s32 $_size__tile_overlayer_lowered;
	s5 =	simm.s32 $_tile_overlayer_lowered  }
0x9b: {  	s22 =	simm.s32 $0x1BFF;
	s21 =	sshll.u32 s5, $0x1;
	s2 =	sadd.s32 s19, s18  }
0x9c: {  	s6 =	simm.s32 $0x0;
	s20 =	sshll.u32 s4, $0x1;
	s4 =	sadd.s32 s21, s2  }
0x9d: {  	[timem:s6], [sflag:s22] =	dma.local [hbm:s4], s20  }
0x9e: {  	_ =	swait.ge [sflag:s22], s20  }
0x9f: {  	s3 =	ssub.s32 $0x0, s20;
	[sflag:s22] =	ssyncset.done $0x0  }
0xa0: {  	[sflag:s22] =	ssyncadd.s32 s3;
	_ =	sdelay $0x1  }
0xa1: {  	s23 =	simm.s32 $0x1B8B  }
0xa2: {  	_ =	swait.ge [sflag:s23], $0x1  }
0xa3: {  	[sflag:s23] =	ssyncset.done $0x0  }
0xa4: {  	s25 =	simm.s32 $0x1B8E;
	s24 =	sld [smem:$0x3FFE];
	[sflag:s23] =	ssyncadd.s32 $0xFFFFFFFF  }
0xa5: {  	s26 =	simm.s32 $execute0_lowered;
	[smem:$0x3FD2] =	sst s25  }
0xa6: {  	s4 =	sshll.u32 s26, $0x1;
	_ =	strace $0x80000046;
	[dreg:$0x1] =	wrdreg $0xFFFFFFFF  }
0xa7: {  	s28 =	simm.s32 $_size_execute0_lowered;
	s2 =	sadd.s32 s2, s4;
	[dreg:$0x0] =	wrdreg $0x0  }
0xa8: {  	s4 =	sshll.u32 s28, $0x1;
	[dreg:$0x2] =	wrdreg s2  }
0xa9: {  	[dreg:$0x3] =	wrdreg s4  }
0xaa: {  	[dreg:$0x4] =	wrdreg $0xC0  }
0xab: {  	_ =	task [dreg:s6], $0x5FFFF  }
0xac: {  	[dreg:$0x1] =	wrdreg $0xFFFFFFFF  }
0xad: {  	[dreg:$0x0] =	wrdreg $0x60  }
0xae: {  	[dreg:$0x2] =	wrdreg s24  }
0xaf: {  	[dreg:$0x3] =	wrdreg $0x2A000  }
0xb0: {  	[dreg:$0x4] =	wrdreg $0x9  }
0xb1: {  	_ =	task.clear_ibuf [dreg:s6], $0x5FFFF;
	_ =	strace $0x90000046  }
0xb2: {  	s29 =	simm.s32 $0x9;
	_ =	strace $0x80000048  }
0xb3: {  	_ =	swait.ge [sflag:s29], $0x1  }
0xb4: {  	[sflag:s29] =	ssyncadd.s32 $0xFFFFFFFF  }
0xb5: {  	_ =	strace $0x90000048  }
0xb6: {  	_ =	sfence  }
0xb7: {  	s30 =	sld [smem:$0x0];
	_ =	sdelay $0x2  }
0xb8: {  	s31 =	sshll.u32 s1, $0xD;
	s1 =	sshrl.u32 s1, $0x2  }
0xb9: {  	s3 =	sand.u32 $0x4000, s31;
	s1 =	sadd.s32 s1, s30  }
0xba: {  	s0 =	sor.u32 s3, s0;
	s1 =	sshll.u32 s1, $0x11  }
0xbb: {  	s0 =	sor.u32 s1, s0  }
0xbc: {  	s0 =	sadd.s32 $0x8F2B, s0  }
0xbd: {  	[sflag:s0] =	ssyncadd.remote.s32 $0x1  }
0xbe: {  	_ =	sfence.sel $0xFFFF  }
0xbf: {  	[dreg:$0x0] =	wrdreg $0xFFFFFFFF;
	(pc) =	sbr.abs _section_cstart, $3  }
0xc0: {  	[dreg:$0x1] =	wrdreg $0xFFFFFFFF  }
0xc1: {  	_ =	task.clear_ibuf [dreg:s6], $0x2FFFF;
	_ =	strace $0x9FFFFFFF  }
0xc2: {  	(tm) =	ssettm $0x7FFFFFFF  }
0xc3: {  	_ =	shalt  }
tec
execute0_lowered:
.L_overlay_start_1:
0x0: {  	(tag) =	ssettag $0x1  }
0x1: {  	s1 =	srdreg.scid;
	s0 =	stileid.u32  }
0x2: {  	s17 =	sand.u32 $0x1, s1;
	s24 =	sshll.u32 s0, $0x1  }
0x3: {  	s6 =	rddreg [dreg:$0x0];
	s1 =	sor.u32 s17, s24  }
0x4: {  	s2 =	rddreg [dreg:$0x1];
	s4 =	simm.s32 $0x0;
	s3 =	smul.u32 $0x500, s1  }
0x5: {  	[smem:$0x7FF] =	sst s4  }
0x6: {  	s1 =	rddreg [dreg:$0x2];
	s3 =	sadd.s32 s3, s6  }
0x7: {  	_ =	strace $0x80000047;
	s5 =	sadd.s32 $0x3200, s3;
	s3 =	simm.s32 $0x1  }
0x8: {  	[tilespmem:s4], [sflag:$0x1] =	stream.linear.gather [hbm4b:s5+s4], $0x2800, $0x38;
	[tilespmem:$0x2C80] =	vst v63  }
0x9: {  	_ =	swait.ge [sflag:s3], $0x2800  }
0xa: {  	[sflag:s3] =	ssyncset.done $0x0  }
0xb: {  	v0 =	vimm.f32 $1.000000000e+00;
	[sflag:s3] =	ssyncadd.s32 $0xFFFFD800  }
0xc: {  	[tilespmem:$0x29F0] =	vst v0  }
0xd: {  	[tilespmem:$0x29E0] =	vst v0  }
0xe: {  	[tilespmem:$0x29D0] =	vst v0  }
0xf: {  	[tilespmem:$0x29C0] =	vst v0  }
0x10: {  	[tilespmem:$0x29B0] =	vst v0  }
0x11: {  	[tilespmem:$0x29A0] =	vst v0  }
0x12: {  	[tilespmem:$0x2990] =	vst v0  }
0x13: {  	[tilespmem:$0x2980] =	vst v0  }
0x14: {  	[tilespmem:$0x2970] =	vst v0  }
0x15: {  	[tilespmem:$0x2960] =	vst v0  }
0x16: {  	[tilespmem:$0x2950] =	vst v0  }
0x17: {  	[tilespmem:$0x2940] =	vst v0  }
0x18: {  	[tilespmem:$0x2930] =	vst v0  }
0x19: {  	[tilespmem:$0x2920] =	vst v0  }
0x1a: {  	[tilespmem:$0x2910] =	vst v0  }
0x1b: {  	[tilespmem:$0x2900] =	vst v0  }
0x1c: {  	[tilespmem:$0x28F0] =	vst v0  }
0x1d: {  	[tilespmem:$0x28E0] =	vst v0  }
0x1e: {  	[tilespmem:$0x28D0] =	vst v0  }
0x1f: {  	[tilespmem:$0x28C0] =	vst v0  }
0x20: {  	[tilespmem:$0x28B0] =	vst v0  }
0x21: {  	[tilespmem:$0x28A0] =	vst v0  }
0x22: {  	[tilespmem:$0x2890] =	vst v0  }
0x23: {  	[tilespmem:$0x2880] =	vst v0  }
0x24: {  	[tilespmem:$0x2870] =	vst v0  }
0x25: {  	s7 =	smul.u32 $0x280, s0;
	[tilespmem:$0x2860] =	vst v0  }
0x26: {  	s8 =	smul.u32 $0x2800, s17;
	[tilespmem:$0x2850] =	vst v0  }
0x27: {  	[tilespmem:$0x2840] =	vst v0  }
0x28: {  	s8 =	sadd.s32 s7, s8;
	[tilespmem:$0x2830] =	vst v0  }
0x29: {  	s8 =	sshrl.u32 s8, $0x3;
	[tilespmem:$0x2820] =	vst v0  }
0x2a: {  	s25 =	sshll.u32 s0, $0x6;
	s7 =	sadd.s32 s7, s2;
	s22 =	sadd.s32 s8, s6;
	[tilespmem:$0x2800] =	vst v0  }
0x2b: {  	s7 =	sshrl.u32 s7, $0x3;
	s6 =	sor.u32 $0x1C01, s25;
	s10 =	sadd.s32 $0x2800, s22;
	[tilespmem:$0x2810] =	vst v0  }
0x2c: {  	[spmem:s7], [sflag:s6] =	dma.local [hbm:s10], $0x50  }
0x2d: {  	_ =	swait.ge [sflag:s3], $0x50  }
0x2e: {  	[sflag:s3] =	ssyncset.done $0x0  }
0x2f: {  	[sflag:s3] =	ssyncadd.s32 $0xFFFFFFB0  }
0x30: {  	s9 =	simm.s32 $0x2800;
	s8 =	simm.s32 $0x200;
	[bflag:$0x0] =	sbarrier.arrive $0xFFFF  }
0x31: {  	[spmem:s2] =	stream.indirect.scatter.add.f32 [tilespmem:s9], [sflag:$0x1], $0x1, s4, s8, $0xb8;
	[tilespmem:$0x2C80] =	vst v63  }
0x32: {  	_ =	swait.ge [sflag:s3], $0x200  }
0x33: {  	[sflag:s3] =	ssyncset.done $0x0  }
0x34: {  	[sflag:s3] =	ssyncadd.s32 $0xFFFFFE00  }
0x35: {  	[spmem:s2] =	stream.indirect.scatter.add.f32 [tilespmem:s9], [sflag:$0x1], $0x1, s8, s8, $0xb8;
	[tilespmem:$0x2C80] =	vst v63  }
0x36: {  	_ =	swait.ge [sflag:s3], $0x200  }
0x37: {  	[sflag:s3] =	ssyncset.done $0x0  }
0x38: {  	s11 =	simm.s32 $0x400;
	[sflag:s3] =	ssyncadd.s32 $0xFFFFFE00  }
0x39: {  	[spmem:s2] =	stream.indirect.scatter.add.f32 [tilespmem:s9], [sflag:$0x1], $0x1, s11, s8, $0xb8;
	[tilespmem:$0x2C80] =	vst v63  }
0x3a: {  	_ =	swait.ge [sflag:s3], $0x200  }
0x3b: {  	[sflag:s3] =	ssyncset.done $0x0  }
0x3c: {  	s12 =	simm.s32 $0x600;
	[sflag:s3] =	ssyncadd.s32 $0xFFFFFE00  }
0x3d: {  	[spmem:s2] =	stream.indirect.scatter.add.f32 [tilespmem:s9], [sflag:$0x1], $0x1, s12, s8, $0xb8;
	[tilespmem:$0x2C80] =	vst v63  }
0x3e: {  	_ =	swait.ge [sflag:s3], $0x200  }
0x3f: {  	[sflag:s3] =	ssyncset.done $0x0  }
0x40: {  	s13 =	simm.s32 $0x800;
	[sflag:s3] =	ssyncadd.s32 $0xFFFFFE00  }
0x41: {  	[spmem:s2] =	stream.indirect.scatter.add.f32 [tilespmem:s9], [sflag:$0x1], $0x1, s13, s8, $0xb8;
	[tilespmem:$0x2C80] =	vst v63  }
0x42: {  	_ =	swait.ge [sflag:s3], $0x200  }
0x43: {  	[sflag:s3] =	ssyncset.done $0x0  }
0x44: {  	s14 =	simm.s32 $0xA00;
	[sflag:s3] =	ssyncadd.s32 $0xFFFFFE00  }
0x45: {  	[spmem:s2] =	stream.indirect.scatter.add.f32 [tilespmem:s9], [sflag:$0x1], $0x1, s14, s8, $0xb8;
	[tilespmem:$0x2C80] =	vst v63  }
0x46: {  	_ =	swait.ge [sflag:s3], $0x200  }
0x47: {  	[sflag:s3] =	ssyncset.done $0x0  }
0x48: {  	s15 =	simm.s32 $0xC00;
	[sflag:s3] =	ssyncadd.s32 $0xFFFFFE00  }
0x49: {  	[spmem:s2] =	stream.indirect.scatter.add.f32 [tilespmem:s9], [sflag:$0x1], $0x1, s15, s8, $0xb8;
	[tilespmem:$0x2C80] =	vst v63  }
0x4a: {  	_ =	swait.ge [sflag:s3], $0x200  }
0x4b: {  	[sflag:s3] =	ssyncset.done $0x0  }
0x4c: {  	s16 =	simm.s32 $0xE00;
	[sflag:s3] =	ssyncadd.s32 $0xFFFFFE00  }
0x4d: {  	[spmem:s2] =	stream.indirect.scatter.add.f32 [tilespmem:s9], [sflag:$0x1], $0x1, s16, s8, $0xb8;
	[tilespmem:$0x2C80] =	vst v63  }
0x4e: {  	_ =	swait.ge [sflag:s3], $0x200  }
0x4f: {  	[sflag:s3] =	ssyncset.done $0x0  }
0x50: {  	s18 =	simm.s32 $0x1000;
	[sflag:s3] =	ssyncadd.s32 $0xFFFFFE00  }
0x51: {  	[spmem:s2] =	stream.indirect.scatter.add.f32 [tilespmem:s9], [sflag:$0x1], $0x1, s18, s8, $0xb8;
	[tilespmem:$0x2C80] =	vst v63  }
0x52: {  	_ =	swait.ge [sflag:s3], $0x200  }
0x53: {  	[sflag:s3] =	ssyncset.done $0x0  }
0x54: {  	s19 =	simm.s32 $0x1200;
	[sflag:s3] =	ssyncadd.s32 $0xFFFFFE00  }
0x55: {  	[spmem:s2] =	stream.indirect.scatter.add.f32 [tilespmem:s9], [sflag:$0x1], $0x1, s19, s8, $0xb8;
	[tilespmem:$0x2C80] =	vst v63  }
0x56: {  	_ =	swait.ge [sflag:s3], $0x200  }
0x57: {  	[sflag:s3] =	ssyncset.done $0x0  }
0x58: {  	s20 =	simm.s32 $0x1400;
	[sflag:s3] =	ssyncadd.s32 $0xFFFFFE00  }
0x59: {  	[spmem:s2] =	stream.indirect.scatter.add.f32 [tilespmem:s9], [sflag:$0x1], $0x1, s20, s8, $0xb8;
	[tilespmem:$0x2C80] =	vst v63  }
0x5a: {  	_ =	swait.ge [sflag:s3], $0x200  }
0x5b: {  	s17 =	ssub.s32 $0x2, s17;
	[sflag:s3] =	ssyncset.done $0x0  }
0x5c: {  	s21 =	simm.s32 $0x1600;
	s23 =	sshrl.u32 s17, $0x1;
	[sflag:s3] =	ssyncadd.s32 $0xFFFFFE00  }
0x5d: {  	[spmem:s2] =	stream.indirect.scatter.add.f32 [tilespmem:s9], [sflag:$0x1], $0x1, s21, s8, $0xb8;
	[tilespmem:$0x2C80] =	vst v63  }
0x5e: {  	s23 =	ssub.s32 s17, s23;
	_ =	swait.ge [sflag:s3], $0x200  }
0x5f: {  	s30 =	simm.s32 $0x1A00;
	s26 =	smax.u32 s23, $0x1;
	[sflag:s3] =	ssyncset.done $0x0  }
0x60: {  	s25 =	simm.s32 $0x1800;
	p0 =	sne.s32 s26, $0x1;
	[sflag:s3] =	ssyncadd.s32 $0xFFFFFE00  }
0x61: {  	[spmem:s2] =	stream.indirect.scatter.add.f32 [tilespmem:s9], [sflag:$0x1], $0x1, s25, s8, $0xb8;
	[tilespmem:$0x2C80] =	vst v63  }
.Ltmp0:
0x62: {  	s28 =	simm.s32 $0x1C00;
	s29 =	simm.s32 $0x1E00;
	(pc) =	sbr.rel @!p0 .LBB2_2-.Ltmp0, $4  }
0x63: {  	s24 =	simm.s32 $0x2200;
	s23 =	simm.s32 $0x2400;
	_ =	swait.ge [sflag:s3], $0x200  }
0x64: {  	s31 =	sadd.s32 $0xFFFFFFFF, s26;
	s26 =	simm.s32 $0x2000;
	[sflag:s3] =	ssyncset.done $0x0  }
0x65: {  	s17 =	sadd.s32 $0xD200, s22;
	s22 =	simm.s32 $0x2600;
	[sflag:s3] =	ssyncadd.s32 $0xFFFFFE00  }
0x66: {  	[spmem:s2] =	stream.indirect.scatter.add.f32 [tilespmem:s9], [sflag:$0x1], $0x1, s30, s8, $0xb8;
	[tilespmem:$0x2C80] =	vst v63  }
.LBB2_1:
0x67: {  	p0 =	sne.s32 s31, $0x1;
	s31 =	sadd.s32 $0xFFFFFFFF, s31;
	_ =	swait.ge [sflag:s3], $0x200  }
0x68: {  	[sflag:s3] =	ssyncset.done $0x0  }
0x69: {  	[sflag:s3] =	ssyncadd.s32 $0xFFFFFE00  }
0x6a: {  	[spmem:s2] =	stream.indirect.scatter.add.f32 [tilespmem:s9], [sflag:$0x1], $0x1, s28, s8, $0xb8;
	[tilespmem:$0x2C80] =	vst v63  }
0x6b: {  	_ =	swait.ge [sflag:s3], $0x200  }
0x6c: {  	[sflag:s3] =	ssyncset.done $0x0  }
0x6d: {  	[sflag:s3] =	ssyncadd.s32 $0xFFFFFE00  }
0x6e: {  	[spmem:s2] =	stream.indirect.scatter.add.f32 [tilespmem:s9], [sflag:$0x1], $0x1, s29, s8, $0xb8;
	[tilespmem:$0x2C80] =	vst v63  }
0x6f: {  	_ =	swait.ge [sflag:s3], $0x200  }
0x70: {  	[sflag:s3] =	ssyncset.done $0x0  }
0x71: {  	[sflag:s3] =	ssyncadd.s32 $0xFFFFFE00  }
0x72: {  	[spmem:s2] =	stream.indirect.scatter.add.f32 [tilespmem:s9], [sflag:$0x1], $0x1, s26, s8, $0xb8;
	[tilespmem:$0x2C80] =	vst v63  }
0x73: {  	_ =	swait.ge [sflag:s3], $0x200  }
0x74: {  	[sflag:s3] =	ssyncset.done $0x0  }
0x75: {  	[sflag:s3] =	ssyncadd.s32 $0xFFFFFE00  }
0x76: {  	[spmem:s2] =	stream.indirect.scatter.add.f32 [tilespmem:s9], [sflag:$0x1], $0x1, s24, s8, $0xb8;
	[tilespmem:$0x2C80] =	vst v63  }
0x77: {  	_ =	swait.ge [sflag:s3], $0x200  }
0x78: {  	[sflag:s3] =	ssyncset.done $0x0  }
0x79: {  	[sflag:s3] =	ssyncadd.s32 $0xFFFFFE00  }
0x7a: {  	[spmem:s2] =	stream.indirect.scatter.add.f32 [tilespmem:s9], [sflag:$0x1], $0x1, s23, s8, $0xb8;
	[tilespmem:$0x2C80] =	vst v63  }
0x7b: {  	_ =	swait.ge [sflag:s3], $0x200  }
0x7c: {  	[sflag:s3] =	ssyncset.done $0x0  }
0x7d: {  	[sflag:s3] =	ssyncadd.s32 $0xFFFFFE00  }
0x7e: {  	[spmem:s2] =	stream.indirect.scatter.add.f32 [tilespmem:s9], [sflag:$0x1], $0x1, s22, s8, $0xb8;
	[tilespmem:$0x2C80] =	vst v63  }
0x7f: {  	_ =	swait.ge [sflag:s3], $0x200  }
0x80: {  	[sflag:s3] =	ssyncset.done $0x0  }
0x81: {  	[sflag:s3] =	ssyncadd.s32 $0xFFFFFE00  }
0x82: {  	[bflag:$0x0] =	sbarrier.arrive $0xFFFF  }
0x83: {  	[hbm:s17], [sflag:s6] =	dma.local [spmem:s7], $0x50  }
0x84: {  	_ =	swait.ge [sflag:s3], $0x50  }
0x85: {  	[sflag:s3] =	ssyncset.done $0x0  }
0x86: {  	[sflag:s3] =	ssyncadd.s32 $0xFFFFFFB0  }
0x87: {  	[tilespmem:s4], [sflag:$0x1] =	stream.linear.gather [hbm4b:s5+s4], $0x2800, $0x38;
	[tilespmem:$0x2C80] =	vst v63  }
0x88: {  	_ =	swait.ge [sflag:s3], $0x2800  }
0x89: {  	[sflag:s3] =	ssyncset.done $0x0  }
0x8a: {  	[sflag:s3] =	ssyncadd.s32 $0xFFFFD800  }
0x8b: {  	[tilespmem:$0x29F0] =	vst v0  }
0x8c: {  	[tilespmem:$0x29E0] =	vst v0  }
0x8d: {  	[tilespmem:$0x29D0] =	vst v0  }
0x8e: {  	[tilespmem:$0x29C0] =	vst v0  }
0x8f: {  	[tilespmem:$0x29B0] =	vst v0  }
0x90: {  	[tilespmem:$0x29A0] =	vst v0  }
0x91: {  	[tilespmem:$0x2990] =	vst v0  }
0x92: {  	[tilespmem:$0x2980] =	vst v0  }
0x93: {  	[tilespmem:$0x2970] =	vst v0  }
0x94: {  	[tilespmem:$0x2960] =	vst v0  }
0x95: {  	[tilespmem:$0x2950] =	vst v0  }
0x96: {  	[tilespmem:$0x2940] =	vst v0  }
0x97: {  	[tilespmem:$0x2930] =	vst v0  }
0x98: {  	[tilespmem:$0x2920] =	vst v0  }
0x99: {  	[tilespmem:$0x2910] =	vst v0  }
0x9a: {  	[tilespmem:$0x2900] =	vst v0  }
0x9b: {  	[tilespmem:$0x28F0] =	vst v0  }
0x9c: {  	[tilespmem:$0x28E0] =	vst v0  }
0x9d: {  	[tilespmem:$0x28D0] =	vst v0  }
0x9e: {  	[tilespmem:$0x28C0] =	vst v0  }
0x9f: {  	[tilespmem:$0x28B0] =	vst v0  }
0xa0: {  	[tilespmem:$0x28A0] =	vst v0  }
0xa1: {  	[tilespmem:$0x2890] =	vst v0  }
0xa2: {  	[tilespmem:$0x2880] =	vst v0  }
0xa3: {  	[tilespmem:$0x2870] =	vst v0  }
0xa4: {  	[tilespmem:$0x2860] =	vst v0  }
0xa5: {  	[tilespmem:$0x2850] =	vst v0  }
0xa6: {  	[tilespmem:$0x2840] =	vst v0  }
0xa7: {  	[tilespmem:$0x2830] =	vst v0  }
0xa8: {  	[tilespmem:$0x2820] =	vst v0  }
0xa9: {  	[tilespmem:$0x2800] =	vst v0  }
0xaa: {  	[tilespmem:$0x2810] =	vst v0  }
0xab: {  	[spmem:s7], [sflag:s6] =	dma.local [hbm:s10], $0x50  }
0xac: {  	_ =	swait.ge [sflag:s3], $0x50  }
0xad: {  	[sflag:s3] =	ssyncset.done $0x0  }
0xae: {  	[sflag:s3] =	ssyncadd.s32 $0xFFFFFFB0  }
0xaf: {  	[bflag:$0x0] =	sbarrier.arrive $0xFFFF  }
0xb0: {  	[spmem:s2] =	stream.indirect.scatter.add.f32 [tilespmem:s9], [sflag:$0x1], $0x1, s4, s8, $0xb8;
	[tilespmem:$0x2C80] =	vst v63  }
0xb1: {  	_ =	swait.ge [sflag:s3], $0x200  }
0xb2: {  	[sflag:s3] =	ssyncset.done $0x0  }
0xb3: {  	[sflag:s3] =	ssyncadd.s32 $0xFFFFFE00  }
0xb4: {  	[spmem:s2] =	stream.indirect.scatter.add.f32 [tilespmem:s9], [sflag:$0x1], $0x1, s8, s8, $0xb8;
	[tilespmem:$0x2C80] =	vst v63  }
0xb5: {  	_ =	swait.ge [sflag:s3], $0x200  }
0xb6: {  	[sflag:s3] =	ssyncset.done $0x0  }
0xb7: {  	[sflag:s3] =	ssyncadd.s32 $0xFFFFFE00  }
0xb8: {  	[spmem:s2] =	stream.indirect.scatter.add.f32 [tilespmem:s9], [sflag:$0x1], $0x1, s11, s8, $0xb8;
	[tilespmem:$0x2C80] =	vst v63  }
0xb9: {  	_ =	swait.ge [sflag:s3], $0x200  }
0xba: {  	[sflag:s3] =	ssyncset.done $0x0  }
0xbb: {  	[sflag:s3] =	ssyncadd.s32 $0xFFFFFE00  }
0xbc: {  	[spmem:s2] =	stream.indirect.scatter.add.f32 [tilespmem:s9], [sflag:$0x1], $0x1, s12, s8, $0xb8;
	[tilespmem:$0x2C80] =	vst v63  }
0xbd: {  	_ =	swait.ge [sflag:s3], $0x200  }
0xbe: {  	[sflag:s3] =	ssyncset.done $0x0  }
0xbf: {  	[sflag:s3] =	ssyncadd.s32 $0xFFFFFE00  }
0xc0: {  	[spmem:s2] =	stream.indirect.scatter.add.f32 [tilespmem:s9], [sflag:$0x1], $0x1, s13, s8, $0xb8;
	[tilespmem:$0x2C80] =	vst v63  }
0xc1: {  	_ =	swait.ge [sflag:s3], $0x200  }
0xc2: {  	[sflag:s3] =	ssyncset.done $0x0  }
0xc3: {  	[sflag:s3] =	ssyncadd.s32 $0xFFFFFE00  }
0xc4: {  	[spmem:s2] =	stream.indirect.scatter.add.f32 [tilespmem:s9], [sflag:$0x1], $0x1, s14, s8, $0xb8;
	[tilespmem:$0x2C80] =	vst v63  }
0xc5: {  	_ =	swait.ge [sflag:s3], $0x200  }
0xc6: {  	[sflag:s3] =	ssyncset.done $0x0  }
0xc7: {  	[sflag:s3] =	ssyncadd.s32 $0xFFFFFE00  }
0xc8: {  	[spmem:s2] =	stream.indirect.scatter.add.f32 [tilespmem:s9], [sflag:$0x1], $0x1, s15, s8, $0xb8;
	[tilespmem:$0x2C80] =	vst v63  }
0xc9: {  	_ =	swait.ge [sflag:s3], $0x200  }
0xca: {  	[sflag:s3] =	ssyncset.done $0x0  }
0xcb: {  	[sflag:s3] =	ssyncadd.s32 $0xFFFFFE00  }
0xcc: {  	[spmem:s2] =	stream.indirect.scatter.add.f32 [tilespmem:s9], [sflag:$0x1], $0x1, s16, s8, $0xb8;
	[tilespmem:$0x2C80] =	vst v63  }
0xcd: {  	_ =	swait.ge [sflag:s3], $0x200  }
0xce: {  	[sflag:s3] =	ssyncset.done $0x0  }
0xcf: {  	[sflag:s3] =	ssyncadd.s32 $0xFFFFFE00  }
0xd0: {  	[spmem:s2] =	stream.indirect.scatter.add.f32 [tilespmem:s9], [sflag:$0x1], $0x1, s18, s8, $0xb8;
	[tilespmem:$0x2C80] =	vst v63  }
0xd1: {  	_ =	swait.ge [sflag:s3], $0x200  }
0xd2: {  	[sflag:s3] =	ssyncset.done $0x0  }
0xd3: {  	[sflag:s3] =	ssyncadd.s32 $0xFFFFFE00  }
0xd4: {  	[spmem:s2] =	stream.indirect.scatter.add.f32 [tilespmem:s9], [sflag:$0x1], $0x1, s19, s8, $0xb8;
	[tilespmem:$0x2C80] =	vst v63  }
0xd5: {  	_ =	swait.ge [sflag:s3], $0x200  }
0xd6: {  	[sflag:s3] =	ssyncset.done $0x0  }
0xd7: {  	[sflag:s3] =	ssyncadd.s32 $0xFFFFFE00  }
0xd8: {  	[spmem:s2] =	stream.indirect.scatter.add.f32 [tilespmem:s9], [sflag:$0x1], $0x1, s20, s8, $0xb8;
	[tilespmem:$0x2C80] =	vst v63  }
0xd9: {  	_ =	swait.ge [sflag:s3], $0x200  }
0xda: {  	[sflag:s3] =	ssyncset.done $0x0  }
0xdb: {  	[sflag:s3] =	ssyncadd.s32 $0xFFFFFE00  }
0xdc: {  	[spmem:s2] =	stream.indirect.scatter.add.f32 [tilespmem:s9], [sflag:$0x1], $0x1, s21, s8, $0xb8;
	[tilespmem:$0x2C80] =	vst v63  }
0xdd: {  	_ =	swait.ge [sflag:s3], $0x200  }
0xde: {  	[sflag:s3] =	ssyncset.done $0x0  }
0xdf: {  	[sflag:s3] =	ssyncadd.s32 $0xFFFFFE00  }
0xe0: {  	[spmem:s2] =	stream.indirect.scatter.add.f32 [tilespmem:s9], [sflag:$0x1], $0x1, s25, s8, $0xb8;
	[tilespmem:$0x2C80] =	vst v63  }
.Ltmp1:
0xe1: {  	_ = 	snop;
	(pc) =	sbr.rel @p0 .LBB2_1-.Ltmp1, $4  }
0xe2: {  	_ =	swait.ge [sflag:s3], $0x200  }
0xe3: {  	[sflag:s3] =	ssyncset.done $0x0  }
0xe4: {  	[sflag:s3] =	ssyncadd.s32 $0xFFFFFE00  }
0xe5: {  	[spmem:s2] =	stream.indirect.scatter.add.f32 [tilespmem:s9], [sflag:$0x1], $0x1, s30, s8, $0xb8;
	[tilespmem:$0x2C80] =	vst v63  }
.LBB2_2:
0xe6: {  	_ =	swait.ge [sflag:s3], $0x200  }
0xe7: {  	[sflag:s3] =	ssyncset.done $0x0  }
0xe8: {  	[sflag:s3] =	ssyncadd.s32 $0xFFFFFE00  }
0xe9: {  	[spmem:s2] =	stream.indirect.scatter.add.f32 [tilespmem:s9], [sflag:$0x1], $0x1, s28, s8, $0xb8;
	[tilespmem:$0x2C80] =	vst v63  }
0xea: {  	_ =	swait.ge [sflag:s3], $0x200  }
0xeb: {  	[sflag:s3] =	ssyncset.done $0x0  }
0xec: {  	[sflag:s3] =	ssyncadd.s32 $0xFFFFFE00  }
0xed: {  	[spmem:s2] =	stream.indirect.scatter.add.f32 [tilespmem:s9], [sflag:$0x1], $0x1, s29, s8, $0xb8;
	[tilespmem:$0x2C80] =	vst v63  }
0xee: {  	_ =	swait.ge [sflag:s3], $0x200  }
0xef: {  	[sflag:s3] =	ssyncset.done $0x0  }
0xf0: {  	[sflag:s3] =	ssyncadd.s32 $0xFFFFFE00  }
0xf1: {  	[spmem:s2] =	stream.indirect.scatter.add.f32 [tilespmem:s9], [sflag:$0x1], $0x1, s26, s8, $0xb8;
	[tilespmem:$0x2C80] =	vst v63  }
0xf2: {  	_ =	swait.ge [sflag:s3], $0x200  }
0xf3: {  	[sflag:s3] =	ssyncset.done $0x0  }
0xf4: {  	[sflag:s3] =	ssyncadd.s32 $0xFFFFFE00  }
0xf5: {  	[spmem:s2] =	stream.indirect.scatter.add.f32 [tilespmem:s9], [sflag:$0x1], $0x1, s24, s8, $0xb8;
	[tilespmem:$0x2C80] =	vst v63  }
0xf6: {  	_ =	swait.ge [sflag:s3], $0x200  }
0xf7: {  	[sflag:s3] =	ssyncset.done $0x0  }
0xf8: {  	[sflag:s3] =	ssyncadd.s32 $0xFFFFFE00  }
0xf9: {  	[spmem:s2] =	stream.indirect.scatter.add.f32 [tilespmem:s9], [sflag:$0x1], $0x1, s23, s8, $0xb8;
	[tilespmem:$0x2C80] =	vst v63  }
0xfa: {  	_ =	swait.ge [sflag:s3], $0x200  }
0xfb: {  	[sflag:s3] =	ssyncset.done $0x0  }
0xfc: {  	[sflag:s3] =	ssyncadd.s32 $0xFFFFFE00  }
0xfd: {  	[spmem:s2] =	stream.indirect.scatter.add.f32 [tilespmem:s9], [sflag:$0x1], $0x1, s22, s8, $0xb8;
	[tilespmem:$0x2C80] =	vst v63  }
0xfe: {  	_ =	swait.ge [sflag:s3], $0x200  }
0xff: {  	[sflag:s3] =	ssyncset.done $0x0  }
0x100: {  	[sflag:s3] =	ssyncadd.s32 $0xFFFFFE00  }
0x101: {  	[bflag:$0x0] =	sbarrier.arrive $0xFFFF  }
0x102: {  	[hbm:s17], [sflag:s6] =	dma.local [spmem:s7], $0x50  }
0x103: {  	_ =	swait.ge [sflag:s3], $0x50  }
0x104: {  	[sflag:s3] =	ssyncset.done $0x0  }
0x105: {  	[sflag:s3] =	ssyncadd.s32 $0xFFFFFFB0  }
0x106: {  	_ =	sfence.sel $0x180000  }
0x107: {  	[bflag:$0x0] =	sbarrier.arrive $0xFFFF  }
0x108: {  	p0 =	sne.s32 s0, $0x0;
	_ =	strace $0x90000047  }
0x109: {  	s0 =	sadd.s32 @!p0 $0x100000, s1;
	[bflag:$0x2] =	sbarrier.arrive $0xFFFF  }
0x10a: {  	[sflag:s0] =	ssyncadd.tile.s32 @!p0 $0x1;
	_ =	shalt  }
.Lfunc_end2:
_tile_overlayer_lowered:
.L_overlay_start_2:
0x10b: {  	(tag) =	ssettag $0x2  }
0x10c: {  	s0 =	rddreg [dreg:$0x0];
	s2 =	stileid.u32  }
0x10d: {  	s1 =	rddreg [dreg:$0x1];
	p0 =	sne.s32 s2, $0x0  }
0x10e: {  	s3 =	rddreg [dreg:$0x2];
	[bflag:$0x3] =	sbarrier.arrive $0xFFFF;
	s2 =	simm.s32 @!p0 $0x1C01  }
0x10f: {  	[timem:s3], [sflag:s2] =	dma.local @!p0 [hbm:s0], s1  }
0x110: {  	s0 =	simm.s32 @!p0 $0x1  }
0x111: {  	_ =	swait.ge @!p0 [sflag:s0], s1  }
0x112: {  	s1 =	ssub.s32 @!p0 $0x0, s1;
	[sflag:s0] =	ssyncset.done @!p0 $0x0  }
0x113: {  	[sflag:s0] =	ssyncadd.s32 @!p0 s1  }
0x114: {  	[bflag:$0x3] =	sbarrier.arrive $0xFFFF  }
0x115: {  	_ =	shalt  }

</sc_bundles>
